<compile_context>
chip_gen: v7x
topology: tpu7x:2x2x1
jax: 0.10.2.dev20260603
libtpu: 0.0.44.dev20260713+nightly
codegen_flags: <defaults>
</compile_context>

<pallas_src>
import functools

import jax
import jax.numpy as jnp
from jax import lax
from jax.experimental import pallas as pl
from jax.experimental.pallas import tpu as pltpu
from jax.experimental.pallas import tpu_sc as plsc

_NODE = 1000000
_EMB = 64
_BATCH = 16384
_G = 16
_RING = 8
_LANES = 16
_BW = 128


@jax.jit
def _lookup(inputs, table_t):
    info = plsc.get_sparse_core_info()
    num_cores, num_subcores = info.num_cores, info.num_subcores
    num_workers = num_cores * num_subcores
    bpw = _BATCH // num_workers
    n_groups = bpw // _G

    mesh = plsc.VectorSubcoreMesh(core_axis_name="c", subcore_axis_name="s")

    @functools.partial(
        pl.kernel,
        mesh=mesh,
        out_type=jax.ShapeDtypeStruct((_EMB, _BATCH), jnp.float32),
        scratch_types=[
            pltpu.VMEM((bpw,), jnp.int32),
            pltpu.VMEM((_RING, _EMB, _BW), jnp.float32),
            pltpu.VMEM((_EMB, bpw // 2), jnp.float32),
            pltpu.SemaphoreType.DMA((_RING,)),
            pltpu.SemaphoreType.DMA,
        ],
        compiler_params=pltpu.CompilerParams(needs_layout_passes=False),
    )
    def k(idx_hbm, table_hbm, out_hbm, idx_v, ring_v, rows_v, sems, isem):
        wid = lax.axis_index("s") * num_cores + lax.axis_index("c")
        base = wid * bpw
        pltpu.make_async_copy(
            idx_hbm.at[pl.ds(base, bpw)], idx_v, isem
        ).start()
        pltpu.make_async_copy(
            idx_hbm.at[pl.ds(base, bpw)], idx_v, isem
        ).wait()

        f_vecs = [lax.iota(jnp.int32, _LANES) + q * _LANES
                  for q in range(_EMB // _LANES)]

        def fetch(n, slot):
            c0 = pl.multiple_of((n // _BW) * _BW, _BW)
            pltpu.make_async_copy(
                table_hbm.at[:, pl.ds(c0, _BW)],
                ring_v.at[slot],
                sems.at[slot],
            ).start()

        def drain(slot):
            pltpu.make_async_copy(
                table_hbm.at[:, pl.ds(0, _BW)],
                ring_v.at[slot],
                sems.at[slot],
            ).wait()

        def extract(n, j, slot):
            lane_vec = jnp.full((_LANES,), n & (_BW - 1), jnp.int32)
            col_vec = jnp.full((_LANES,), j & (bpw // 2 - 1), jnp.int32)
            for q, f_vec in enumerate(f_vecs):
                v = plsc.load_gather(ring_v.at[slot], [f_vec, lane_vec])
                plsc.store_scatter(rows_v, [f_vec, col_vec], v)

        vec0 = idx_v[pl.ds(0, _G)]
        for i in range(_RING):
            fetch(vec0[i], i)

        def body(g, carry):
            jbase = g * _G
            vec = idx_v[pl.ds(jbase, _G)]
            for i in range(_RING):
                drain(i)
                extract(vec[i], jbase + i, i)
                fetch(vec[_RING + i], i)
            for i in range(_RING):
                drain(i)
                extract(vec[_RING + i], jbase + _RING + i, i)

            @pl.when(g + 1 < n_groups)
            def _():
                nvec = idx_v[pl.ds(jbase + _G, _G)]
                for i in range(_RING):
                    fetch(nvec[i], i)

            @pl.when(g == n_groups // 2 - 1)
            def _():
                pltpu.sync_copy(rows_v, out_hbm.at[:, pl.ds(base, bpw // 2)])

            return carry

        lax.fori_loop(0, n_groups, body, 0)
        pltpu.sync_copy(
            rows_v, out_hbm.at[:, pl.ds(base + bpw // 2, bpw // 2)])

    return k(inputs, table_t).T


def kernel(inputs, embedding):
    return _lookup(inputs.astype(jnp.int32), embedding.T)

# --- scband reference (transcript-rebuilt; emitter-appended) ---
"""Pipeline reference for scband-line-14903536517999 (READ-ONLY COPY).

The authoritative reference and input builder live on the scoring server;
editing this copy changes nothing except your own understanding.
"""

import jax, jax.numpy as jnp
import numpy as np

NODE_SIZE = 1000000
EMBED_SIZE = 64
BATCH = 16384

def setup_inputs(seed: int = 0) -> dict:
    key = jax.random.key(seed)
    k_idx, k_emb = jax.random.split(key)
    inputs = jax.random.randint(k_idx, (BATCH,), 0, NODE_SIZE, dtype=jnp.int64) if jax.config.jax_enable_x64 else jax.random.randint(k_idx, (BATCH,), 0, NODE_SIZE, dtype=jnp.int32)
    # HeUniform init for embedding table: limit = sqrt(6 / fan_in), fan_in = node_size
    limit = np.sqrt(6.0 / NODE_SIZE)
    embedding = jax.random.uniform(k_emb, (NODE_SIZE, EMBED_SIZE), dtype=jnp.float32, minval=-limit, maxval=limit)
    return {"inputs": inputs, "embedding": embedding}

def reference(inputs, embedding):
    # Faithful translation of _LINE.call: tf.squeeze(tf.nn.embedding_lookup(self.embedding, inputs))
    embed = jnp.take(embedding, inputs, axis=0)
    embed = jnp.squeeze(embed)
    return embed

if __name__ == "__main__":
    import jax
    _d = setup_inputs()
    print(jax.jit(kernel)(*tuple(_d.values())))

</pallas_src>

<mosaic_0001>
#map = affine_map<(d0, d1) -> (0)>
#map1 = affine_map<(d0, d1) -> (0, 0)>
module attributes {stable_mosaic.version = 14 : i64} {
  func.func @k(%arg0: i32, %arg1: i32, %arg2: memref<16384xi32, #tpu.memory_space<hbm>>, %arg3: memref<64x1000000xf32, #tpu.memory_space<hbm>>, %arg4: memref<64x16384xf32, #tpu.memory_space<hbm>>, %arg5: memref<512xi32, #tpu.memory_space<vmem>>, %arg6: memref<8x64x128xf32, #tpu.memory_space<vmem>>, %arg7: memref<64x256xf32, #tpu.memory_space<vmem>>, %arg8: memref<8x!tpu.dma_semaphore, #tpu.memory_space<semaphore_mem>>, %arg9: memref<!tpu.dma_semaphore, #tpu.memory_space<semaphore_mem>>) attributes {dimension_semantics = [#tpu.dimension_semantics<core_parallel>, #tpu.dimension_semantics<subcore_parallel>], iteration_bounds = array<i64: 2, 16>, scalar_prefetch = 0 : i64, scratch_operands = 5 : i64, tpu.core_type = #tpu.core_type<sc_vector_subcore>, window_params = [{transform_indices = #map}, {transform_indices = #map1}, {transform_indices = #map1}]} {
    %mul3A = arith.constant 2 : i32
    %mul3A_0 = arith.muli %arg1, %mul3A : i32
    %add3A = arith.addi %mul3A_0, %arg0 : i32
    %mul3A_1 = arith.constant 512 : i32
    %mul3A_2 = arith.muli %add3A, %mul3A_1 : i32
    %dma_start3A = tpu.memref_slice %arg2[%mul3A_2] : memref<16384xi32, #tpu.memory_space<hbm>> -> memref<512xi32, #tpu.memory_space<hbm>>
    %dma_start3A_3 = tpu.memref_slice %arg2[%mul3A_2] : memref<16384xi32, #tpu.memory_space<hbm>> -> memref<512xi32, #tpu.memory_space<hbm>>
    tpu.enqueue_dma source(%dma_start3A_3 : memref<512xi32, #tpu.memory_space<hbm>>) target(%arg5 : memref<512xi32, #tpu.memory_space<vmem>>) target_semaphore(%arg9 : memref<!tpu.dma_semaphore, #tpu.memory_space<semaphore_mem>>)
    %dma_wait3A = tpu.memref_slice %arg2[%mul3A_2] : memref<16384xi32, #tpu.memory_space<hbm>> -> memref<512xi32, #tpu.memory_space<hbm>>
    %dma_wait3A_4 = tpu.memref_slice %arg2[%mul3A_2] : memref<16384xi32, #tpu.memory_space<hbm>> -> memref<512xi32, #tpu.memory_space<hbm>>
    tpu.wait_dma2 semaphore(%arg9 : memref<!tpu.dma_semaphore, #tpu.memory_space<semaphore_mem>>) src(%dma_wait3A_4 : memref<512xi32, #tpu.memory_space<hbm>>) dst(%arg5 : memref<512xi32, #tpu.memory_space<vmem>>)
    %iota3A = tpu.iota {dimensions = array<i32: 0>} : vector<16xi32>
    %add3A_5 = arith.constant 0 : i32
    %add3A_6 = vector.broadcast %add3A_5 : i32 to vector<16xi32>
    %add3A_7 = arith.addi %iota3A, %add3A_6 : vector<16xi32>
    %iota3A_8 = tpu.iota {dimensions = array<i32: 0>} : vector<16xi32>
    %add3A_9 = arith.constant 16 : i32
    %add3A_10 = vector.broadcast %add3A_9 : i32 to vector<16xi32>
    %add3A_11 = arith.addi %iota3A_8, %add3A_10 : vector<16xi32>
    %iota3A_12 = tpu.iota {dimensions = array<i32: 0>} : vector<16xi32>
    %add3A_13 = arith.constant 32 : i32
    %add3A_14 = vector.broadcast %add3A_13 : i32 to vector<16xi32>
    %add3A_15 = arith.addi %iota3A_12, %add3A_14 : vector<16xi32>
    %iota3A_16 = tpu.iota {dimensions = array<i32: 0>} : vector<16xi32>
    %add3A_17 = arith.constant 48 : i32
    %add3A_18 = vector.broadcast %add3A_17 : i32 to vector<16xi32>
    %add3A_19 = arith.addi %iota3A_16, %add3A_18 : vector<16xi32>
    %get3A = arith.constant 0 : index
    %get3A_20 = tpu.vector_load %arg5[%get3A] {strides = array<i32>} : memref<512xi32, #tpu.memory_space<vmem>>, vector<16xi32>,
    %slice3A = vector.extract_strided_slice %get3A_20 {offsets = [0], sizes = [1], strides = [1]} : vector<16xi32> to vector<1xi32>
    %squeeze3A = vector.extract %slice3A[0] : i32 from vector<1xi32>
    %jit3A = arith.constant 128 : i32
    %div3A = arith.divsi %squeeze3A, %jit3A : i32
    %sign3A = arith.constant 0 : i32
    %sign3A_21 = arith.cmpi sgt, %squeeze3A, %sign3A : i32
    %sign3A_22 = arith.extui %sign3A_21 : i1 to i32
    %sign3A_23 = arith.constant 0 : i32
    %sign3A_24 = arith.cmpi slt, %squeeze3A, %sign3A_23 : i32
    %sign3A_25 = arith.extui %sign3A_24 : i1 to i32
    %sign3A_26 = arith.subi %sign3A_22, %sign3A_25 : i32
    %sign3A_27 = arith.constant 0 : i32
    %sign3A_28 = arith.cmpi sgt, %jit3A, %sign3A_27 : i32
    %sign3A_29 = arith.extui %sign3A_28 : i1 to i32
    %sign3A_30 = arith.constant 0 : i32
    %sign3A_31 = arith.cmpi slt, %jit3A, %sign3A_30 : i32
    %sign3A_32 = arith.extui %sign3A_31 : i1 to i32
    %sign3A_33 = arith.subi %sign3A_29, %sign3A_32 : i32
    %ne3A = arith.cmpi ne, %sign3A_26, %sign3A_33 : i32
    %rem3A = arith.remsi %squeeze3A, %jit3A : i32
    %ne3A_34 = arith.constant 0 : i32
    %ne3A_35 = arith.cmpi ne, %rem3A, %ne3A_34 : i32
    %and3A = arith.andi %ne3A, %ne3A_35 : i1
    %sub3A = arith.constant 1 : i32
    %sub3A_36 = arith.subi %div3A, %sub3A : i32
    %select_n3A = arith.select %and3A, %sub3A_36, %div3A : i32
    %mul3A_37 = arith.constant 128 : i32
    %mul3A_38 = arith.muli %select_n3A, %mul3A_37 : i32
    %multiple_of3A = tpu.assume_multiple %mul3A_38, 128 : i32
    %dma_start3A_39 = arith.constant 0 : i32
    %dma_start3A_40 = arith.constant 0 : i32
    %dma_start3A_41 = arith.constant 0 : i32
    %dma_start3A_42 = arith.constant 0 : i32
    %dma_start3A_43 = tpu.memref_slice %arg6[%dma_start3A_39, %dma_start3A_41, %dma_start3A_42] : memref<8x64x128xf32, #tpu.memory_space<vmem>> -> memref<1x64x128xf32, #tpu.memory_space<vmem>>
    %dma_start3A_44 = tpu.memref_squeeze %dma_start3A_43 : memref<1x64x128xf32, #tpu.memory_space<vmem>> -> memref<64x128xf32, #tpu.memory_space<vmem>>
    %dma_start3A_45 = arith.constant 0 : i32
    %dma_start3A_46 = tpu.memref_slice %arg3[%dma_start3A_45, %multiple_of3A] : memref<64x1000000xf32, #tpu.memory_space<hbm>> -> memref<64x128xf32, #tpu.memory_space<hbm>>
    %dma_start3A_47 = tpu.memref_slice %arg8[%dma_start3A_40] : memref<8x!tpu.dma_semaphore, #tpu.memory_space<semaphore_mem>> -> memref<1x!tpu.dma_semaphore, #tpu.memory_space<semaphore_mem>>
    %dma_start3A_48 = tpu.memref_squeeze %dma_start3A_47 : memref<1x!tpu.dma_semaphore, #tpu.memory_space<semaphore_mem>> -> memref<!tpu.dma_semaphore, #tpu.memory_space<semaphore_mem>>
    %dma_start3A_49 = arith.constant 0 : i32
    %dma_start3A_50 = arith.constant 0 : i32
    %dma_start3A_51 = tpu.memref_slice %arg6[%dma_start3A_39, %dma_start3A_49, %dma_start3A_50] : memref<8x64x128xf32, #tpu.memory_space<vmem>> -> memref<1x64x128xf32, #tpu.memory_space<vmem>>
    %dma_start3A_52 = tpu.memref_squeeze %dma_start3A_51 : memref<1x64x128xf32, #tpu.memory_space<vmem>> -> memref<64x128xf32, #tpu.memory_space<vmem>>
    %dma_start3A_53 = arith.constant 0 : i32
    %dma_start3A_54 = tpu.memref_slice %arg3[%dma_start3A_53, %multiple_of3A] : memref<64x1000000xf32, #tpu.memory_space<hbm>> -> memref<64x128xf32, #tpu.memory_space<hbm>>
    tpu.enqueue_dma source(%dma_start3A_54 : memref<64x128xf32, #tpu.memory_space<hbm>>) target(%dma_start3A_52 : memref<64x128xf32, #tpu.memory_space<vmem>>) target_semaphore(%dma_start3A_48 : memref<!tpu.dma_semaphore, #tpu.memory_space<semaphore_mem>>)
    %slice3A_55 = vector.extract_strided_slice %get3A_20 {offsets = [1], sizes = [1], strides = [1]} : vector<16xi32> to vector<1xi32>
    %squeeze3A_56 = vector.extract %slice3A_55[0] : i32 from vector<1xi32>
    %jit3A_57 = arith.constant 128 : i32
    %div3A_58 = arith.divsi %squeeze3A_56, %jit3A_57 : i32
    %sign3A_59 = arith.constant 0 : i32
    %sign3A_60 = arith.cmpi sgt, %squeeze3A_56, %sign3A_59 : i32
    %sign3A_61 = arith.extui %sign3A_60 : i1 to i32
    %sign3A_62 = arith.constant 0 : i32
    %sign3A_63 = arith.cmpi slt, %squeeze3A_56, %sign3A_62 : i32
    %sign3A_64 = arith.extui %sign3A_63 : i1 to i32
    %sign3A_65 = arith.subi %sign3A_61, %sign3A_64 : i32
    %sign3A_66 = arith.constant 0 : i32
    %sign3A_67 = arith.cmpi sgt, %jit3A_57, %sign3A_66 : i32
    %sign3A_68 = arith.extui %sign3A_67 : i1 to i32
    %sign3A_69 = arith.constant 0 : i32
    %sign3A_70 = arith.cmpi slt, %jit3A_57, %sign3A_69 : i32
    %sign3A_71 = arith.extui %sign3A_70 : i1 to i32
    %sign3A_72 = arith.subi %sign3A_68, %sign3A_71 : i32
    %ne3A_73 = arith.cmpi ne, %sign3A_65, %sign3A_72 : i32
    %rem3A_74 = arith.remsi %squeeze3A_56, %jit3A_57 : i32
    %ne3A_75 = arith.constant 0 : i32
    %ne3A_76 = arith.cmpi ne, %rem3A_74, %ne3A_75 : i32
    %and3A_77 = arith.andi %ne3A_73, %ne3A_76 : i1
    %sub3A_78 = arith.constant 1 : i32
    %sub3A_79 = arith.subi %div3A_58, %sub3A_78 : i32
    %select_n3A_80 = arith.select %and3A_77, %sub3A_79, %div3A_58 : i32
    %mul3A_81 = arith.constant 128 : i32
    %mul3A_82 = arith.muli %select_n3A_80, %mul3A_81 : i32
    %multiple_of3A_83 = tpu.assume_multiple %mul3A_82, 128 : i32
    %dma_start3A_84 = arith.constant 1 : i32
    %dma_start3A_85 = arith.constant 1 : i32
    %dma_start3A_86 = arith.constant 0 : i32
    %dma_start3A_87 = arith.constant 0 : i32
    %dma_start3A_88 = tpu.memref_slice %arg6[%dma_start3A_84, %dma_start3A_86, %dma_start3A_87] : memref<8x64x128xf32, #tpu.memory_space<vmem>> -> memref<1x64x128xf32, #tpu.memory_space<vmem>>
    %dma_start3A_89 = tpu.memref_squeeze %dma_start3A_88 : memref<1x64x128xf32, #tpu.memory_space<vmem>> -> memref<64x128xf32, #tpu.memory_space<vmem>>
    %dma_start3A_90 = arith.constant 0 : i32
    %dma_start3A_91 = tpu.memref_slice %arg3[%dma_start3A_90, %multiple_of3A_83] : memref<64x1000000xf32, #tpu.memory_space<hbm>> -> memref<64x128xf32, #tpu.memory_space<hbm>>
    %dma_start3A_92 = tpu.memref_slice %arg8[%dma_start3A_85] : memref<8x!tpu.dma_semaphore, #tpu.memory_space<semaphore_mem>> -> memref<1x!tpu.dma_semaphore, #tpu.memory_space<semaphore_mem>>
    %dma_start3A_93 = tpu.memref_squeeze %dma_start3A_92 : memref<1x!tpu.dma_semaphore, #tpu.memory_space<semaphore_mem>> -> memref<!tpu.dma_semaphore, #tpu.memory_space<semaphore_mem>>
    %dma_start3A_94 = arith.constant 0 : i32
    %dma_start3A_95 = arith.constant 0 : i32
    %dma_start3A_96 = tpu.memref_slice %arg6[%dma_start3A_84, %dma_start3A_94, %dma_start3A_95] : memref<8x64x128xf32, #tpu.memory_space<vmem>> -> memref<1x64x128xf32, #tpu.memory_space<vmem>>
    %dma_start3A_97 = tpu.memref_squeeze %dma_start3A_96 : memref<1x64x128xf32, #tpu.memory_space<vmem>> -> memref<64x128xf32, #tpu.memory_space<vmem>>
    %dma_start3A_98 = arith.constant 0 : i32
    %dma_start3A_99 = tpu.memref_slice %arg3[%dma_start3A_98, %multiple_of3A_83] : memref<64x1000000xf32, #tpu.memory_space<hbm>> -> memref<64x128xf32, #tpu.memory_space<hbm>>
    tpu.enqueue_dma source(%dma_start3A_99 : memref<64x128xf32, #tpu.memory_space<hbm>>) target(%dma_start3A_97 : memref<64x128xf32, #tpu.memory_space<vmem>>) target_semaphore(%dma_start3A_93 : memref<!tpu.dma_semaphore, #tpu.memory_space<semaphore_mem>>)
    %slice3A_100 = vector.extract_strided_slice %get3A_20 {offsets = [2], sizes = [1], strides = [1]} : vector<16xi32> to vector<1xi32>
    %squeeze3A_101 = vector.extract %slice3A_100[0] : i32 from vector<1xi32>
    %jit3A_102 = arith.constant 128 : i32
    %div3A_103 = arith.divsi %squeeze3A_101, %jit3A_102 : i32
    %sign3A_104 = arith.constant 0 : i32
    %sign3A_105 = arith.cmpi sgt, %squeeze3A_101, %sign3A_104 : i32
    %sign3A_106 = arith.extui %sign3A_105 : i1 to i32
    %sign3A_107 = arith.constant 0 : i32
    %sign3A_108 = arith.cmpi slt, %squeeze3A_101, %sign3A_107 : i32
    %sign3A_109 = arith.extui %sign3A_108 : i1 to i32
    %sign3A_110 = arith.subi %sign3A_106, %sign3A_109 : i32
    %sign3A_111 = arith.constant 0 : i32
    %sign3A_112 = arith.cmpi sgt, %jit3A_102, %sign3A_111 : i32
    %sign3A_113 = arith.extui %sign3A_112 : i1 to i32
    %sign3A_114 = arith.constant 0 : i32
    %sign3A_115 = arith.cmpi slt, %jit3A_102, %sign3A_114 : i32
    %sign3A_116 = arith.extui %sign3A_115 : i1 to i32
    %sign3A_117 = arith.subi %sign3A_113, %sign3A_116 : i32
    %ne3A_118 = arith.cmpi ne, %sign3A_110, %sign3A_117 : i32
    %rem3A_119 = arith.remsi %squeeze3A_101, %jit3A_102 : i32
    %ne3A_120 = arith.constant 0 : i32
    %ne3A_121 = arith.cmpi ne, %rem3A_119, %ne3A_120 : i32
    %and3A_122 = arith.andi %ne3A_118, %ne3A_121 : i1
    %sub3A_123 = arith.constant 1 : i32
    %sub3A_124 = arith.subi %div3A_103, %sub3A_123 : i32
    %select_n3A_125 = arith.select %and3A_122, %sub3A_124, %div3A_103 : i32
    %mul3A_126 = arith.constant 128 : i32
    %mul3A_127 = arith.muli %select_n3A_125, %mul3A_126 : i32
    %multiple_of3A_128 = tpu.assume_multiple %mul3A_127, 128 : i32
    %dma_start3A_129 = arith.constant 2 : i32
    %dma_start3A_130 = arith.constant 2 : i32
    %dma_start3A_131 = arith.constant 0 : i32
    %dma_start3A_132 = arith.constant 0 : i32
    %dma_start3A_133 = tpu.memref_slice %arg6[%dma_start3A_129, %dma_start3A_131, %dma_start3A_132] : memref<8x64x128xf32, #tpu.memory_space<vmem>> -> memref<1x64x128xf32, #tpu.memory_space<vmem>>
    %dma_start3A_134 = tpu.memref_squeeze %dma_start3A_133 : memref<1x64x128xf32, #tpu.memory_space<vmem>> -> memref<64x128xf32, #tpu.memory_space<vmem>>
    %dma_start3A_135 = arith.constant 0 : i32
    %dma_start3A_136 = tpu.memref_slice %arg3[%dma_start3A_135, %multiple_of3A_128] : memref<64x1000000xf32, #tpu.memory_space<hbm>> -> memref<64x128xf32, #tpu.memory_space<hbm>>
    %dma_start3A_137 = tpu.memref_slice %arg8[%dma_start3A_130] : memref<8x!tpu.dma_semaphore, #tpu.memory_space<semaphore_mem>> -> memref<1x!tpu.dma_semaphore, #tpu.memory_space<semaphore_mem>>
    %dma_start3A_138 = tpu.memref_squeeze %dma_start3A_137 : memref<1x!tpu.dma_semaphore, #tpu.memory_space<semaphore_mem>> -> memref<!tpu.dma_semaphore, #tpu.memory_space<semaphore_mem>>
    %dma_start3A_139 = arith.constant 0 : i32
    %dma_start3A_140 = arith.constant 0 : i32
    %dma_start3A_141 = tpu.memref_slice %arg6[%dma_start3A_129, %dma_start3A_139, %dma_start3A_140] : memref<8x64x128xf32, #tpu.memory_space<vmem>> -> memref<1x64x128xf32, #tpu.memory_space<vmem>>
    %dma_start3A_142 = tpu.memref_squeeze %dma_start3A_141 : memref<1x64x128xf32, #tpu.memory_space<vmem>> -> memref<64x128xf32, #tpu.memory_space<vmem>>
    %dma_start3A_143 = arith.constant 0 : i32
    %dma_start3A_144 = tpu.memref_slice %arg3[%dma_start3A_143, %multiple_of3A_128] : memref<64x1000000xf32, #tpu.memory_space<hbm>> -> memref<64x128xf32, #tpu.memory_space<hbm>>
    tpu.enqueue_dma source(%dma_start3A_144 : memref<64x128xf32, #tpu.memory_space<hbm>>) target(%dma_start3A_142 : memref<64x128xf32, #tpu.memory_space<vmem>>) target_semaphore(%dma_start3A_138 : memref<!tpu.dma_semaphore, #tpu.memory_space<semaphore_mem>>)
    %slice3A_145 = vector.extract_strided_slice %get3A_20 {offsets = [3], sizes = [1], strides = [1]} : vector<16xi32> to vector<1xi32>
    %squeeze3A_146 = vector.extract %slice3A_145[0] : i32 from vector<1xi32>
    %jit3A_147 = arith.constant 128 : i32
    %div3A_148 = arith.divsi %squeeze3A_146, %jit3A_147 : i32
    %sign3A_149 = arith.constant 0 : i32
    %sign3A_150 = arith.cmpi sgt, %squeeze3A_146, %sign3A_149 : i32
    %sign3A_151 = arith.extui %sign3A_150 : i1 to i32
    %sign3A_152 = arith.constant 0 : i32
    %sign3A_153 = arith.cmpi slt, %squeeze3A_146, %sign3A_152 : i32
    %sign3A_154 = arith.extui %sign3A_153 : i1 to i32
    %sign3A_155 = arith.subi %sign3A_151, %sign3A_154 : i32
    %sign3A_156 = arith.constant 0 : i32
    %sign3A_157 = arith.cmpi sgt, %jit3A_147, %sign3A_156 : i32
    %sign3A_158 = arith.extui %sign3A_157 : i1 to i32
    %sign3A_159 = arith.constant 0 : i32
    %sign3A_160 = arith.cmpi slt, %jit3A_147, %sign3A_159 : i32
    %sign3A_161 = arith.extui %sign3A_160 : i1 to i32
    %sign3A_162 = arith.subi %sign3A_158, %sign3A_161 : i32
    %ne3A_163 = arith.cmpi ne, %sign3A_155, %sign3A_162 : i32
    %rem3A_164 = arith.remsi %squeeze3A_146, %jit3A_147 : i32
    %ne3A_165 = arith.constant 0 : i32
    %ne3A_166 = arith.cmpi ne, %rem3A_164, %ne3A_165 : i32
    %and3A_167 = arith.andi %ne3A_163, %ne3A_166 : i1
    %sub3A_168 = arith.constant 1 : i32
    %sub3A_169 = arith.subi %div3A_148, %sub3A_168 : i32
    %select_n3A_170 = arith.select %and3A_167, %sub3A_169, %div3A_148 : i32
    %mul3A_171 = arith.constant 128 : i32
    %mul3A_172 = arith.muli %select_n3A_170, %mul3A_171 : i32
    %multiple_of3A_173 = tpu.assume_multiple %mul3A_172, 128 : i32
    %dma_start3A_174 = arith.constant 3 : i32
    %dma_start3A_175 = arith.constant 3 : i32
    %dma_start3A_176 = arith.constant 0 : i32
    %dma_start3A_177 = arith.constant 0 : i32
    %dma_start3A_178 = tpu.memref_slice %arg6[%dma_start3A_174, %dma_start3A_176, %dma_start3A_177] : memref<8x64x128xf32, #tpu.memory_space<vmem>> -> memref<1x64x128xf32, #tpu.memory_space<vmem>>
    %dma_start3A_179 = tpu.memref_squeeze %dma_start3A_178 : memref<1x64x128xf32, #tpu.memory_space<vmem>> -> memref<64x128xf32, #tpu.memory_space<vmem>>
    %dma_start3A_180 = arith.constant 0 : i32
    %dma_start3A_181 = tpu.memref_slice %arg3[%dma_start3A_180, %multiple_of3A_173] : memref<64x1000000xf32, #tpu.memory_space<hbm>> -> memref<64x128xf32, #tpu.memory_space<hbm>>
    %dma_start3A_182 = tpu.memref_slice %arg8[%dma_start3A_175] : memref<8x!tpu.dma_semaphore, #tpu.memory_space<semaphore_mem>> -> memref<1x!tpu.dma_semaphore, #tpu.memory_space<semaphore_mem>>
    %dma_start3A_183 = tpu.memref_squeeze %dma_start3A_182 : memref<1x!tpu.dma_semaphore, #tpu.memory_space<semaphore_mem>> -> memref<!tpu.dma_semaphore, #tpu.memory_space<semaphore_mem>>
    %dma_start3A_184 = arith.constant 0 : i32
    %dma_start3A_185 = arith.constant 0 : i32
    %dma_start3A_186 = tpu.memref_slice %arg6[%dma_start3A_174, %dma_start3A_184, %dma_start3A_185] : memref<8x64x128xf32, #tpu.memory_space<vmem>> -> memref<1x64x128xf32, #tpu.memory_space<vmem>>
    %dma_start3A_187 = tpu.memref_squeeze %dma_start3A_186 : memref<1x64x128xf32, #tpu.memory_space<vmem>> -> memref<64x128xf32, #tpu.memory_space<vmem>>
    %dma_start3A_188 = arith.constant 0 : i32
    %dma_start3A_189 = tpu.memref_slice %arg3[%dma_start3A_188, %multiple_of3A_173] : memref<64x1000000xf32, #tpu.memory_space<hbm>> -> memref<64x128xf32, #tpu.memory_space<hbm>>
    tpu.enqueue_dma source(%dma_start3A_189 : memref<64x128xf32, #tpu.memory_space<hbm>>) target(%dma_start3A_187 : memref<64x128xf32, #tpu.memory_space<vmem>>) target_semaphore(%dma_start3A_183 : memref<!tpu.dma_semaphore, #tpu.memory_space<semaphore_mem>>)
    %slice3A_190 = vector.extract_strided_slice %get3A_20 {offsets = [4], sizes = [1], strides = [1]} : vector<16xi32> to vector<1xi32>
    %squeeze3A_191 = vector.extract %slice3A_190[0] : i32 from vector<1xi32>
    %jit3A_192 = arith.constant 128 : i32
    %div3A_193 = arith.divsi %squeeze3A_191, %jit3A_192 : i32
    %sign3A_194 = arith.constant 0 : i32
    %sign3A_195 = arith.cmpi sgt, %squeeze3A_191, %sign3A_194 : i32
    %sign3A_196 = arith.extui %sign3A_195 : i1 to i32
    %sign3A_197 = arith.constant 0 : i32
    %sign3A_198 = arith.cmpi slt, %squeeze3A_191, %sign3A_197 : i32
    %sign3A_199 = arith.extui %sign3A_198 : i1 to i32
    %sign3A_200 = arith.subi %sign3A_196, %sign3A_199 : i32
    %sign3A_201 = arith.constant 0 : i32
    %sign3A_202 = arith.cmpi sgt, %jit3A_192, %sign3A_201 : i32
    %sign3A_203 = arith.extui %sign3A_202 : i1 to i32
    %sign3A_204 = arith.constant 0 : i32
    %sign3A_205 = arith.cmpi slt, %jit3A_192, %sign3A_204 : i32
    %sign3A_206 = arith.extui %sign3A_205 : i1 to i32
    %sign3A_207 = arith.subi %sign3A_203, %sign3A_206 : i32
    %ne3A_208 = arith.cmpi ne, %sign3A_200, %sign3A_207 : i32
    %rem3A_209 = arith.remsi %squeeze3A_191, %jit3A_192 : i32
    %ne3A_210 = arith.constant 0 : i32
    %ne3A_211 = arith.cmpi ne, %rem3A_209, %ne3A_210 : i32
    %and3A_212 = arith.andi %ne3A_208, %ne3A_211 : i1
    %sub3A_213 = arith.constant 1 : i32
    %sub3A_214 = arith.subi %div3A_193, %sub3A_213 : i32
    %select_n3A_215 = arith.select %and3A_212, %sub3A_214, %div3A_193 : i32
    %mul3A_216 = arith.constant 128 : i32
    %mul3A_217 = arith.muli %select_n3A_215, %mul3A_216 : i32
    %multiple_of3A_218 = tpu.assume_multiple %mul3A_217, 128 : i32
    %dma_start3A_219 = arith.constant 4 : i32
    %dma_start3A_220 = arith.constant 4 : i32
    %dma_start3A_221 = arith.constant 0 : i32
    %dma_start3A_222 = arith.constant 0 : i32
    %dma_start3A_223 = tpu.memref_slice %arg6[%dma_start3A_219, %dma_start3A_221, %dma_start3A_222] : memref<8x64x128xf32, #tpu.memory_space<vmem>> -> memref<1x64x128xf32, #tpu.memory_space<vmem>>
    %dma_start3A_224 = tpu.memref_squeeze %dma_start3A_223 : memref<1x64x128xf32, #tpu.memory_space<vmem>> -> memref<64x128xf32, #tpu.memory_space<vmem>>
    %dma_start3A_225 = arith.constant 0 : i32
    %dma_start3A_226 = tpu.memref_slice %arg3[%dma_start3A_225, %multiple_of3A_218] : memref<64x1000000xf32, #tpu.memory_space<hbm>> -> memref<64x128xf32, #tpu.memory_space<hbm>>
    %dma_start3A_227 = tpu.memref_slice %arg8[%dma_start3A_220] : memref<8x!tpu.dma_semaphore, #tpu.memory_space<semaphore_mem>> -> memref<1x!tpu.dma_semaphore, #tpu.memory_space<semaphore_mem>>
    %dma_start3A_228 = tpu.memref_squeeze %dma_start3A_227 : memref<1x!tpu.dma_semaphore, #tpu.memory_space<semaphore_mem>> -> memref<!tpu.dma_semaphore, #tpu.memory_space<semaphore_mem>>
    %dma_start3A_229 = arith.constant 0 : i32
    %dma_start3A_230 = arith.constant 0 : i32
    %dma_start3A_231 = tpu.memref_slice %arg6[%dma_start3A_219, %dma_start3A_229, %dma_start3A_230] : memref<8x64x128xf32, #tpu.memory_space<vmem>> -> memref<1x64x128xf32, #tpu.memory_space<vmem>>
    %dma_start3A_232 = tpu.memref_squeeze %dma_start3A_231 : memref<1x64x128xf32, #tpu.memory_space<vmem>> -> memref<64x128xf32, #tpu.memory_space<vmem>>
    %dma_start3A_233 = arith.constant 0 : i32
    %dma_start3A_234 = tpu.memref_slice %arg3[%dma_start3A_233, %multiple_of3A_218] : memref<64x1000000xf32, #tpu.memory_space<hbm>> -> memref<64x128xf32, #tpu.memory_space<hbm>>
    tpu.enqueue_dma source(%dma_start3A_234 : memref<64x128xf32, #tpu.memory_space<hbm>>) target(%dma_start3A_232 : memref<64x128xf32, #tpu.memory_space<vmem>>) target_semaphore(%dma_start3A_228 : memref<!tpu.dma_semaphore, #tpu.memory_space<semaphore_mem>>)
    %slice3A_235 = vector.extract_strided_slice %get3A_20 {offsets = [5], sizes = [1], strides = [1]} : vector<16xi32> to vector<1xi32>
    %squeeze3A_236 = vector.extract %slice3A_235[0] : i32 from vector<1xi32>
    %jit3A_237 = arith.constant 128 : i32
    %div3A_238 = arith.divsi %squeeze3A_236, %jit3A_237 : i32
    %sign3A_239 = arith.constant 0 : i32
    %sign3A_240 = arith.cmpi sgt, %squeeze3A_236, %sign3A_239 : i32
    %sign3A_241 = arith.extui %sign3A_240 : i1 to i32
    %sign3A_242 = arith.constant 0 : i32
    %sign3A_243 = arith.cmpi slt, %squeeze3A_236, %sign3A_242 : i32
    %sign3A_244 = arith.extui %sign3A_243 : i1 to i32
    %sign3A_245 = arith.subi %sign3A_241, %sign3A_244 : i32
    %sign3A_246 = arith.constant 0 : i32
    %sign3A_247 = arith.cmpi sgt, %jit3A_237, %sign3A_246 : i32
    %sign3A_248 = arith.extui %sign3A_247 : i1 to i32
    %sign3A_249 = arith.constant 0 : i32
    %sign3A_250 = arith.cmpi slt, %jit3A_237, %sign3A_249 : i32
    %sign3A_251 = arith.extui %sign3A_250 : i1 to i32
    %sign3A_252 = arith.subi %sign3A_248, %sign3A_251 : i32
    %ne3A_253 = arith.cmpi ne, %sign3A_245, %sign3A_252 : i32
    %rem3A_254 = arith.remsi %squeeze3A_236, %jit3A_237 : i32
    %ne3A_255 = arith.constant 0 : i32
    %ne3A_256 = arith.cmpi ne, %rem3A_254, %ne3A_255 : i32
    %and3A_257 = arith.andi %ne3A_253, %ne3A_256 : i1
    %sub3A_258 = arith.constant 1 : i32
    %sub3A_259 = arith.subi %div3A_238, %sub3A_258 : i32
    %select_n3A_260 = arith.select %and3A_257, %sub3A_259, %div3A_238 : i32
    %mul3A_261 = arith.constant 128 : i32
    %mul3A_262 = arith.muli %select_n3A_260, %mul3A_261 : i32
    %multiple_of3A_263 = tpu.assume_multiple %mul3A_262, 128 : i32
    %dma_start3A_264 = arith.constant 5 : i32
    %dma_start3A_265 = arith.constant 5 : i32
    %dma_start3A_266 = arith.constant 0 : i32
    %dma_start3A_267 = arith.constant 0 : i32
    %dma_start3A_268 = tpu.memref_slice %arg6[%dma_start3A_264, %dma_start3A_266, %dma_start3A_267] : memref<8x64x128xf32, #tpu.memory_space<vmem>> -> memref<1x64x128xf32, #tpu.memory_space<vmem>>
    %dma_start3A_269 = tpu.memref_squeeze %dma_start3A_268 : memref<1x64x128xf32, #tpu.memory_space<vmem>> -> memref<64x128xf32, #tpu.memory_space<vmem>>
    %dma_start3A_270 = arith.constant 0 : i32
    %dma_start3A_271 = tpu.memref_slice %arg3[%dma_start3A_270, %multiple_of3A_263] : memref<64x1000000xf32, #tpu.memory_space<hbm>> -> memref<64x128xf32, #tpu.memory_space<hbm>>
    %dma_start3A_272 = tpu.memref_slice %arg8[%dma_start3A_265] : memref<8x!tpu.dma_semaphore, #tpu.memory_space<semaphore_mem>> -> memref<1x!tpu.dma_semaphore, #tpu.memory_space<semaphore_mem>>
    %dma_start3A_273 = tpu.memref_squeeze %dma_start3A_272 : memref<1x!tpu.dma_semaphore, #tpu.memory_space<semaphore_mem>> -> memref<!tpu.dma_semaphore, #tpu.memory_space<semaphore_mem>>
    %dma_start3A_274 = arith.constant 0 : i32
    %dma_start3A_275 = arith.constant 0 : i32
    %dma_start3A_276 = tpu.memref_slice %arg6[%dma_start3A_264, %dma_start3A_274, %dma_start3A_275] : memref<8x64x128xf32, #tpu.memory_space<vmem>> -> memref<1x64x128xf32, #tpu.memory_space<vmem>>
    %dma_start3A_277 = tpu.memref_squeeze %dma_start3A_276 : memref<1x64x128xf32, #tpu.memory_space<vmem>> -> memref<64x128xf32, #tpu.memory_space<vmem>>
    %dma_start3A_278 = arith.constant 0 : i32
    %dma_start3A_279 = tpu.memref_slice %arg3[%dma_start3A_278, %multiple_of3A_263] : memref<64x1000000xf32, #tpu.memory_space<hbm>> -> memref<64x128xf32, #tpu.memory_space<hbm>>
    tpu.enqueue_dma source(%dma_start3A_279 : memref<64x128xf32, #tpu.memory_space<hbm>>) target(%dma_start3A_277 : memref<64x128xf32, #tpu.memory_space<vmem>>) target_semaphore(%dma_start3A_273 : memref<!tpu.dma_semaphore, #tpu.memory_space<semaphore_mem>>)
    %slice3A_280 = vector.extract_strided_slice %get3A_20 {offsets = [6], sizes = [1], strides = [1]} : vector<16xi32> to vector<1xi32>
    %squeeze3A_281 = vector.extract %slice3A_280[0] : i32 from vector<1xi32>
    %jit3A_282 = arith.constant 128 : i32
    %div3A_283 = arith.divsi %squeeze3A_281, %jit3A_282 : i32
    %sign3A_284 = arith.constant 0 : i32
    %sign3A_285 = arith.cmpi sgt, %squeeze3A_281, %sign3A_284 : i32
    %sign3A_286 = arith.extui %sign3A_285 : i1 to i32
    %sign3A_287 = arith.constant 0 : i32
    %sign3A_288 = arith.cmpi slt, %squeeze3A_281, %sign3A_287 : i32
    %sign3A_289 = arith.extui %sign3A_288 : i1 to i32
    %sign3A_290 = arith.subi %sign3A_286, %sign3A_289 : i32
    %sign3A_291 = arith.constant 0 : i32
    %sign3A_292 = arith.cmpi sgt, %jit3A_282, %sign3A_291 : i32
    %sign3A_293 = arith.extui %sign3A_292 : i1 to i32
    %sign3A_294 = arith.constant 0 : i32
    %sign3A_295 = arith.cmpi slt, %jit3A_282, %sign3A_294 : i32
    %sign3A_296 = arith.extui %sign3A_295 : i1 to i32
    %sign3A_297 = arith.subi %sign3A_293, %sign3A_296 : i32
    %ne3A_298 = arith.cmpi ne, %sign3A_290, %sign3A_297 : i32
    %rem3A_299 = arith.remsi %squeeze3A_281, %jit3A_282 : i32
    %ne3A_300 = arith.constant 0 : i32
    %ne3A_301 = arith.cmpi ne, %rem3A_299, %ne3A_300 : i32
    %and3A_302 = arith.andi %ne3A_298, %ne3A_301 : i1
    %sub3A_303 = arith.constant 1 : i32
    %sub3A_304 = arith.subi %div3A_283, %sub3A_303 : i32
    %select_n3A_305 = arith.select %and3A_302, %sub3A_304, %div3A_283 : i32
    %mul3A_306 = arith.constant 128 : i32
    %mul3A_307 = arith.muli %select_n3A_305, %mul3A_306 : i32
    %multiple_of3A_308 = tpu.assume_multiple %mul3A_307, 128 : i32
    %dma_start3A_309 = arith.constant 6 : i32
    %dma_start3A_310 = arith.constant 6 : i32
    %dma_start3A_311 = arith.constant 0 : i32
    %dma_start3A_312 = arith.constant 0 : i32
    %dma_start3A_313 = tpu.memref_slice %arg6[%dma_start3A_309, %dma_start3A_311, %dma_start3A_312] : memref<8x64x128xf32, #tpu.memory_space<vmem>> -> memref<1x64x128xf32, #tpu.memory_space<vmem>>
    %dma_start3A_314 = tpu.memref_squeeze %dma_start3A_313 : memref<1x64x128xf32, #tpu.memory_space<vmem>> -> memref<64x128xf32, #tpu.memory_space<vmem>>
    %dma_start3A_315 = arith.constant 0 : i32
    %dma_start3A_316 = tpu.memref_slice %arg3[%dma_start3A_315, %multiple_of3A_308] : memref<64x1000000xf32, #tpu.memory_space<hbm>> -> memref<64x128xf32, #tpu.memory_space<hbm>>
    %dma_start3A_317 = tpu.memref_slice %arg8[%dma_start3A_310] : memref<8x!tpu.dma_semaphore, #tpu.memory_space<semaphore_mem>> -> memref<1x!tpu.dma_semaphore, #tpu.memory_space<semaphore_mem>>
    %dma_start3A_318 = tpu.memref_squeeze %dma_start3A_317 : memref<1x!tpu.dma_semaphore, #tpu.memory_space<semaphore_mem>> -> memref<!tpu.dma_semaphore, #tpu.memory_space<semaphore_mem>>
    %dma_start3A_319 = arith.constant 0 : i32
    %dma_start3A_320 = arith.constant 0 : i32
    %dma_start3A_321 = tpu.memref_slice %arg6[%dma_start3A_309, %dma_start3A_319, %dma_start3A_320] : memref<8x64x128xf32, #tpu.memory_space<vmem>> -> memref<1x64x128xf32, #tpu.memory_space<vmem>>
    %dma_start3A_322 = tpu.memref_squeeze %dma_start3A_321 : memref<1x64x128xf32, #tpu.memory_space<vmem>> -> memref<64x128xf32, #tpu.memory_space<vmem>>
    %dma_start3A_323 = arith.constant 0 : i32
    %dma_start3A_324 = tpu.memref_slice %arg3[%dma_start3A_323, %multiple_of3A_308] : memref<64x1000000xf32, #tpu.memory_space<hbm>> -> memref<64x128xf32, #tpu.memory_space<hbm>>
    tpu.enqueue_dma source(%dma_start3A_324 : memref<64x128xf32, #tpu.memory_space<hbm>>) target(%dma_start3A_322 : memref<64x128xf32, #tpu.memory_space<vmem>>) target_semaphore(%dma_start3A_318 : memref<!tpu.dma_semaphore, #tpu.memory_space<semaphore_mem>>)
    %slice3A_325 = vector.extract_strided_slice %get3A_20 {offsets = [7], sizes = [1], strides = [1]} : vector<16xi32> to vector<1xi32>
    %squeeze3A_326 = vector.extract %slice3A_325[0] : i32 from vector<1xi32>
    %jit3A_327 = arith.constant 128 : i32
    %div3A_328 = arith.divsi %squeeze3A_326, %jit3A_327 : i32
    %sign3A_329 = arith.constant 0 : i32
    %sign3A_330 = arith.cmpi sgt, %squeeze3A_326, %sign3A_329 : i32
    %sign3A_331 = arith.extui %sign3A_330 : i1 to i32
    %sign3A_332 = arith.constant 0 : i32
    %sign3A_333 = arith.cmpi slt, %squeeze3A_326, %sign3A_332 : i32
    %sign3A_334 = arith.extui %sign3A_333 : i1 to i32
    %sign3A_335 = arith.subi %sign3A_331, %sign3A_334 : i32
    %sign3A_336 = arith.constant 0 : i32
    %sign3A_337 = arith.cmpi sgt, %jit3A_327, %sign3A_336 : i32
    %sign3A_338 = arith.extui %sign3A_337 : i1 to i32
    %sign3A_339 = arith.constant 0 : i32
    %sign3A_340 = arith.cmpi slt, %jit3A_327, %sign3A_339 : i32
    %sign3A_341 = arith.extui %sign3A_340 : i1 to i32
    %sign3A_342 = arith.subi %sign3A_338, %sign3A_341 : i32
    %ne3A_343 = arith.cmpi ne, %sign3A_335, %sign3A_342 : i32
    %rem3A_344 = arith.remsi %squeeze3A_326, %jit3A_327 : i32
    %ne3A_345 = arith.constant 0 : i32
    %ne3A_346 = arith.cmpi ne, %rem3A_344, %ne3A_345 : i32
    %and3A_347 = arith.andi %ne3A_343, %ne3A_346 : i1
    %sub3A_348 = arith.constant 1 : i32
    %sub3A_349 = arith.subi %div3A_328, %sub3A_348 : i32
    %select_n3A_350 = arith.select %and3A_347, %sub3A_349, %div3A_328 : i32
    %mul3A_351 = arith.constant 128 : i32
    %mul3A_352 = arith.muli %select_n3A_350, %mul3A_351 : i32
    %multiple_of3A_353 = tpu.assume_multiple %mul3A_352, 128 : i32
    %dma_start3A_354 = arith.constant 7 : i32
    %dma_start3A_355 = arith.constant 7 : i32
    %dma_start3A_356 = arith.constant 0 : i32
    %dma_start3A_357 = arith.constant 0 : i32
    %dma_start3A_358 = tpu.memref_slice %arg6[%dma_start3A_354, %dma_start3A_356, %dma_start3A_357] : memref<8x64x128xf32, #tpu.memory_space<vmem>> -> memref<1x64x128xf32, #tpu.memory_space<vmem>>
    %dma_start3A_359 = tpu.memref_squeeze %dma_start3A_358 : memref<1x64x128xf32, #tpu.memory_space<vmem>> -> memref<64x128xf32, #tpu.memory_space<vmem>>
    %dma_start3A_360 = arith.constant 0 : i32
    %dma_start3A_361 = tpu.memref_slice %arg3[%dma_start3A_360, %multiple_of3A_353] : memref<64x1000000xf32, #tpu.memory_space<hbm>> -> memref<64x128xf32, #tpu.memory_space<hbm>>
    %dma_start3A_362 = tpu.memref_slice %arg8[%dma_start3A_355] : memref<8x!tpu.dma_semaphore, #tpu.memory_space<semaphore_mem>> -> memref<1x!tpu.dma_semaphore, #tpu.memory_space<semaphore_mem>>
    %dma_start3A_363 = tpu.memref_squeeze %dma_start3A_362 : memref<1x!tpu.dma_semaphore, #tpu.memory_space<semaphore_mem>> -> memref<!tpu.dma_semaphore, #tpu.memory_space<semaphore_mem>>
    %dma_start3A_364 = arith.constant 0 : i32
    %dma_start3A_365 = arith.constant 0 : i32
    %dma_start3A_366 = tpu.memref_slice %arg6[%dma_start3A_354, %dma_start3A_364, %dma_start3A_365] : memref<8x64x128xf32, #tpu.memory_space<vmem>> -> memref<1x64x128xf32, #tpu.memory_space<vmem>>
    %dma_start3A_367 = tpu.memref_squeeze %dma_start3A_366 : memref<1x64x128xf32, #tpu.memory_space<vmem>> -> memref<64x128xf32, #tpu.memory_space<vmem>>
    %dma_start3A_368 = arith.constant 0 : i32
    %dma_start3A_369 = tpu.memref_slice %arg3[%dma_start3A_368, %multiple_of3A_353] : memref<64x1000000xf32, #tpu.memory_space<hbm>> -> memref<64x128xf32, #tpu.memory_space<hbm>>
    tpu.enqueue_dma source(%dma_start3A_369 : memref<64x128xf32, #tpu.memory_space<hbm>>) target(%dma_start3A_367 : memref<64x128xf32, #tpu.memory_space<vmem>>) target_semaphore(%dma_start3A_363 : memref<!tpu.dma_semaphore, #tpu.memory_space<semaphore_mem>>)
    %scan3A = arith.constant 0 : i32
    %scan3A_370 = arith.constant 0 : i32
    %scan3A_371 = arith.constant 32 : i32
    %scan3A_372 = arith.addi %scan3A_370, %scan3A_371 : i32
    %scan3A_373 = arith.constant 1 : i32
    scf.for %scan3A_377 = %scan3A_370 to %scan3A_372 step %scan3A_373  : i32 {
      %mul3A_378 = arith.constant 16 : i32
      %mul3A_379 = arith.muli %scan3A_377, %mul3A_378 : i32
      %get3A_380 = arith.index_cast %mul3A_379 : i32 to index
      %get3A_381 = tpu.vector_load %arg5[%get3A_380] {strides = array<i32>} : memref<512xi32, #tpu.memory_space<vmem>>, vector<16xi32>,
      %dma_wait3A_382 = arith.constant 0 : i32
      %dma_wait3A_383 = arith.constant 0 : i32
      %dma_wait3A_384 = arith.constant 0 : i32
      %dma_wait3A_385 = arith.constant 0 : i32
      %dma_wait3A_386 = tpu.memref_slice %arg6[%dma_wait3A_382, %dma_wait3A_384, %dma_wait3A_385] : memref<8x64x128xf32, #tpu.memory_space<vmem>> -> memref<1x64x128xf32, #tpu.memory_space<vmem>>
      %dma_wait3A_387 = tpu.memref_squeeze %dma_wait3A_386 : memref<1x64x128xf32, #tpu.memory_space<vmem>> -> memref<64x128xf32, #tpu.memory_space<vmem>>
      %dma_wait3A_388 = arith.constant 0 : i32
      %dma_wait3A_389 = arith.constant 0 : i32
      %dma_wait3A_390 = tpu.memref_slice %arg3[%dma_wait3A_388, %dma_wait3A_389] : memref<64x1000000xf32, #tpu.memory_space<hbm>> -> memref<64x128xf32, #tpu.memory_space<hbm>>
      %dma_wait3A_391 = tpu.memref_slice %arg8[%dma_wait3A_383] : memref<8x!tpu.dma_semaphore, #tpu.memory_space<semaphore_mem>> -> memref<1x!tpu.dma_semaphore, #tpu.memory_space<semaphore_mem>>
      %dma_wait3A_392 = tpu.memref_squeeze %dma_wait3A_391 : memref<1x!tpu.dma_semaphore, #tpu.memory_space<semaphore_mem>> -> memref<!tpu.dma_semaphore, #tpu.memory_space<semaphore_mem>>
      %dma_wait3A_393 = arith.constant 0 : i32
      %dma_wait3A_394 = arith.constant 0 : i32
      %dma_wait3A_395 = tpu.memref_slice %arg6[%dma_wait3A_382, %dma_wait3A_393, %dma_wait3A_394] : memref<8x64x128xf32, #tpu.memory_space<vmem>> -> memref<1x64x128xf32, #tpu.memory_space<vmem>>
      %dma_wait3A_396 = tpu.memref_squeeze %dma_wait3A_395 : memref<1x64x128xf32, #tpu.memory_space<vmem>> -> memref<64x128xf32, #tpu.memory_space<vmem>>
      %dma_wait3A_397 = arith.constant 0 : i32
      %dma_wait3A_398 = arith.constant 0 : i32
      %dma_wait3A_399 = tpu.memref_slice %arg3[%dma_wait3A_397, %dma_wait3A_398] : memref<64x1000000xf32, #tpu.memory_space<hbm>> -> memref<64x128xf32, #tpu.memory_space<hbm>>
      tpu.wait_dma2 semaphore(%dma_wait3A_392 : memref<!tpu.dma_semaphore, #tpu.memory_space<semaphore_mem>>) src(%dma_wait3A_399 : memref<64x128xf32, #tpu.memory_space<hbm>>) dst(%dma_wait3A_396 : memref<64x128xf32, #tpu.memory_space<vmem>>)
      %slice3A_400 = vector.extract_strided_slice %get3A_381 {offsets = [0], sizes = [1], strides = [1]} : vector<16xi32> to vector<1xi32>
      %squeeze3A_401 = vector.extract %slice3A_400[0] : i32 from vector<1xi32>
      %add3A_402 = arith.constant 0 : i32
      %add3A_403 = arith.addi %mul3A_379, %add3A_402 : i32
      %and3A_404 = arith.constant 127 : i32
      %and3A_405 = arith.andi %squeeze3A_401, %and3A_404 : i32
      %broadcast_in_dim3A = vector.broadcast %and3A_405 : i32 to vector<16xi32>
      %and3A_406 = arith.constant 255 : i32
      %and3A_407 = arith.andi %add3A_403, %and3A_406 : i32
      %broadcast_in_dim3A_408 = vector.broadcast %and3A_407 : i32 to vector<16xi32>
      %gather3A = arith.constant 0 : i32
      %gather3A_409 = arith.constant 0 : i32
      %gather3A_410 = arith.constant 0 : i32
      %gather3A_411 = tpu.memref_slice %arg6[%gather3A, %gather3A_409, %gather3A_410] : memref<8x64x128xf32, #tpu.memory_space<vmem>> -> memref<1x64x128xf32, #tpu.memory_space<vmem>>
      %gather3A_412 = tpu.memref_squeeze %gather3A_411 : memref<1x64x128xf32, #tpu.memory_space<vmem>> -> memref<64x128xf32, #tpu.memory_space<vmem>>
      %gather3A_413 = tpu.vector_load_idx %gather3A_412[%add3A_7, %broadcast_in_dim3A] : memref<64x128xf32, #tpu.memory_space<vmem>>[vector<16xi32>, vector<16xi32>], vector<16xf32>,
      tpu.vector_store_idx %arg7[%add3A_7, %broadcast_in_dim3A_408], %gather3A_413 : memref<64x256xf32, #tpu.memory_space<vmem>>[vector<16xi32>, vector<16xi32>], vector<16xf32>,
      %gather3A_414 = arith.constant 0 : i32
      %gather3A_415 = arith.constant 0 : i32
      %gather3A_416 = arith.constant 0 : i32
      %gather3A_417 = tpu.memref_slice %arg6[%gather3A_414, %gather3A_415, %gather3A_416] : memref<8x64x128xf32, #tpu.memory_space<vmem>> -> memref<1x64x128xf32, #tpu.memory_space<vmem>>
      %gather3A_418 = tpu.memref_squeeze %gather3A_417 : memref<1x64x128xf32, #tpu.memory_space<vmem>> -> memref<64x128xf32, #tpu.memory_space<vmem>>
      %gather3A_419 = tpu.vector_load_idx %gather3A_418[%add3A_11, %broadcast_in_dim3A] : memref<64x128xf32, #tpu.memory_space<vmem>>[vector<16xi32>, vector<16xi32>], vector<16xf32>,
      tpu.vector_store_idx %arg7[%add3A_11, %broadcast_in_dim3A_408], %gather3A_419 : memref<64x256xf32, #tpu.memory_space<vmem>>[vector<16xi32>, vector<16xi32>], vector<16xf32>,
      %gather3A_420 = arith.constant 0 : i32
      %gather3A_421 = arith.constant 0 : i32
      %gather3A_422 = arith.constant 0 : i32
      %gather3A_423 = tpu.memref_slice %arg6[%gather3A_420, %gather3A_421, %gather3A_422] : memref<8x64x128xf32, #tpu.memory_space<vmem>> -> memref<1x64x128xf32, #tpu.memory_space<vmem>>
      %gather3A_424 = tpu.memref_squeeze %gather3A_423 : memref<1x64x128xf32, #tpu.memory_space<vmem>> -> memref<64x128xf32, #tpu.memory_space<vmem>>
      %gather3A_425 = tpu.vector_load_idx %gather3A_424[%add3A_15, %broadcast_in_dim3A] : memref<64x128xf32, #tpu.memory_space<vmem>>[vector<16xi32>, vector<16xi32>], vector<16xf32>,
      tpu.vector_store_idx %arg7[%add3A_15, %broadcast_in_dim3A_408], %gather3A_425 : memref<64x256xf32, #tpu.memory_space<vmem>>[vector<16xi32>, vector<16xi32>], vector<16xf32>,
      %gather3A_426 = arith.constant 0 : i32
      %gather3A_427 = arith.constant 0 : i32
      %gather3A_428 = arith.constant 0 : i32
      %gather3A_429 = tpu.memref_slice %arg6[%gather3A_426, %gather3A_427, %gather3A_428] : memref<8x64x128xf32, #tpu.memory_space<vmem>> -> memref<1x64x128xf32, #tpu.memory_space<vmem>>
      %gather3A_430 = tpu.memref_squeeze %gather3A_429 : memref<1x64x128xf32, #tpu.memory_space<vmem>> -> memref<64x128xf32, #tpu.memory_space<vmem>>
      %gather3A_431 = tpu.vector_load_idx %gather3A_430[%add3A_19, %broadcast_in_dim3A] : memref<64x128xf32, #tpu.memory_space<vmem>>[vector<16xi32>, vector<16xi32>], vector<16xf32>,
      tpu.vector_store_idx %arg7[%add3A_19, %broadcast_in_dim3A_408], %gather3A_431 : memref<64x256xf32, #tpu.memory_space<vmem>>[vector<16xi32>, vector<16xi32>], vector<16xf32>,
      %slice3A_432 = vector.extract_strided_slice %get3A_381 {offsets = [8], sizes = [1], strides = [1]} : vector<16xi32> to vector<1xi32>
      %squeeze3A_433 = vector.extract %slice3A_432[0] : i32 from vector<1xi32>
      %jit3A_434 = arith.constant 128 : i32
      %div3A_435 = arith.divsi %squeeze3A_433, %jit3A_434 : i32
      %sign3A_436 = arith.constant 0 : i32
      %sign3A_437 = arith.cmpi sgt, %squeeze3A_433, %sign3A_436 : i32
      %sign3A_438 = arith.extui %sign3A_437 : i1 to i32
      %sign3A_439 = arith.constant 0 : i32
      %sign3A_440 = arith.cmpi slt, %squeeze3A_433, %sign3A_439 : i32
      %sign3A_441 = arith.extui %sign3A_440 : i1 to i32
      %sign3A_442 = arith.subi %sign3A_438, %sign3A_441 : i32
      %sign3A_443 = arith.constant 0 : i32
      %sign3A_444 = arith.cmpi sgt, %jit3A_434, %sign3A_443 : i32
      %sign3A_445 = arith.extui %sign3A_444 : i1 to i32
      %sign3A_446 = arith.constant 0 : i32
      %sign3A_447 = arith.cmpi slt, %jit3A_434, %sign3A_446 : i32
      %sign3A_448 = arith.extui %sign3A_447 : i1 to i32
      %sign3A_449 = arith.subi %sign3A_445, %sign3A_448 : i32
      %ne3A_450 = arith.cmpi ne, %sign3A_442, %sign3A_449 : i32
      %rem3A_451 = arith.remsi %squeeze3A_433, %jit3A_434 : i32
      %ne3A_452 = arith.constant 0 : i32
      %ne3A_453 = arith.cmpi ne, %rem3A_451, %ne3A_452 : i32
      %and3A_454 = arith.andi %ne3A_450, %ne3A_453 : i1
      %sub3A_455 = arith.constant 1 : i32
      %sub3A_456 = arith.subi %div3A_435, %sub3A_455 : i32
      %select_n3A_457 = arith.select %and3A_454, %sub3A_456, %div3A_435 : i32
      %mul3A_458 = arith.constant 128 : i32
      %mul3A_459 = arith.muli %select_n3A_457, %mul3A_458 : i32
      %multiple_of3A_460 = tpu.assume_multiple %mul3A_459, 128 : i32
      %dma_start3A_461 = arith.constant 0 : i32
      %dma_start3A_462 = arith.constant 0 : i32
      %dma_start3A_463 = arith.constant 0 : i32
      %dma_start3A_464 = arith.constant 0 : i32
      %dma_start3A_465 = tpu.memref_slice %arg6[%dma_start3A_461, %dma_start3A_463, %dma_start3A_464] : memref<8x64x128xf32, #tpu.memory_space<vmem>> -> memref<1x64x128xf32, #tpu.memory_space<vmem>>
      %dma_start3A_466 = tpu.memref_squeeze %dma_start3A_465 : memref<1x64x128xf32, #tpu.memory_space<vmem>> -> memref<64x128xf32, #tpu.memory_space<vmem>>
      %dma_start3A_467 = arith.constant 0 : i32
      %dma_start3A_468 = tpu.memref_slice %arg3[%dma_start3A_467, %multiple_of3A_460] : memref<64x1000000xf32, #tpu.memory_space<hbm>> -> memref<64x128xf32, #tpu.memory_space<hbm>>
      %dma_start3A_469 = tpu.memref_slice %arg8[%dma_start3A_462] : memref<8x!tpu.dma_semaphore, #tpu.memory_space<semaphore_mem>> -> memref<1x!tpu.dma_semaphore, #tpu.memory_space<semaphore_mem>>
      %dma_start3A_470 = tpu.memref_squeeze %dma_start3A_469 : memref<1x!tpu.dma_semaphore, #tpu.memory_space<semaphore_mem>> -> memref<!tpu.dma_semaphore, #tpu.memory_space<semaphore_mem>>
      %dma_start3A_471 = arith.constant 0 : i32
      %dma_start3A_472 = arith.constant 0 : i32
      %dma_start3A_473 = tpu.memref_slice %arg6[%dma_start3A_461, %dma_start3A_471, %dma_start3A_472] : memref<8x64x128xf32, #tpu.memory_space<vmem>> -> memref<1x64x128xf32, #tpu.memory_space<vmem>>
      %dma_start3A_474 = tpu.memref_squeeze %dma_start3A_473 : memref<1x64x128xf32, #tpu.memory_space<vmem>> -> memref<64x128xf32, #tpu.memory_space<vmem>>
      %dma_start3A_475 = arith.constant 0 : i32
      %dma_start3A_476 = tpu.memref_slice %arg3[%dma_start3A_475, %multiple_of3A_460] : memref<64x1000000xf32, #tpu.memory_space<hbm>> -> memref<64x128xf32, #tpu.memory_space<hbm>>
      tpu.enqueue_dma source(%dma_start3A_476 : memref<64x128xf32, #tpu.memory_space<hbm>>) target(%dma_start3A_474 : memref<64x128xf32, #tpu.memory_space<vmem>>) target_semaphore(%dma_start3A_470 : memref<!tpu.dma_semaphore, #tpu.memory_space<semaphore_mem>>)
      %dma_wait3A_477 = arith.constant 1 : i32
      %dma_wait3A_478 = arith.constant 1 : i32
      %dma_wait3A_479 = arith.constant 0 : i32
      %dma_wait3A_480 = arith.constant 0 : i32
      %dma_wait3A_481 = tpu.memref_slice %arg6[%dma_wait3A_477, %dma_wait3A_479, %dma_wait3A_480] : memref<8x64x128xf32, #tpu.memory_space<vmem>> -> memref<1x64x128xf32, #tpu.memory_space<vmem>>
      %dma_wait3A_482 = tpu.memref_squeeze %dma_wait3A_481 : memref<1x64x128xf32, #tpu.memory_space<vmem>> -> memref<64x128xf32, #tpu.memory_space<vmem>>
      %dma_wait3A_483 = arith.constant 0 : i32
      %dma_wait3A_484 = arith.constant 0 : i32
      %dma_wait3A_485 = tpu.memref_slice %arg3[%dma_wait3A_483, %dma_wait3A_484] : memref<64x1000000xf32, #tpu.memory_space<hbm>> -> memref<64x128xf32, #tpu.memory_space<hbm>>
      %dma_wait3A_486 = tpu.memref_slice %arg8[%dma_wait3A_478] : memref<8x!tpu.dma_semaphore, #tpu.memory_space<semaphore_mem>> -> memref<1x!tpu.dma_semaphore, #tpu.memory_space<semaphore_mem>>
      %dma_wait3A_487 = tpu.memref_squeeze %dma_wait3A_486 : memref<1x!tpu.dma_semaphore, #tpu.memory_space<semaphore_mem>> -> memref<!tpu.dma_semaphore, #tpu.memory_space<semaphore_mem>>
      %dma_wait3A_488 = arith.constant 0 : i32
      %dma_wait3A_489 = arith.constant 0 : i32
      %dma_wait3A_490 = tpu.memref_slice %arg6[%dma_wait3A_477, %dma_wait3A_488, %dma_wait3A_489] : memref<8x64x128xf32, #tpu.memory_space<vmem>> -> memref<1x64x128xf32, #tpu.memory_space<vmem>>
      %dma_wait3A_491 = tpu.memref_squeeze %dma_wait3A_490 : memref<1x64x128xf32, #tpu.memory_space<vmem>> -> memref<64x128xf32, #tpu.memory_space<vmem>>
      %dma_wait3A_492 = arith.constant 0 : i32
      %dma_wait3A_493 = arith.constant 0 : i32
      %dma_wait3A_494 = tpu.memref_slice %arg3[%dma_wait3A_492, %dma_wait3A_493] : memref<64x1000000xf32, #tpu.memory_space<hbm>> -> memref<64x128xf32, #tpu.memory_space<hbm>>
      tpu.wait_dma2 semaphore(%dma_wait3A_487 : memref<!tpu.dma_semaphore, #tpu.memory_space<semaphore_mem>>) src(%dma_wait3A_494 : memref<64x128xf32, #tpu.memory_space<hbm>>) dst(%dma_wait3A_491 : memref<64x128xf32, #tpu.memory_space<vmem>>)
      %slice3A_495 = vector.extract_strided_slice %get3A_381 {offsets = [1], sizes = [1], strides = [1]} : vector<16xi32> to vector<1xi32>
      %squeeze3A_496 = vector.extract %slice3A_495[0] : i32 from vector<1xi32>
      %add3A_497 = arith.constant 1 : i32
      %add3A_498 = arith.addi %mul3A_379, %add3A_497 : i32
      %and3A_499 = arith.constant 127 : i32
      %and3A_500 = arith.andi %squeeze3A_496, %and3A_499 : i32
      %broadcast_in_dim3A_501 = vector.broadcast %and3A_500 : i32 to vector<16xi32>
      %and3A_502 = arith.constant 255 : i32
      %and3A_503 = arith.andi %add3A_498, %and3A_502 : i32
      %broadcast_in_dim3A_504 = vector.broadcast %and3A_503 : i32 to vector<16xi32>
      %gather3A_505 = arith.constant 1 : i32
      %gather3A_506 = arith.constant 0 : i32
      %gather3A_507 = arith.constant 0 : i32
      %gather3A_508 = tpu.memref_slice %arg6[%gather3A_505, %gather3A_506, %gather3A_507] : memref<8x64x128xf32, #tpu.memory_space<vmem>> -> memref<1x64x128xf32, #tpu.memory_space<vmem>>
      %gather3A_509 = tpu.memref_squeeze %gather3A_508 : memref<1x64x128xf32, #tpu.memory_space<vmem>> -> memref<64x128xf32, #tpu.memory_space<vmem>>
      %gather3A_510 = tpu.vector_load_idx %gather3A_509[%add3A_7, %broadcast_in_dim3A_501] : memref<64x128xf32, #tpu.memory_space<vmem>>[vector<16xi32>, vector<16xi32>], vector<16xf32>,
      tpu.vector_store_idx %arg7[%add3A_7, %broadcast_in_dim3A_504], %gather3A_510 : memref<64x256xf32, #tpu.memory_space<vmem>>[vector<16xi32>, vector<16xi32>], vector<16xf32>,
      %gather3A_511 = arith.constant 1 : i32
      %gather3A_512 = arith.constant 0 : i32
      %gather3A_513 = arith.constant 0 : i32
      %gather3A_514 = tpu.memref_slice %arg6[%gather3A_511, %gather3A_512, %gather3A_513] : memref<8x64x128xf32, #tpu.memory_space<vmem>> -> memref<1x64x128xf32, #tpu.memory_space<vmem>>
      %gather3A_515 = tpu.memref_squeeze %gather3A_514 : memref<1x64x128xf32, #tpu.memory_space<vmem>> -> memref<64x128xf32, #tpu.memory_space<vmem>>
      %gather3A_516 = tpu.vector_load_idx %gather3A_515[%add3A_11, %broadcast_in_dim3A_501] : memref<64x128xf32, #tpu.memory_space<vmem>>[vector<16xi32>, vector<16xi32>], vector<16xf32>,
      tpu.vector_store_idx %arg7[%add3A_11, %broadcast_in_dim3A_504], %gather3A_516 : memref<64x256xf32, #tpu.memory_space<vmem>>[vector<16xi32>, vector<16xi32>], vector<16xf32>,
      %gather3A_517 = arith.constant 1 : i32
      %gather3A_518 = arith.constant 0 : i32
      %gather3A_519 = arith.constant 0 : i32
      %gather3A_520 = tpu.memref_slice %arg6[%gather3A_517, %gather3A_518, %gather3A_519] : memref<8x64x128xf32, #tpu.memory_space<vmem>> -> memref<1x64x128xf32, #tpu.memory_space<vmem>>
      %gather3A_521 = tpu.memref_squeeze %gather3A_520 : memref<1x64x128xf32, #tpu.memory_space<vmem>> -> memref<64x128xf32, #tpu.memory_space<vmem>>
      %gather3A_522 = tpu.vector_load_idx %gather3A_521[%add3A_15, %broadcast_in_dim3A_501] : memref<64x128xf32, #tpu.memory_space<vmem>>[vector<16xi32>, vector<16xi32>], vector<16xf32>,
      tpu.vector_store_idx %arg7[%add3A_15, %broadcast_in_dim3A_504], %gather3A_522 : memref<64x256xf32, #tpu.memory_space<vmem>>[vector<16xi32>, vector<16xi32>], vector<16xf32>,
      %gather3A_523 = arith.constant 1 : i32
      %gather3A_524 = arith.constant 0 : i32
      %gather3A_525 = arith.constant 0 : i32
      %gather3A_526 = tpu.memref_slice %arg6[%gather3A_523, %gather3A_524, %gather3A_525] : memref<8x64x128xf32, #tpu.memory_space<vmem>> -> memref<1x64x128xf32, #tpu.memory_space<vmem>>
      %gather3A_527 = tpu.memref_squeeze %gather3A_526 : memref<1x64x128xf32, #tpu.memory_space<vmem>> -> memref<64x128xf32, #tpu.memory_space<vmem>>
      %gather3A_528 = tpu.vector_load_idx %gather3A_527[%add3A_19, %broadcast_in_dim3A_501] : memref<64x128xf32, #tpu.memory_space<vmem>>[vector<16xi32>, vector<16xi32>], vector<16xf32>,
      tpu.vector_store_idx %arg7[%add3A_19, %broadcast_in_dim3A_504], %gather3A_528 : memref<64x256xf32, #tpu.memory_space<vmem>>[vector<16xi32>, vector<16xi32>], vector<16xf32>,
      %slice3A_529 = vector.extract_strided_slice %get3A_381 {offsets = [9], sizes = [1], strides = [1]} : vector<16xi32> to vector<1xi32>
      %squeeze3A_530 = vector.extract %slice3A_529[0] : i32 from vector<1xi32>
      %jit3A_531 = arith.constant 128 : i32
      %div3A_532 = arith.divsi %squeeze3A_530, %jit3A_531 : i32
      %sign3A_533 = arith.constant 0 : i32
      %sign3A_534 = arith.cmpi sgt, %squeeze3A_530, %sign3A_533 : i32
      %sign3A_535 = arith.extui %sign3A_534 : i1 to i32
      %sign3A_536 = arith.constant 0 : i32
      %sign3A_537 = arith.cmpi slt, %squeeze3A_530, %sign3A_536 : i32
      %sign3A_538 = arith.extui %sign3A_537 : i1 to i32
      %sign3A_539 = arith.subi %sign3A_535, %sign3A_538 : i32
      %sign3A_540 = arith.constant 0 : i32
      %sign3A_541 = arith.cmpi sgt, %jit3A_531, %sign3A_540 : i32
      %sign3A_542 = arith.extui %sign3A_541 : i1 to i32
      %sign3A_543 = arith.constant 0 : i32
      %sign3A_544 = arith.cmpi slt, %jit3A_531, %sign3A_543 : i32
      %sign3A_545 = arith.extui %sign3A_544 : i1 to i32
      %sign3A_546 = arith.subi %sign3A_542, %sign3A_545 : i32
      %ne3A_547 = arith.cmpi ne, %sign3A_539, %sign3A_546 : i32
      %rem3A_548 = arith.remsi %squeeze3A_530, %jit3A_531 : i32
      %ne3A_549 = arith.constant 0 : i32
      %ne3A_550 = arith.cmpi ne, %rem3A_548, %ne3A_549 : i32
      %and3A_551 = arith.andi %ne3A_547, %ne3A_550 : i1
      %sub3A_552 = arith.constant 1 : i32
      %sub3A_553 = arith.subi %div3A_532, %sub3A_552 : i32
      %select_n3A_554 = arith.select %and3A_551, %sub3A_553, %div3A_532 : i32
      %mul3A_555 = arith.constant 128 : i32
      %mul3A_556 = arith.muli %select_n3A_554, %mul3A_555 : i32
      %multiple_of3A_557 = tpu.assume_multiple %mul3A_556, 128 : i32
      %dma_start3A_558 = arith.constant 1 : i32
      %dma_start3A_559 = arith.constant 1 : i32
      %dma_start3A_560 = arith.constant 0 : i32
      %dma_start3A_561 = arith.constant 0 : i32
      %dma_start3A_562 = tpu.memref_slice %arg6[%dma_start3A_558, %dma_start3A_560, %dma_start3A_561] : memref<8x64x128xf32, #tpu.memory_space<vmem>> -> memref<1x64x128xf32, #tpu.memory_space<vmem>>
      %dma_start3A_563 = tpu.memref_squeeze %dma_start3A_562 : memref<1x64x128xf32, #tpu.memory_space<vmem>> -> memref<64x128xf32, #tpu.memory_space<vmem>>
      %dma_start3A_564 = arith.constant 0 : i32
      %dma_start3A_565 = tpu.memref_slice %arg3[%dma_start3A_564, %multiple_of3A_557] : memref<64x1000000xf32, #tpu.memory_space<hbm>> -> memref<64x128xf32, #tpu.memory_space<hbm>>
      %dma_start3A_566 = tpu.memref_slice %arg8[%dma_start3A_559] : memref<8x!tpu.dma_semaphore, #tpu.memory_space<semaphore_mem>> -> memref<1x!tpu.dma_semaphore, #tpu.memory_space<semaphore_mem>>
      %dma_start3A_567 = tpu.memref_squeeze %dma_start3A_566 : memref<1x!tpu.dma_semaphore, #tpu.memory_space<semaphore_mem>> -> memref<!tpu.dma_semaphore, #tpu.memory_space<semaphore_mem>>
      %dma_start3A_568 = arith.constant 0 : i32
      %dma_start3A_569 = arith.constant 0 : i32
      %dma_start3A_570 = tpu.memref_slice %arg6[%dma_start3A_558, %dma_start3A_568, %dma_start3A_569] : memref<8x64x128xf32, #tpu.memory_space<vmem>> -> memref<1x64x128xf32, #tpu.memory_space<vmem>>
      %dma_start3A_571 = tpu.memref_squeeze %dma_start3A_570 : memref<1x64x128xf32, #tpu.memory_space<vmem>> -> memref<64x128xf32, #tpu.memory_space<vmem>>
      %dma_start3A_572 = arith.constant 0 : i32
      %dma_start3A_573 = tpu.memref_slice %arg3[%dma_start3A_572, %multiple_of3A_557] : memref<64x1000000xf32, #tpu.memory_space<hbm>> -> memref<64x128xf32, #tpu.memory_space<hbm>>
      tpu.enqueue_dma source(%dma_start3A_573 : memref<64x128xf32, #tpu.memory_space<hbm>>) target(%dma_start3A_571 : memref<64x128xf32, #tpu.memory_space<vmem>>) target_semaphore(%dma_start3A_567 : memref<!tpu.dma_semaphore, #tpu.memory_space<semaphore_mem>>)
      %dma_wait3A_574 = arith.constant 2 : i32
      %dma_wait3A_575 = arith.constant 2 : i32
      %dma_wait3A_576 = arith.constant 0 : i32
      %dma_wait3A_577 = arith.constant 0 : i32
      %dma_wait3A_578 = tpu.memref_slice %arg6[%dma_wait3A_574, %dma_wait3A_576, %dma_wait3A_577] : memref<8x64x128xf32, #tpu.memory_space<vmem>> -> memref<1x64x128xf32, #tpu.memory_space<vmem>>
      %dma_wait3A_579 = tpu.memref_squeeze %dma_wait3A_578 : memref<1x64x128xf32, #tpu.memory_space<vmem>> -> memref<64x128xf32, #tpu.memory_space<vmem>>
      %dma_wait3A_580 = arith.constant 0 : i32
      %dma_wait3A_581 = arith.constant 0 : i32
      %dma_wait3A_582 = tpu.memref_slice %arg3[%dma_wait3A_580, %dma_wait3A_581] : memref<64x1000000xf32, #tpu.memory_space<hbm>> -> memref<64x128xf32, #tpu.memory_space<hbm>>
      %dma_wait3A_583 = tpu.memref_slice %arg8[%dma_wait3A_575] : memref<8x!tpu.dma_semaphore, #tpu.memory_space<semaphore_mem>> -> memref<1x!tpu.dma_semaphore, #tpu.memory_space<semaphore_mem>>
      %dma_wait3A_584 = tpu.memref_squeeze %dma_wait3A_583 : memref<1x!tpu.dma_semaphore, #tpu.memory_space<semaphore_mem>> -> memref<!tpu.dma_semaphore, #tpu.memory_space<semaphore_mem>>
      %dma_wait3A_585 = arith.constant 0 : i32
      %dma_wait3A_586 = arith.constant 0 : i32
      %dma_wait3A_587 = tpu.memref_slice %arg6[%dma_wait3A_574, %dma_wait3A_585, %dma_wait3A_586] : memref<8x64x128xf32, #tpu.memory_space<vmem>> -> memref<1x64x128xf32, #tpu.memory_space<vmem>>
      %dma_wait3A_588 = tpu.memref_squeeze %dma_wait3A_587 : memref<1x64x128xf32, #tpu.memory_space<vmem>> -> memref<64x128xf32, #tpu.memory_space<vmem>>
      %dma_wait3A_589 = arith.constant 0 : i32
      %dma_wait3A_590 = arith.constant 0 : i32
      %dma_wait3A_591 = tpu.memref_slice %arg3[%dma_wait3A_589, %dma_wait3A_590] : memref<64x1000000xf32, #tpu.memory_space<hbm>> -> memref<64x128xf32, #tpu.memory_space<hbm>>
      tpu.wait_dma2 semaphore(%dma_wait3A_584 : memref<!tpu.dma_semaphore, #tpu.memory_space<semaphore_mem>>) src(%dma_wait3A_591 : memref<64x128xf32, #tpu.memory_space<hbm>>) dst(%dma_wait3A_588 : memref<64x128xf32, #tpu.memory_space<vmem>>)
      %slice3A_592 = vector.extract_strided_slice %get3A_381 {offsets = [2], sizes = [1], strides = [1]} : vector<16xi32> to vector<1xi32>
      %squeeze3A_593 = vector.extract %slice3A_592[0] : i32 from vector<1xi32>
      %add3A_594 = arith.constant 2 : i32
      %add3A_595 = arith.addi %mul3A_379, %add3A_594 : i32
      %and3A_596 = arith.constant 127 : i32
      %and3A_597 = arith.andi %squeeze3A_593, %and3A_596 : i32
      %broadcast_in_dim3A_598 = vector.broadcast %and3A_597 : i32 to vector<16xi32>
      %and3A_599 = arith.constant 255 : i32
      %and3A_600 = arith.andi %add3A_595, %and3A_599 : i32
      %broadcast_in_dim3A_601 = vector.broadcast %and3A_600 : i32 to vector<16xi32>
      %gather3A_602 = arith.constant 2 : i32
      %gather3A_603 = arith.constant 0 : i32
      %gather3A_604 = arith.constant 0 : i32
      %gather3A_605 = tpu.memref_slice %arg6[%gather3A_602, %gather3A_603, %gather3A_604] : memref<8x64x128xf32, #tpu.memory_space<vmem>> -> memref<1x64x128xf32, #tpu.memory_space<vmem>>
      %gather3A_606 = tpu.memref_squeeze %gather3A_605 : memref<1x64x128xf32, #tpu.memory_space<vmem>> -> memref<64x128xf32, #tpu.memory_space<vmem>>
      %gather3A_607 = tpu.vector_load_idx %gather3A_606[%add3A_7, %broadcast_in_dim3A_598] : memref<64x128xf32, #tpu.memory_space<vmem>>[vector<16xi32>, vector<16xi32>], vector<16xf32>,
      tpu.vector_store_idx %arg7[%add3A_7, %broadcast_in_dim3A_601], %gather3A_607 : memref<64x256xf32, #tpu.memory_space<vmem>>[vector<16xi32>, vector<16xi32>], vector<16xf32>,
      %gather3A_608 = arith.constant 2 : i32
      %gather3A_609 = arith.constant 0 : i32
      %gather3A_610 = arith.constant 0 : i32
      %gather3A_611 = tpu.memref_slice %arg6[%gather3A_608, %gather3A_609, %gather3A_610] : memref<8x64x128xf32, #tpu.memory_space<vmem>> -> memref<1x64x128xf32, #tpu.memory_space<vmem>>
      %gather3A_612 = tpu.memref_squeeze %gather3A_611 : memref<1x64x128xf32, #tpu.memory_space<vmem>> -> memref<64x128xf32, #tpu.memory_space<vmem>>
      %gather3A_613 = tpu.vector_load_idx %gather3A_612[%add3A_11, %broadcast_in_dim3A_598] : memref<64x128xf32, #tpu.memory_space<vmem>>[vector<16xi32>, vector<16xi32>], vector<16xf32>,
      tpu.vector_store_idx %arg7[%add3A_11, %broadcast_in_dim3A_601], %gather3A_613 : memref<64x256xf32, #tpu.memory_space<vmem>>[vector<16xi32>, vector<16xi32>], vector<16xf32>,
      %gather3A_614 = arith.constant 2 : i32
      %gather3A_615 = arith.constant 0 : i32
      %gather3A_616 = arith.constant 0 : i32
      %gather3A_617 = tpu.memref_slice %arg6[%gather3A_614, %gather3A_615, %gather3A_616] : memref<8x64x128xf32, #tpu.memory_space<vmem>> -> memref<1x64x128xf32, #tpu.memory_space<vmem>>
      %gather3A_618 = tpu.memref_squeeze %gather3A_617 : memref<1x64x128xf32, #tpu.memory_space<vmem>> -> memref<64x128xf32, #tpu.memory_space<vmem>>
      %gather3A_619 = tpu.vector_load_idx %gather3A_618[%add3A_15, %broadcast_in_dim3A_598] : memref<64x128xf32, #tpu.memory_space<vmem>>[vector<16xi32>, vector<16xi32>], vector<16xf32>,
      tpu.vector_store_idx %arg7[%add3A_15, %broadcast_in_dim3A_601], %gather3A_619 : memref<64x256xf32, #tpu.memory_space<vmem>>[vector<16xi32>, vector<16xi32>], vector<16xf32>,
      %gather3A_620 = arith.constant 2 : i32
      %gather3A_621 = arith.constant 0 : i32
      %gather3A_622 = arith.constant 0 : i32
      %gather3A_623 = tpu.memref_slice %arg6[%gather3A_620, %gather3A_621, %gather3A_622] : memref<8x64x128xf32, #tpu.memory_space<vmem>> -> memref<1x64x128xf32, #tpu.memory_space<vmem>>
      %gather3A_624 = tpu.memref_squeeze %gather3A_623 : memref<1x64x128xf32, #tpu.memory_space<vmem>> -> memref<64x128xf32, #tpu.memory_space<vmem>>
      %gather3A_625 = tpu.vector_load_idx %gather3A_624[%add3A_19, %broadcast_in_dim3A_598] : memref<64x128xf32, #tpu.memory_space<vmem>>[vector<16xi32>, vector<16xi32>], vector<16xf32>,
      tpu.vector_store_idx %arg7[%add3A_19, %broadcast_in_dim3A_601], %gather3A_625 : memref<64x256xf32, #tpu.memory_space<vmem>>[vector<16xi32>, vector<16xi32>], vector<16xf32>,
      %slice3A_626 = vector.extract_strided_slice %get3A_381 {offsets = [10], sizes = [1], strides = [1]} : vector<16xi32> to vector<1xi32>
      %squeeze3A_627 = vector.extract %slice3A_626[0] : i32 from vector<1xi32>
      %jit3A_628 = arith.constant 128 : i32
      %div3A_629 = arith.divsi %squeeze3A_627, %jit3A_628 : i32
      %sign3A_630 = arith.constant 0 : i32
      %sign3A_631 = arith.cmpi sgt, %squeeze3A_627, %sign3A_630 : i32
      %sign3A_632 = arith.extui %sign3A_631 : i1 to i32
      %sign3A_633 = arith.constant 0 : i32
      %sign3A_634 = arith.cmpi slt, %squeeze3A_627, %sign3A_633 : i32
      %sign3A_635 = arith.extui %sign3A_634 : i1 to i32
      %sign3A_636 = arith.subi %sign3A_632, %sign3A_635 : i32
      %sign3A_637 = arith.constant 0 : i32
      %sign3A_638 = arith.cmpi sgt, %jit3A_628, %sign3A_637 : i32
      %sign3A_639 = arith.extui %sign3A_638 : i1 to i32
      %sign3A_640 = arith.constant 0 : i32
      %sign3A_641 = arith.cmpi slt, %jit3A_628, %sign3A_640 : i32
      %sign3A_642 = arith.extui %sign3A_641 : i1 to i32
      %sign3A_643 = arith.subi %sign3A_639, %sign3A_642 : i32
      %ne3A_644 = arith.cmpi ne, %sign3A_636, %sign3A_643 : i32
      %rem3A_645 = arith.remsi %squeeze3A_627, %jit3A_628 : i32
      %ne3A_646 = arith.constant 0 : i32
      %ne3A_647 = arith.cmpi ne, %rem3A_645, %ne3A_646 : i32
      %and3A_648 = arith.andi %ne3A_644, %ne3A_647 : i1
      %sub3A_649 = arith.constant 1 : i32
      %sub3A_650 = arith.subi %div3A_629, %sub3A_649 : i32
      %select_n3A_651 = arith.select %and3A_648, %sub3A_650, %div3A_629 : i32
      %mul3A_652 = arith.constant 128 : i32
      %mul3A_653 = arith.muli %select_n3A_651, %mul3A_652 : i32
      %multiple_of3A_654 = tpu.assume_multiple %mul3A_653, 128 : i32
      %dma_start3A_655 = arith.constant 2 : i32
      %dma_start3A_656 = arith.constant 2 : i32
      %dma_start3A_657 = arith.constant 0 : i32
      %dma_start3A_658 = arith.constant 0 : i32
      %dma_start3A_659 = tpu.memref_slice %arg6[%dma_start3A_655, %dma_start3A_657, %dma_start3A_658] : memref<8x64x128xf32, #tpu.memory_space<vmem>> -> memref<1x64x128xf32, #tpu.memory_space<vmem>>
      %dma_start3A_660 = tpu.memref_squeeze %dma_start3A_659 : memref<1x64x128xf32, #tpu.memory_space<vmem>> -> memref<64x128xf32, #tpu.memory_space<vmem>>
      %dma_start3A_661 = arith.constant 0 : i32
      %dma_start3A_662 = tpu.memref_slice %arg3[%dma_start3A_661, %multiple_of3A_654] : memref<64x1000000xf32, #tpu.memory_space<hbm>> -> memref<64x128xf32, #tpu.memory_space<hbm>>
      %dma_start3A_663 = tpu.memref_slice %arg8[%dma_start3A_656] : memref<8x!tpu.dma_semaphore, #tpu.memory_space<semaphore_mem>> -> memref<1x!tpu.dma_semaphore, #tpu.memory_space<semaphore_mem>>
      %dma_start3A_664 = tpu.memref_squeeze %dma_start3A_663 : memref<1x!tpu.dma_semaphore, #tpu.memory_space<semaphore_mem>> -> memref<!tpu.dma_semaphore, #tpu.memory_space<semaphore_mem>>
      %dma_start3A_665 = arith.constant 0 : i32
      %dma_start3A_666 = arith.constant 0 : i32
      %dma_start3A_667 = tpu.memref_slice %arg6[%dma_start3A_655, %dma_start3A_665, %dma_start3A_666] : memref<8x64x128xf32, #tpu.memory_space<vmem>> -> memref<1x64x128xf32, #tpu.memory_space<vmem>>
      %dma_start3A_668 = tpu.memref_squeeze %dma_start3A_667 : memref<1x64x128xf32, #tpu.memory_space<vmem>> -> memref<64x128xf32, #tpu.memory_space<vmem>>
      %dma_start3A_669 = arith.constant 0 : i32
      %dma_start3A_670 = tpu.memref_slice %arg3[%dma_start3A_669, %multiple_of3A_654] : memref<64x1000000xf32, #tpu.memory_space<hbm>> -> memref<64x128xf32, #tpu.memory_space<hbm>>
      tpu.enqueue_dma source(%dma_start3A_670 : memref<64x128xf32, #tpu.memory_space<hbm>>) target(%dma_start3A_668 : memref<64x128xf32, #tpu.memory_space<vmem>>) target_semaphore(%dma_start3A_664 : memref<!tpu.dma_semaphore, #tpu.memory_space<semaphore_mem>>)
      %dma_wait3A_671 = arith.constant 3 : i32
      %dma_wait3A_672 = arith.constant 3 : i32
      %dma_wait3A_673 = arith.constant 0 : i32
      %dma_wait3A_674 = arith.constant 0 : i32
      %dma_wait3A_675 = tpu.memref_slice %arg6[%dma_wait3A_671, %dma_wait3A_673, %dma_wait3A_674] : memref<8x64x128xf32, #tpu.memory_space<vmem>> -> memref<1x64x128xf32, #tpu.memory_space<vmem>>
      %dma_wait3A_676 = tpu.memref_squeeze %dma_wait3A_675 : memref<1x64x128xf32, #tpu.memory_space<vmem>> -> memref<64x128xf32, #tpu.memory_space<vmem>>
      %dma_wait3A_677 = arith.constant 0 : i32
      %dma_wait3A_678 = arith.constant 0 : i32
      %dma_wait3A_679 = tpu.memref_slice %arg3[%dma_wait3A_677, %dma_wait3A_678] : memref<64x1000000xf32, #tpu.memory_space<hbm>> -> memref<64x128xf32, #tpu.memory_space<hbm>>
      %dma_wait3A_680 = tpu.memref_slice %arg8[%dma_wait3A_672] : memref<8x!tpu.dma_semaphore, #tpu.memory_space<semaphore_mem>> -> memref<1x!tpu.dma_semaphore, #tpu.memory_space<semaphore_mem>>
      %dma_wait3A_681 = tpu.memref_squeeze %dma_wait3A_680 : memref<1x!tpu.dma_semaphore, #tpu.memory_space<semaphore_mem>> -> memref<!tpu.dma_semaphore, #tpu.memory_space<semaphore_mem>>
      %dma_wait3A_682 = arith.constant 0 : i32
      %dma_wait3A_683 = arith.constant 0 : i32
      %dma_wait3A_684 = tpu.memref_slice %arg6[%dma_wait3A_671, %dma_wait3A_682, %dma_wait3A_683] : memref<8x64x128xf32, #tpu.memory_space<vmem>> -> memref<1x64x128xf32, #tpu.memory_space<vmem>>
      %dma_wait3A_685 = tpu.memref_squeeze %dma_wait3A_684 : memref<1x64x128xf32, #tpu.memory_space<vmem>> -> memref<64x128xf32, #tpu.memory_space<vmem>>
      %dma_wait3A_686 = arith.constant 0 : i32
      %dma_wait3A_687 = arith.constant 0 : i32
      %dma_wait3A_688 = tpu.memref_slice %arg3[%dma_wait3A_686, %dma_wait3A_687] : memref<64x1000000xf32, #tpu.memory_space<hbm>> -> memref<64x128xf32, #tpu.memory_space<hbm>>
      tpu.wait_dma2 semaphore(%dma_wait3A_681 : memref<!tpu.dma_semaphore, #tpu.memory_space<semaphore_mem>>) src(%dma_wait3A_688 : memref<64x128xf32, #tpu.memory_space<hbm>>) dst(%dma_wait3A_685 : memref<64x128xf32, #tpu.memory_space<vmem>>)
      %slice3A_689 = vector.extract_strided_slice %get3A_381 {offsets = [3], sizes = [1], strides = [1]} : vector<16xi32> to vector<1xi32>
      %squeeze3A_690 = vector.extract %slice3A_689[0] : i32 from vector<1xi32>
      %add3A_691 = arith.constant 3 : i32
      %add3A_692 = arith.addi %mul3A_379, %add3A_691 : i32
      %and3A_693 = arith.constant 127 : i32
      %and3A_694 = arith.andi %squeeze3A_690, %and3A_693 : i32
      %broadcast_in_dim3A_695 = vector.broadcast %and3A_694 : i32 to vector<16xi32>
      %and3A_696 = arith.constant 255 : i32
      %and3A_697 = arith.andi %add3A_692, %and3A_696 : i32
      %broadcast_in_dim3A_698 = vector.broadcast %and3A_697 : i32 to vector<16xi32>
      %gather3A_699 = arith.constant 3 : i32
      %gather3A_700 = arith.constant 0 : i32
      %gather3A_701 = arith.constant 0 : i32
      %gather3A_702 = tpu.memref_slice %arg6[%gather3A_699, %gather3A_700, %gather3A_701] : memref<8x64x128xf32, #tpu.memory_space<vmem>> -> memref<1x64x128xf32, #tpu.memory_space<vmem>>
      %gather3A_703 = tpu.memref_squeeze %gather3A_702 : memref<1x64x128xf32, #tpu.memory_space<vmem>> -> memref<64x128xf32, #tpu.memory_space<vmem>>
      %gather3A_704 = tpu.vector_load_idx %gather3A_703[%add3A_7, %broadcast_in_dim3A_695] : memref<64x128xf32, #tpu.memory_space<vmem>>[vector<16xi32>, vector<16xi32>], vector<16xf32>,
      tpu.vector_store_idx %arg7[%add3A_7, %broadcast_in_dim3A_698], %gather3A_704 : memref<64x256xf32, #tpu.memory_space<vmem>>[vector<16xi32>, vector<16xi32>], vector<16xf32>,
      %gather3A_705 = arith.constant 3 : i32
      %gather3A_706 = arith.constant 0 : i32
      %gather3A_707 = arith.constant 0 : i32
      %gather3A_708 = tpu.memref_slice %arg6[%gather3A_705, %gather3A_706, %gather3A_707] : memref<8x64x128xf32, #tpu.memory_space<vmem>> -> memref<1x64x128xf32, #tpu.memory_space<vmem>>
      %gather3A_709 = tpu.memref_squeeze %gather3A_708 : memref<1x64x128xf32, #tpu.memory_space<vmem>> -> memref<64x128xf32, #tpu.memory_space<vmem>>
      %gather3A_710 = tpu.vector_load_idx %gather3A_709[%add3A_11, %broadcast_in_dim3A_695] : memref<64x128xf32, #tpu.memory_space<vmem>>[vector<16xi32>, vector<16xi32>], vector<16xf32>,
      tpu.vector_store_idx %arg7[%add3A_11, %broadcast_in_dim3A_698], %gather3A_710 : memref<64x256xf32, #tpu.memory_space<vmem>>[vector<16xi32>, vector<16xi32>], vector<16xf32>,
      %gather3A_711 = arith.constant 3 : i32
      %gather3A_712 = arith.constant 0 : i32
      %gather3A_713 = arith.constant 0 : i32
      %gather3A_714 = tpu.memref_slice %arg6[%gather3A_711, %gather3A_712, %gather3A_713] : memref<8x64x128xf32, #tpu.memory_space<vmem>> -> memref<1x64x128xf32, #tpu.memory_space<vmem>>
      %gather3A_715 = tpu.memref_squeeze %gather3A_714 : memref<1x64x128xf32, #tpu.memory_space<vmem>> -> memref<64x128xf32, #tpu.memory_space<vmem>>
      %gather3A_716 = tpu.vector_load_idx %gather3A_715[%add3A_15, %broadcast_in_dim3A_695] : memref<64x128xf32, #tpu.memory_space<vmem>>[vector<16xi32>, vector<16xi32>], vector<16xf32>,
      tpu.vector_store_idx %arg7[%add3A_15, %broadcast_in_dim3A_698], %gather3A_716 : memref<64x256xf32, #tpu.memory_space<vmem>>[vector<16xi32>, vector<16xi32>], vector<16xf32>,
      %gather3A_717 = arith.constant 3 : i32
      %gather3A_718 = arith.constant 0 : i32
      %gather3A_719 = arith.constant 0 : i32
      %gather3A_720 = tpu.memref_slice %arg6[%gather3A_717, %gather3A_718, %gather3A_719] : memref<8x64x128xf32, #tpu.memory_space<vmem>> -> memref<1x64x128xf32, #tpu.memory_space<vmem>>
      %gather3A_721 = tpu.memref_squeeze %gather3A_720 : memref<1x64x128xf32, #tpu.memory_space<vmem>> -> memref<64x128xf32, #tpu.memory_space<vmem>>
      %gather3A_722 = tpu.vector_load_idx %gather3A_721[%add3A_19, %broadcast_in_dim3A_695] : memref<64x128xf32, #tpu.memory_space<vmem>>[vector<16xi32>, vector<16xi32>], vector<16xf32>,
      tpu.vector_store_idx %arg7[%add3A_19, %broadcast_in_dim3A_698], %gather3A_722 : memref<64x256xf32, #tpu.memory_space<vmem>>[vector<16xi32>, vector<16xi32>], vector<16xf32>,
      %slice3A_723 = vector.extract_strided_slice %get3A_381 {offsets = [11], sizes = [1], strides = [1]} : vector<16xi32> to vector<1xi32>
      %squeeze3A_724 = vector.extract %slice3A_723[0] : i32 from vector<1xi32>
      %jit3A_725 = arith.constant 128 : i32
      %div3A_726 = arith.divsi %squeeze3A_724, %jit3A_725 : i32
      %sign3A_727 = arith.constant 0 : i32
      %sign3A_728 = arith.cmpi sgt, %squeeze3A_724, %sign3A_727 : i32
      %sign3A_729 = arith.extui %sign3A_728 : i1 to i32
      %sign3A_730 = arith.constant 0 : i32
      %sign3A_731 = arith.cmpi slt, %squeeze3A_724, %sign3A_730 : i32
      %sign3A_732 = arith.extui %sign3A_731 : i1 to i32
      %sign3A_733 = arith.subi %sign3A_729, %sign3A_732 : i32
      %sign3A_734 = arith.constant 0 : i32
      %sign3A_735 = arith.cmpi sgt, %jit3A_725, %sign3A_734 : i32
      %sign3A_736 = arith.extui %sign3A_735 : i1 to i32
      %sign3A_737 = arith.constant 0 : i32
      %sign3A_738 = arith.cmpi slt, %jit3A_725, %sign3A_737 : i32
      %sign3A_739 = arith.extui %sign3A_738 : i1 to i32
      %sign3A_740 = arith.subi %sign3A_736, %sign3A_739 : i32
      %ne3A_741 = arith.cmpi ne, %sign3A_733, %sign3A_740 : i32
      %rem3A_742 = arith.remsi %squeeze3A_724, %jit3A_725 : i32
      %ne3A_743 = arith.constant 0 : i32
      %ne3A_744 = arith.cmpi ne, %rem3A_742, %ne3A_743 : i32
      %and3A_745 = arith.andi %ne3A_741, %ne3A_744 : i1
      %sub3A_746 = arith.constant 1 : i32
      %sub3A_747 = arith.subi %div3A_726, %sub3A_746 : i32
      %select_n3A_748 = arith.select %and3A_745, %sub3A_747, %div3A_726 : i32
      %mul3A_749 = arith.constant 128 : i32
      %mul3A_750 = arith.muli %select_n3A_748, %mul3A_749 : i32
      %multiple_of3A_751 = tpu.assume_multiple %mul3A_750, 128 : i32
      %dma_start3A_752 = arith.constant 3 : i32
      %dma_start3A_753 = arith.constant 3 : i32
      %dma_start3A_754 = arith.constant 0 : i32
      %dma_start3A_755 = arith.constant 0 : i32
      %dma_start3A_756 = tpu.memref_slice %arg6[%dma_start3A_752, %dma_start3A_754, %dma_start3A_755] : memref<8x64x128xf32, #tpu.memory_space<vmem>> -> memref<1x64x128xf32, #tpu.memory_space<vmem>>
      %dma_start3A_757 = tpu.memref_squeeze %dma_start3A_756 : memref<1x64x128xf32, #tpu.memory_space<vmem>> -> memref<64x128xf32, #tpu.memory_space<vmem>>
      %dma_start3A_758 = arith.constant 0 : i32
      %dma_start3A_759 = tpu.memref_slice %arg3[%dma_start3A_758, %multiple_of3A_751] : memref<64x1000000xf32, #tpu.memory_space<hbm>> -> memref<64x128xf32, #tpu.memory_space<hbm>>
      %dma_start3A_760 = tpu.memref_slice %arg8[%dma_start3A_753] : memref<8x!tpu.dma_semaphore, #tpu.memory_space<semaphore_mem>> -> memref<1x!tpu.dma_semaphore, #tpu.memory_space<semaphore_mem>>
      %dma_start3A_761 = tpu.memref_squeeze %dma_start3A_760 : memref<1x!tpu.dma_semaphore, #tpu.memory_space<semaphore_mem>> -> memref<!tpu.dma_semaphore, #tpu.memory_space<semaphore_mem>>
      %dma_start3A_762 = arith.constant 0 : i32
      %dma_start3A_763 = arith.constant 0 : i32
      %dma_start3A_764 = tpu.memref_slice %arg6[%dma_start3A_752, %dma_start3A_762, %dma_start3A_763] : memref<8x64x128xf32, #tpu.memory_space<vmem>> -> memref<1x64x128xf32, #tpu.memory_space<vmem>>
      %dma_start3A_765 = tpu.memref_squeeze %dma_start3A_764 : memref<1x64x128xf32, #tpu.memory_space<vmem>> -> memref<64x128xf32, #tpu.memory_space<vmem>>
      %dma_start3A_766 = arith.constant 0 : i32
      %dma_start3A_767 = tpu.memref_slice %arg3[%dma_start3A_766, %multiple_of3A_751] : memref<64x1000000xf32, #tpu.memory_space<hbm>> -> memref<64x128xf32, #tpu.memory_space<hbm>>
      tpu.enqueue_dma source(%dma_start3A_767 : memref<64x128xf32, #tpu.memory_space<hbm>>) target(%dma_start3A_765 : memref<64x128xf32, #tpu.memory_space<vmem>>) target_semaphore(%dma_start3A_761 : memref<!tpu.dma_semaphore, #tpu.memory_space<semaphore_mem>>)
      %dma_wait3A_768 = arith.constant 4 : i32
      %dma_wait3A_769 = arith.constant 4 : i32
      %dma_wait3A_770 = arith.constant 0 : i32
      %dma_wait3A_771 = arith.constant 0 : i32
      %dma_wait3A_772 = tpu.memref_slice %arg6[%dma_wait3A_768, %dma_wait3A_770, %dma_wait3A_771] : memref<8x64x128xf32, #tpu.memory_space<vmem>> -> memref<1x64x128xf32, #tpu.memory_space<vmem>>
      %dma_wait3A_773 = tpu.memref_squeeze %dma_wait3A_772 : memref<1x64x128xf32, #tpu.memory_space<vmem>> -> memref<64x128xf32, #tpu.memory_space<vmem>>
      %dma_wait3A_774 = arith.constant 0 : i32
      %dma_wait3A_775 = arith.constant 0 : i32
      %dma_wait3A_776 = tpu.memref_slice %arg3[%dma_wait3A_774, %dma_wait3A_775] : memref<64x1000000xf32, #tpu.memory_space<hbm>> -> memref<64x128xf32, #tpu.memory_space<hbm>>
      %dma_wait3A_777 = tpu.memref_slice %arg8[%dma_wait3A_769] : memref<8x!tpu.dma_semaphore, #tpu.memory_space<semaphore_mem>> -> memref<1x!tpu.dma_semaphore, #tpu.memory_space<semaphore_mem>>
      %dma_wait3A_778 = tpu.memref_squeeze %dma_wait3A_777 : memref<1x!tpu.dma_semaphore, #tpu.memory_space<semaphore_mem>> -> memref<!tpu.dma_semaphore, #tpu.memory_space<semaphore_mem>>
      %dma_wait3A_779 = arith.constant 0 : i32
      %dma_wait3A_780 = arith.constant 0 : i32
      %dma_wait3A_781 = tpu.memref_slice %arg6[%dma_wait3A_768, %dma_wait3A_779, %dma_wait3A_780] : memref<8x64x128xf32, #tpu.memory_space<vmem>> -> memref<1x64x128xf32, #tpu.memory_space<vmem>>
      %dma_wait3A_782 = tpu.memref_squeeze %dma_wait3A_781 : memref<1x64x128xf32, #tpu.memory_space<vmem>> -> memref<64x128xf32, #tpu.memory_space<vmem>>
      %dma_wait3A_783 = arith.constant 0 : i32
      %dma_wait3A_784 = arith.constant 0 : i32
      %dma_wait3A_785 = tpu.memref_slice %arg3[%dma_wait3A_783, %dma_wait3A_784] : memref<64x1000000xf32, #tpu.memory_space<hbm>> -> memref<64x128xf32, #tpu.memory_space<hbm>>
      tpu.wait_dma2 semaphore(%dma_wait3A_778 : memref<!tpu.dma_semaphore, #tpu.memory_space<semaphore_mem>>) src(%dma_wait3A_785 : memref<64x128xf32, #tpu.memory_space<hbm>>) dst(%dma_wait3A_782 : memref<64x128xf32, #tpu.memory_space<vmem>>)
      %slice3A_786 = vector.extract_strided_slice %get3A_381 {offsets = [4], sizes = [1], strides = [1]} : vector<16xi32> to vector<1xi32>
      %squeeze3A_787 = vector.extract %slice3A_786[0] : i32 from vector<1xi32>
      %add3A_788 = arith.constant 4 : i32
      %add3A_789 = arith.addi %mul3A_379, %add3A_788 : i32
      %and3A_790 = arith.constant 127 : i32
      %and3A_791 = arith.andi %squeeze3A_787, %and3A_790 : i32
      %broadcast_in_dim3A_792 = vector.broadcast %and3A_791 : i32 to vector<16xi32>
      %and3A_793 = arith.constant 255 : i32
      %and3A_794 = arith.andi %add3A_789, %and3A_793 : i32
      %broadcast_in_dim3A_795 = vector.broadcast %and3A_794 : i32 to vector<16xi32>
      %gather3A_796 = arith.constant 4 : i32
      %gather3A_797 = arith.constant 0 : i32
      %gather3A_798 = arith.constant 0 : i32
      %gather3A_799 = tpu.memref_slice %arg6[%gather3A_796, %gather3A_797, %gather3A_798] : memref<8x64x128xf32, #tpu.memory_space<vmem>> -> memref<1x64x128xf32, #tpu.memory_space<vmem>>
      %gather3A_800 = tpu.memref_squeeze %gather3A_799 : memref<1x64x128xf32, #tpu.memory_space<vmem>> -> memref<64x128xf32, #tpu.memory_space<vmem>>
      %gather3A_801 = tpu.vector_load_idx %gather3A_800[%add3A_7, %broadcast_in_dim3A_792] : memref<64x128xf32, #tpu.memory_space<vmem>>[vector<16xi32>, vector<16xi32>], vector<16xf32>,
      tpu.vector_store_idx %arg7[%add3A_7, %broadcast_in_dim3A_795], %gather3A_801 : memref<64x256xf32, #tpu.memory_space<vmem>>[vector<16xi32>, vector<16xi32>], vector<16xf32>,
      %gather3A_802 = arith.constant 4 : i32
      %gather3A_803 = arith.constant 0 : i32
      %gather3A_804 = arith.constant 0 : i32
      %gather3A_805 = tpu.memref_slice %arg6[%gather3A_802, %gather3A_803, %gather3A_804] : memref<8x64x128xf32, #tpu.memory_space<vmem>> -> memref<1x64x128xf32, #tpu.memory_space<vmem>>
      %gather3A_806 = tpu.memref_squeeze %gather3A_805 : memref<1x64x128xf32, #tpu.memory_space<vmem>> -> memref<64x128xf32, #tpu.memory_space<vmem>>
      %gather3A_807 = tpu.vector_load_idx %gather3A_806[%add3A_11, %broadcast_in_dim3A_792] : memref<64x128xf32, #tpu.memory_space<vmem>>[vector<16xi32>, vector<16xi32>], vector<16xf32>,
      tpu.vector_store_idx %arg7[%add3A_11, %broadcast_in_dim3A_795], %gather3A_807 : memref<64x256xf32, #tpu.memory_space<vmem>>[vector<16xi32>, vector<16xi32>], vector<16xf32>,
      %gather3A_808 = arith.constant 4 : i32
      %gather3A_809 = arith.constant 0 : i32
      %gather3A_810 = arith.constant 0 : i32
      %gather3A_811 = tpu.memref_slice %arg6[%gather3A_808, %gather3A_809, %gather3A_810] : memref<8x64x128xf32, #tpu.memory_space<vmem>> -> memref<1x64x128xf32, #tpu.memory_space<vmem>>
      %gather3A_812 = tpu.memref_squeeze %gather3A_811 : memref<1x64x128xf32, #tpu.memory_space<vmem>> -> memref<64x128xf32, #tpu.memory_space<vmem>>
      %gather3A_813 = tpu.vector_load_idx %gather3A_812[%add3A_15, %broadcast_in_dim3A_792] : memref<64x128xf32, #tpu.memory_space<vmem>>[vector<16xi32>, vector<16xi32>], vector<16xf32>,
      tpu.vector_store_idx %arg7[%add3A_15, %broadcast_in_dim3A_795], %gather3A_813 : memref<64x256xf32, #tpu.memory_space<vmem>>[vector<16xi32>, vector<16xi32>], vector<16xf32>,
      %gather3A_814 = arith.constant 4 : i32
      %gather3A_815 = arith.constant 0 : i32
      %gather3A_816 = arith.constant 0 : i32
      %gather3A_817 = tpu.memref_slice %arg6[%gather3A_814, %gather3A_815, %gather3A_816] : memref<8x64x128xf32, #tpu.memory_space<vmem>> -> memref<1x64x128xf32, #tpu.memory_space<vmem>>
      %gather3A_818 = tpu.memref_squeeze %gather3A_817 : memref<1x64x128xf32, #tpu.memory_space<vmem>> -> memref<64x128xf32, #tpu.memory_space<vmem>>
      %gather3A_819 = tpu.vector_load_idx %gather3A_818[%add3A_19, %broadcast_in_dim3A_792] : memref<64x128xf32, #tpu.memory_space<vmem>>[vector<16xi32>, vector<16xi32>], vector<16xf32>,
      tpu.vector_store_idx %arg7[%add3A_19, %broadcast_in_dim3A_795], %gather3A_819 : memref<64x256xf32, #tpu.memory_space<vmem>>[vector<16xi32>, vector<16xi32>], vector<16xf32>,
      %slice3A_820 = vector.extract_strided_slice %get3A_381 {offsets = [12], sizes = [1], strides = [1]} : vector<16xi32> to vector<1xi32>
      %squeeze3A_821 = vector.extract %slice3A_820[0] : i32 from vector<1xi32>
      %jit3A_822 = arith.constant 128 : i32
      %div3A_823 = arith.divsi %squeeze3A_821, %jit3A_822 : i32
      %sign3A_824 = arith.constant 0 : i32
      %sign3A_825 = arith.cmpi sgt, %squeeze3A_821, %sign3A_824 : i32
      %sign3A_826 = arith.extui %sign3A_825 : i1 to i32
      %sign3A_827 = arith.constant 0 : i32
      %sign3A_828 = arith.cmpi slt, %squeeze3A_821, %sign3A_827 : i32
      %sign3A_829 = arith.extui %sign3A_828 : i1 to i32
      %sign3A_830 = arith.subi %sign3A_826, %sign3A_829 : i32
      %sign3A_831 = arith.constant 0 : i32
      %sign3A_832 = arith.cmpi sgt, %jit3A_822, %sign3A_831 : i32
      %sign3A_833 = arith.extui %sign3A_832 : i1 to i32
      %sign3A_834 = arith.constant 0 : i32
      %sign3A_835 = arith.cmpi slt, %jit3A_822, %sign3A_834 : i32
      %sign3A_836 = arith.extui %sign3A_835 : i1 to i32
      %sign3A_837 = arith.subi %sign3A_833, %sign3A_836 : i32
      %ne3A_838 = arith.cmpi ne, %sign3A_830, %sign3A_837 : i32
      %rem3A_839 = arith.remsi %squeeze3A_821, %jit3A_822 : i32
      %ne3A_840 = arith.constant 0 : i32
      %ne3A_841 = arith.cmpi ne, %rem3A_839, %ne3A_840 : i32
      %and3A_842 = arith.andi %ne3A_838, %ne3A_841 : i1
      %sub3A_843 = arith.constant 1 : i32
      %sub3A_844 = arith.subi %div3A_823, %sub3A_843 : i32
      %select_n3A_845 = arith.select %and3A_842, %sub3A_844, %div3A_823 : i32
      %mul3A_846 = arith.constant 128 : i32
      %mul3A_847 = arith.muli %select_n3A_845, %mul3A_846 : i32
      %multiple_of3A_848 = tpu.assume_multiple %mul3A_847, 128 : i32
      %dma_start3A_849 = arith.constant 4 : i32
      %dma_start3A_850 = arith.constant 4 : i32
      %dma_start3A_851 = arith.constant 0 : i32
      %dma_start3A_852 = arith.constant 0 : i32
      %dma_start3A_853 = tpu.memref_slice %arg6[%dma_start3A_849, %dma_start3A_851, %dma_start3A_852] : memref<8x64x128xf32, #tpu.memory_space<vmem>> -> memref<1x64x128xf32, #tpu.memory_space<vmem>>
      %dma_start3A_854 = tpu.memref_squeeze %dma_start3A_853 : memref<1x64x128xf32, #tpu.memory_space<vmem>> -> memref<64x128xf32, #tpu.memory_space<vmem>>
      %dma_start3A_855 = arith.constant 0 : i32
      %dma_start3A_856 = tpu.memref_slice %arg3[%dma_start3A_855, %multiple_of3A_848] : memref<64x1000000xf32, #tpu.memory_space<hbm>> -> memref<64x128xf32, #tpu.memory_space<hbm>>
      %dma_start3A_857 = tpu.memref_slice %arg8[%dma_start3A_850] : memref<8x!tpu.dma_semaphore, #tpu.memory_space<semaphore_mem>> -> memref<1x!tpu.dma_semaphore, #tpu.memory_space<semaphore_mem>>
      %dma_start3A_858 = tpu.memref_squeeze %dma_start3A_857 : memref<1x!tpu.dma_semaphore, #tpu.memory_space<semaphore_mem>> -> memref<!tpu.dma_semaphore, #tpu.memory_space<semaphore_mem>>
      %dma_start3A_859 = arith.constant 0 : i32
      %dma_start3A_860 = arith.constant 0 : i32
      %dma_start3A_861 = tpu.memref_slice %arg6[%dma_start3A_849, %dma_start3A_859, %dma_start3A_860] : memref<8x64x128xf32, #tpu.memory_space<vmem>> -> memref<1x64x128xf32, #tpu.memory_space<vmem>>
      %dma_start3A_862 = tpu.memref_squeeze %dma_start3A_861 : memref<1x64x128xf32, #tpu.memory_space<vmem>> -> memref<64x128xf32, #tpu.memory_space<vmem>>
      %dma_start3A_863 = arith.constant 0 : i32
      %dma_start3A_864 = tpu.memref_slice %arg3[%dma_start3A_863, %multiple_of3A_848] : memref<64x1000000xf32, #tpu.memory_space<hbm>> -> memref<64x128xf32, #tpu.memory_space<hbm>>
      tpu.enqueue_dma source(%dma_start3A_864 : memref<64x128xf32, #tpu.memory_space<hbm>>) target(%dma_start3A_862 : memref<64x128xf32, #tpu.memory_space<vmem>>) target_semaphore(%dma_start3A_858 : memref<!tpu.dma_semaphore, #tpu.memory_space<semaphore_mem>>)
      %dma_wait3A_865 = arith.constant 5 : i32
      %dma_wait3A_866 = arith.constant 5 : i32
      %dma_wait3A_867 = arith.constant 0 : i32
      %dma_wait3A_868 = arith.constant 0 : i32
      %dma_wait3A_869 = tpu.memref_slice %arg6[%dma_wait3A_865, %dma_wait3A_867, %dma_wait3A_868] : memref<8x64x128xf32, #tpu.memory_space<vmem>> -> memref<1x64x128xf32, #tpu.memory_space<vmem>>
      %dma_wait3A_870 = tpu.memref_squeeze %dma_wait3A_869 : memref<1x64x128xf32, #tpu.memory_space<vmem>> -> memref<64x128xf32, #tpu.memory_space<vmem>>
      %dma_wait3A_871 = arith.constant 0 : i32
      %dma_wait3A_872 = arith.constant 0 : i32
      %dma_wait3A_873 = tpu.memref_slice %arg3[%dma_wait3A_871, %dma_wait3A_872] : memref<64x1000000xf32, #tpu.memory_space<hbm>> -> memref<64x128xf32, #tpu.memory_space<hbm>>
      %dma_wait3A_874 = tpu.memref_slice %arg8[%dma_wait3A_866] : memref<8x!tpu.dma_semaphore, #tpu.memory_space<semaphore_mem>> -> memref<1x!tpu.dma_semaphore, #tpu.memory_space<semaphore_mem>>
      %dma_wait3A_875 = tpu.memref_squeeze %dma_wait3A_874 : memref<1x!tpu.dma_semaphore, #tpu.memory_space<semaphore_mem>> -> memref<!tpu.dma_semaphore, #tpu.memory_space<semaphore_mem>>
      %dma_wait3A_876 = arith.constant 0 : i32
      %dma_wait3A_877 = arith.constant 0 : i32
      %dma_wait3A_878 = tpu.memref_slice %arg6[%dma_wait3A_865, %dma_wait3A_876, %dma_wait3A_877] : memref<8x64x128xf32, #tpu.memory_space<vmem>> -> memref<1x64x128xf32, #tpu.memory_space<vmem>>
      %dma_wait3A_879 = tpu.memref_squeeze %dma_wait3A_878 : memref<1x64x128xf32, #tpu.memory_space<vmem>> -> memref<64x128xf32, #tpu.memory_space<vmem>>
      %dma_wait3A_880 = arith.constant 0 : i32
      %dma_wait3A_881 = arith.constant 0 : i32
      %dma_wait3A_882 = tpu.memref_slice %arg3[%dma_wait3A_880, %dma_wait3A_881] : memref<64x1000000xf32, #tpu.memory_space<hbm>> -> memref<64x128xf32, #tpu.memory_space<hbm>>
      tpu.wait_dma2 semaphore(%dma_wait3A_875 : memref<!tpu.dma_semaphore, #tpu.memory_space<semaphore_mem>>) src(%dma_wait3A_882 : memref<64x128xf32, #tpu.memory_space<hbm>>) dst(%dma_wait3A_879 : memref<64x128xf32, #tpu.memory_space<vmem>>)
      %slice3A_883 = vector.extract_strided_slice %get3A_381 {offsets = [5], sizes = [1], strides = [1]} : vector<16xi32> to vector<1xi32>
      %squeeze3A_884 = vector.extract %slice3A_883[0] : i32 from vector<1xi32>
      %add3A_885 = arith.constant 5 : i32
      %add3A_886 = arith.addi %mul3A_379, %add3A_885 : i32
      %and3A_887 = arith.constant 127 : i32
      %and3A_888 = arith.andi %squeeze3A_884, %and3A_887 : i32
      %broadcast_in_dim3A_889 = vector.broadcast %and3A_888 : i32 to vector<16xi32>
      %and3A_890 = arith.constant 255 : i32
      %and3A_891 = arith.andi %add3A_886, %and3A_890 : i32
      %broadcast_in_dim3A_892 = vector.broadcast %and3A_891 : i32 to vector<16xi32>
      %gather3A_893 = arith.constant 5 : i32
      %gather3A_894 = arith.constant 0 : i32
      %gather3A_895 = arith.constant 0 : i32
      %gather3A_896 = tpu.memref_slice %arg6[%gather3A_893, %gather3A_894, %gather3A_895] : memref<8x64x128xf32, #tpu.memory_space<vmem>> -> memref<1x64x128xf32, #tpu.memory_space<vmem>>
      %gather3A_897 = tpu.memref_squeeze %gather3A_896 : memref<1x64x128xf32, #tpu.memory_space<vmem>> -> memref<64x128xf32, #tpu.memory_space<vmem>>
      %gather3A_898 = tpu.vector_load_idx %gather3A_897[%add3A_7, %broadcast_in_dim3A_889] : memref<64x128xf32, #tpu.memory_space<vmem>>[vector<16xi32>, vector<16xi32>], vector<16xf32>,
      tpu.vector_store_idx %arg7[%add3A_7, %broadcast_in_dim3A_892], %gather3A_898 : memref<64x256xf32, #tpu.memory_space<vmem>>[vector<16xi32>, vector<16xi32>], vector<16xf32>,
      %gather3A_899 = arith.constant 5 : i32
      %gather3A_900 = arith.constant 0 : i32
      %gather3A_901 = arith.constant 0 : i32
      %gather3A_902 = tpu.memref_slice %arg6[%gather3A_899, %gather3A_900, %gather3A_901] : memref<8x64x128xf32, #tpu.memory_space<vmem>> -> memref<1x64x128xf32, #tpu.memory_space<vmem>>
      %gather3A_903 = tpu.memref_squeeze %gather3A_902 : memref<1x64x128xf32, #tpu.memory_space<vmem>> -> memref<64x128xf32, #tpu.memory_space<vmem>>
      %gather3A_904 = tpu.vector_load_idx %gather3A_903[%add3A_11, %broadcast_in_dim3A_889] : memref<64x128xf32, #tpu.memory_space<vmem>>[vector<16xi32>, vector<16xi32>], vector<16xf32>,
      tpu.vector_store_idx %arg7[%add3A_11, %broadcast_in_dim3A_892], %gather3A_904 : memref<64x256xf32, #tpu.memory_space<vmem>>[vector<16xi32>, vector<16xi32>], vector<16xf32>,
      %gather3A_905 = arith.constant 5 : i32
      %gather3A_906 = arith.constant 0 : i32
      %gather3A_907 = arith.constant 0 : i32
      %gather3A_908 = tpu.memref_slice %arg6[%gather3A_905, %gather3A_906, %gather3A_907] : memref<8x64x128xf32, #tpu.memory_space<vmem>> -> memref<1x64x128xf32, #tpu.memory_space<vmem>>
      %gather3A_909 = tpu.memref_squeeze %gather3A_908 : memref<1x64x128xf32, #tpu.memory_space<vmem>> -> memref<64x128xf32, #tpu.memory_space<vmem>>
      %gather3A_910 = tpu.vector_load_idx %gather3A_909[%add3A_15, %broadcast_in_dim3A_889] : memref<64x128xf32, #tpu.memory_space<vmem>>[vector<16xi32>, vector<16xi32>], vector<16xf32>,
      tpu.vector_store_idx %arg7[%add3A_15, %broadcast_in_dim3A_892], %gather3A_910 : memref<64x256xf32, #tpu.memory_space<vmem>>[vector<16xi32>, vector<16xi32>], vector<16xf32>,
      %gather3A_911 = arith.constant 5 : i32
      %gather3A_912 = arith.constant 0 : i32
      %gather3A_913 = arith.constant 0 : i32
      %gather3A_914 = tpu.memref_slice %arg6[%gather3A_911, %gather3A_912, %gather3A_913] : memref<8x64x128xf32, #tpu.memory_space<vmem>> -> memref<1x64x128xf32, #tpu.memory_space<vmem>>
      %gather3A_915 = tpu.memref_squeeze %gather3A_914 : memref<1x64x128xf32, #tpu.memory_space<vmem>> -> memref<64x128xf32, #tpu.memory_space<vmem>>
      %gather3A_916 = tpu.vector_load_idx %gather3A_915[%add3A_19, %broadcast_in_dim3A_889] : memref<64x128xf32, #tpu.memory_space<vmem>>[vector<16xi32>, vector<16xi32>], vector<16xf32>,
      tpu.vector_store_idx %arg7[%add3A_19, %broadcast_in_dim3A_892], %gather3A_916 : memref<64x256xf32, #tpu.memory_space<vmem>>[vector<16xi32>, vector<16xi32>], vector<16xf32>,
      %slice3A_917 = vector.extract_strided_slice %get3A_381 {offsets = [13], sizes = [1], strides = [1]} : vector<16xi32> to vector<1xi32>
      %squeeze3A_918 = vector.extract %slice3A_917[0] : i32 from vector<1xi32>
      %jit3A_919 = arith.constant 128 : i32
      %div3A_920 = arith.divsi %squeeze3A_918, %jit3A_919 : i32
      %sign3A_921 = arith.constant 0 : i32
      %sign3A_922 = arith.cmpi sgt, %squeeze3A_918, %sign3A_921 : i32
      %sign3A_923 = arith.extui %sign3A_922 : i1 to i32
      %sign3A_924 = arith.constant 0 : i32
      %sign3A_925 = arith.cmpi slt, %squeeze3A_918, %sign3A_924 : i32
      %sign3A_926 = arith.extui %sign3A_925 : i1 to i32
      %sign3A_927 = arith.subi %sign3A_923, %sign3A_926 : i32
      %sign3A_928 = arith.constant 0 : i32
      %sign3A_929 = arith.cmpi sgt, %jit3A_919, %sign3A_928 : i32
      %sign3A_930 = arith.extui %sign3A_929 : i1 to i32
      %sign3A_931 = arith.constant 0 : i32
      %sign3A_932 = arith.cmpi slt, %jit3A_919, %sign3A_931 : i32
      %sign3A_933 = arith.extui %sign3A_932 : i1 to i32
      %sign3A_934 = arith.subi %sign3A_930, %sign3A_933 : i32
      %ne3A_935 = arith.cmpi ne, %sign3A_927, %sign3A_934 : i32
      %rem3A_936 = arith.remsi %squeeze3A_918, %jit3A_919 : i32
      %ne3A_937 = arith.constant 0 : i32
      %ne3A_938 = arith.cmpi ne, %rem3A_936, %ne3A_937 : i32
      %and3A_939 = arith.andi %ne3A_935, %ne3A_938 : i1
      %sub3A_940 = arith.constant 1 : i32
      %sub3A_941 = arith.subi %div3A_920, %sub3A_940 : i32
      %select_n3A_942 = arith.select %and3A_939, %sub3A_941, %div3A_920 : i32
      %mul3A_943 = arith.constant 128 : i32
      %mul3A_944 = arith.muli %select_n3A_942, %mul3A_943 : i32
      %multiple_of3A_945 = tpu.assume_multiple %mul3A_944, 128 : i32
      %dma_start3A_946 = arith.constant 5 : i32
      %dma_start3A_947 = arith.constant 5 : i32
      %dma_start3A_948 = arith.constant 0 : i32
      %dma_start3A_949 = arith.constant 0 : i32
      %dma_start3A_950 = tpu.memref_slice %arg6[%dma_start3A_946, %dma_start3A_948, %dma_start3A_949] : memref<8x64x128xf32, #tpu.memory_space<vmem>> -> memref<1x64x128xf32, #tpu.memory_space<vmem>>
      %dma_start3A_951 = tpu.memref_squeeze %dma_start3A_950 : memref<1x64x128xf32, #tpu.memory_space<vmem>> -> memref<64x128xf32, #tpu.memory_space<vmem>>
      %dma_start3A_952 = arith.constant 0 : i32
      %dma_start3A_953 = tpu.memref_slice %arg3[%dma_start3A_952, %multiple_of3A_945] : memref<64x1000000xf32, #tpu.memory_space<hbm>> -> memref<64x128xf32, #tpu.memory_space<hbm>>
      %dma_start3A_954 = tpu.memref_slice %arg8[%dma_start3A_947] : memref<8x!tpu.dma_semaphore, #tpu.memory_space<semaphore_mem>> -> memref<1x!tpu.dma_semaphore, #tpu.memory_space<semaphore_mem>>
      %dma_start3A_955 = tpu.memref_squeeze %dma_start3A_954 : memref<1x!tpu.dma_semaphore, #tpu.memory_space<semaphore_mem>> -> memref<!tpu.dma_semaphore, #tpu.memory_space<semaphore_mem>>
      %dma_start3A_956 = arith.constant 0 : i32
      %dma_start3A_957 = arith.constant 0 : i32
      %dma_start3A_958 = tpu.memref_slice %arg6[%dma_start3A_946, %dma_start3A_956, %dma_start3A_957] : memref<8x64x128xf32, #tpu.memory_space<vmem>> -> memref<1x64x128xf32, #tpu.memory_space<vmem>>
      %dma_start3A_959 = tpu.memref_squeeze %dma_start3A_958 : memref<1x64x128xf32, #tpu.memory_space<vmem>> -> memref<64x128xf32, #tpu.memory_space<vmem>>
      %dma_start3A_960 = arith.constant 0 : i32
      %dma_start3A_961 = tpu.memref_slice %arg3[%dma_start3A_960, %multiple_of3A_945] : memref<64x1000000xf32, #tpu.memory_space<hbm>> -> memref<64x128xf32, #tpu.memory_space<hbm>>
      tpu.enqueue_dma source(%dma_start3A_961 : memref<64x128xf32, #tpu.memory_space<hbm>>) target(%dma_start3A_959 : memref<64x128xf32, #tpu.memory_space<vmem>>) target_semaphore(%dma_start3A_955 : memref<!tpu.dma_semaphore, #tpu.memory_space<semaphore_mem>>)
      %dma_wait3A_962 = arith.constant 6 : i32
      %dma_wait3A_963 = arith.constant 6 : i32
      %dma_wait3A_964 = arith.constant 0 : i32
      %dma_wait3A_965 = arith.constant 0 : i32
      %dma_wait3A_966 = tpu.memref_slice %arg6[%dma_wait3A_962, %dma_wait3A_964, %dma_wait3A_965] : memref<8x64x128xf32, #tpu.memory_space<vmem>> -> memref<1x64x128xf32, #tpu.memory_space<vmem>>
      %dma_wait3A_967 = tpu.memref_squeeze %dma_wait3A_966 : memref<1x64x128xf32, #tpu.memory_space<vmem>> -> memref<64x128xf32, #tpu.memory_space<vmem>>
      %dma_wait3A_968 = arith.constant 0 : i32
      %dma_wait3A_969 = arith.constant 0 : i32
      %dma_wait3A_970 = tpu.memref_slice %arg3[%dma_wait3A_968, %dma_wait3A_969] : memref<64x1000000xf32, #tpu.memory_space<hbm>> -> memref<64x128xf32, #tpu.memory_space<hbm>>
      %dma_wait3A_971 = tpu.memref_slice %arg8[%dma_wait3A_963] : memref<8x!tpu.dma_semaphore, #tpu.memory_space<semaphore_mem>> -> memref<1x!tpu.dma_semaphore, #tpu.memory_space<semaphore_mem>>
      %dma_wait3A_972 = tpu.memref_squeeze %dma_wait3A_971 : memref<1x!tpu.dma_semaphore, #tpu.memory_space<semaphore_mem>> -> memref<!tpu.dma_semaphore, #tpu.memory_space<semaphore_mem>>
      %dma_wait3A_973 = arith.constant 0 : i32
      %dma_wait3A_974 = arith.constant 0 : i32
      %dma_wait3A_975 = tpu.memref_slice %arg6[%dma_wait3A_962, %dma_wait3A_973, %dma_wait3A_974] : memref<8x64x128xf32, #tpu.memory_space<vmem>> -> memref<1x64x128xf32, #tpu.memory_space<vmem>>
      %dma_wait3A_976 = tpu.memref_squeeze %dma_wait3A_975 : memref<1x64x128xf32, #tpu.memory_space<vmem>> -> memref<64x128xf32, #tpu.memory_space<vmem>>
      %dma_wait3A_977 = arith.constant 0 : i32
      %dma_wait3A_978 = arith.constant 0 : i32
      %dma_wait3A_979 = tpu.memref_slice %arg3[%dma_wait3A_977, %dma_wait3A_978] : memref<64x1000000xf32, #tpu.memory_space<hbm>> -> memref<64x128xf32, #tpu.memory_space<hbm>>
      tpu.wait_dma2 semaphore(%dma_wait3A_972 : memref<!tpu.dma_semaphore, #tpu.memory_space<semaphore_mem>>) src(%dma_wait3A_979 : memref<64x128xf32, #tpu.memory_space<hbm>>) dst(%dma_wait3A_976 : memref<64x128xf32, #tpu.memory_space<vmem>>)
      %slice3A_980 = vector.extract_strided_slice %get3A_381 {offsets = [6], sizes = [1], strides = [1]} : vector<16xi32> to vector<1xi32>
      %squeeze3A_981 = vector.extract %slice3A_980[0] : i32 from vector<1xi32>
      %add3A_982 = arith.constant 6 : i32
      %add3A_983 = arith.addi %mul3A_379, %add3A_982 : i32
      %and3A_984 = arith.constant 127 : i32
      %and3A_985 = arith.andi %squeeze3A_981, %and3A_984 : i32
      %broadcast_in_dim3A_986 = vector.broadcast %and3A_985 : i32 to vector<16xi32>
      %and3A_987 = arith.constant 255 : i32
      %and3A_988 = arith.andi %add3A_983, %and3A_987 : i32
      %broadcast_in_dim3A_989 = vector.broadcast %and3A_988 : i32 to vector<16xi32>
      %gather3A_990 = arith.constant 6 : i32
      %gather3A_991 = arith.constant 0 : i32
      %gather3A_992 = arith.constant 0 : i32
      %gather3A_993 = tpu.memref_slice %arg6[%gather3A_990, %gather3A_991, %gather3A_992] : memref<8x64x128xf32, #tpu.memory_space<vmem>> -> memref<1x64x128xf32, #tpu.memory_space<vmem>>
      %gather3A_994 = tpu.memref_squeeze %gather3A_993 : memref<1x64x128xf32, #tpu.memory_space<vmem>> -> memref<64x128xf32, #tpu.memory_space<vmem>>
      %gather3A_995 = tpu.vector_load_idx %gather3A_994[%add3A_7, %broadcast_in_dim3A_986] : memref<64x128xf32, #tpu.memory_space<vmem>>[vector<16xi32>, vector<16xi32>], vector<16xf32>,
      tpu.vector_store_idx %arg7[%add3A_7, %broadcast_in_dim3A_989], %gather3A_995 : memref<64x256xf32, #tpu.memory_space<vmem>>[vector<16xi32>, vector<16xi32>], vector<16xf32>,
      %gather3A_996 = arith.constant 6 : i32
      %gather3A_997 = arith.constant 0 : i32
      %gather3A_998 = arith.constant 0 : i32
      %gather3A_999 = tpu.memref_slice %arg6[%gather3A_996, %gather3A_997, %gather3A_998] : memref<8x64x128xf32, #tpu.memory_space<vmem>> -> memref<1x64x128xf32, #tpu.memory_space<vmem>>
      %gather3A_1000 = tpu.memref_squeeze %gather3A_999 : memref<1x64x128xf32, #tpu.memory_space<vmem>> -> memref<64x128xf32, #tpu.memory_space<vmem>>
      %gather3A_1001 = tpu.vector_load_idx %gather3A_1000[%add3A_11, %broadcast_in_dim3A_986] : memref<64x128xf32, #tpu.memory_space<vmem>>[vector<16xi32>, vector<16xi32>], vector<16xf32>,
      tpu.vector_store_idx %arg7[%add3A_11, %broadcast_in_dim3A_989], %gather3A_1001 : memref<64x256xf32, #tpu.memory_space<vmem>>[vector<16xi32>, vector<16xi32>], vector<16xf32>,
      %gather3A_1002 = arith.constant 6 : i32
      %gather3A_1003 = arith.constant 0 : i32
      %gather3A_1004 = arith.constant 0 : i32
      %gather3A_1005 = tpu.memref_slice %arg6[%gather3A_1002, %gather3A_1003, %gather3A_1004] : memref<8x64x128xf32, #tpu.memory_space<vmem>> -> memref<1x64x128xf32, #tpu.memory_space<vmem>>
      %gather3A_1006 = tpu.memref_squeeze %gather3A_1005 : memref<1x64x128xf32, #tpu.memory_space<vmem>> -> memref<64x128xf32, #tpu.memory_space<vmem>>
      %gather3A_1007 = tpu.vector_load_idx %gather3A_1006[%add3A_15, %broadcast_in_dim3A_986] : memref<64x128xf32, #tpu.memory_space<vmem>>[vector<16xi32>, vector<16xi32>], vector<16xf32>,
      tpu.vector_store_idx %arg7[%add3A_15, %broadcast_in_dim3A_989], %gather3A_1007 : memref<64x256xf32, #tpu.memory_space<vmem>>[vector<16xi32>, vector<16xi32>], vector<16xf32>,
      %gather3A_1008 = arith.constant 6 : i32
      %gather3A_1009 = arith.constant 0 : i32
      %gather3A_1010 = arith.constant 0 : i32
      %gather3A_1011 = tpu.memref_slice %arg6[%gather3A_1008, %gather3A_1009, %gather3A_1010] : memref<8x64x128xf32, #tpu.memory_space<vmem>> -> memref<1x64x128xf32, #tpu.memory_space<vmem>>
      %gather3A_1012 = tpu.memref_squeeze %gather3A_1011 : memref<1x64x128xf32, #tpu.memory_space<vmem>> -> memref<64x128xf32, #tpu.memory_space<vmem>>
      %gather3A_1013 = tpu.vector_load_idx %gather3A_1012[%add3A_19, %broadcast_in_dim3A_986] : memref<64x128xf32, #tpu.memory_space<vmem>>[vector<16xi32>, vector<16xi32>], vector<16xf32>,
      tpu.vector_store_idx %arg7[%add3A_19, %broadcast_in_dim3A_989], %gather3A_1013 : memref<64x256xf32, #tpu.memory_space<vmem>>[vector<16xi32>, vector<16xi32>], vector<16xf32>,
      %slice3A_1014 = vector.extract_strided_slice %get3A_381 {offsets = [14], sizes = [1], strides = [1]} : vector<16xi32> to vector<1xi32>
      %squeeze3A_1015 = vector.extract %slice3A_1014[0] : i32 from vector<1xi32>
      %jit3A_1016 = arith.constant 128 : i32
      %div3A_1017 = arith.divsi %squeeze3A_1015, %jit3A_1016 : i32
      %sign3A_1018 = arith.constant 0 : i32
      %sign3A_1019 = arith.cmpi sgt, %squeeze3A_1015, %sign3A_1018 : i32
      %sign3A_1020 = arith.extui %sign3A_1019 : i1 to i32
      %sign3A_1021 = arith.constant 0 : i32
      %sign3A_1022 = arith.cmpi slt, %squeeze3A_1015, %sign3A_1021 : i32
      %sign3A_1023 = arith.extui %sign3A_1022 : i1 to i32
      %sign3A_1024 = arith.subi %sign3A_1020, %sign3A_1023 : i32
      %sign3A_1025 = arith.constant 0 : i32
      %sign3A_1026 = arith.cmpi sgt, %jit3A_1016, %sign3A_1025 : i32
      %sign3A_1027 = arith.extui %sign3A_1026 : i1 to i32
      %sign3A_1028 = arith.constant 0 : i32
      %sign3A_1029 = arith.cmpi slt, %jit3A_1016, %sign3A_1028 : i32
      %sign3A_1030 = arith.extui %sign3A_1029 : i1 to i32
      %sign3A_1031 = arith.subi %sign3A_1027, %sign3A_1030 : i32
      %ne3A_1032 = arith.cmpi ne, %sign3A_1024, %sign3A_1031 : i32
      %rem3A_1033 = arith.remsi %squeeze3A_1015, %jit3A_1016 : i32
      %ne3A_1034 = arith.constant 0 : i32
      %ne3A_1035 = arith.cmpi ne, %rem3A_1033, %ne3A_1034 : i32
      %and3A_1036 = arith.andi %ne3A_1032, %ne3A_1035 : i1
      %sub3A_1037 = arith.constant 1 : i32
      %sub3A_1038 = arith.subi %div3A_1017, %sub3A_1037 : i32
      %select_n3A_1039 = arith.select %and3A_1036, %sub3A_1038, %div3A_1017 : i32
      %mul3A_1040 = arith.constant 128 : i32
      %mul3A_1041 = arith.muli %select_n3A_1039, %mul3A_1040 : i32
      %multiple_of3A_1042 = tpu.assume_multiple %mul3A_1041, 128 : i32
      %dma_start3A_1043 = arith.constant 6 : i32
      %dma_start3A_1044 = arith.constant 6 : i32
      %dma_start3A_1045 = arith.constant 0 : i32
      %dma_start3A_1046 = arith.constant 0 : i32
      %dma_start3A_1047 = tpu.memref_slice %arg6[%dma_start3A_1043, %dma_start3A_1045, %dma_start3A_1046] : memref<8x64x128xf32, #tpu.memory_space<vmem>> -> memref<1x64x128xf32, #tpu.memory_space<vmem>>
      %dma_start3A_1048 = tpu.memref_squeeze %dma_start3A_1047 : memref<1x64x128xf32, #tpu.memory_space<vmem>> -> memref<64x128xf32, #tpu.memory_space<vmem>>
      %dma_start3A_1049 = arith.constant 0 : i32
      %dma_start3A_1050 = tpu.memref_slice %arg3[%dma_start3A_1049, %multiple_of3A_1042] : memref<64x1000000xf32, #tpu.memory_space<hbm>> -> memref<64x128xf32, #tpu.memory_space<hbm>>
      %dma_start3A_1051 = tpu.memref_slice %arg8[%dma_start3A_1044] : memref<8x!tpu.dma_semaphore, #tpu.memory_space<semaphore_mem>> -> memref<1x!tpu.dma_semaphore, #tpu.memory_space<semaphore_mem>>
      %dma_start3A_1052 = tpu.memref_squeeze %dma_start3A_1051 : memref<1x!tpu.dma_semaphore, #tpu.memory_space<semaphore_mem>> -> memref<!tpu.dma_semaphore, #tpu.memory_space<semaphore_mem>>
      %dma_start3A_1053 = arith.constant 0 : i32
      %dma_start3A_1054 = arith.constant 0 : i32
      %dma_start3A_1055 = tpu.memref_slice %arg6[%dma_start3A_1043, %dma_start3A_1053, %dma_start3A_1054] : memref<8x64x128xf32, #tpu.memory_space<vmem>> -> memref<1x64x128xf32, #tpu.memory_space<vmem>>
      %dma_start3A_1056 = tpu.memref_squeeze %dma_start3A_1055 : memref<1x64x128xf32, #tpu.memory_space<vmem>> -> memref<64x128xf32, #tpu.memory_space<vmem>>
      %dma_start3A_1057 = arith.constant 0 : i32
      %dma_start3A_1058 = tpu.memref_slice %arg3[%dma_start3A_1057, %multiple_of3A_1042] : memref<64x1000000xf32, #tpu.memory_space<hbm>> -> memref<64x128xf32, #tpu.memory_space<hbm>>
      tpu.enqueue_dma source(%dma_start3A_1058 : memref<64x128xf32, #tpu.memory_space<hbm>>) target(%dma_start3A_1056 : memref<64x128xf32, #tpu.memory_space<vmem>>) target_semaphore(%dma_start3A_1052 : memref<!tpu.dma_semaphore, #tpu.memory_space<semaphore_mem>>)
      %dma_wait3A_1059 = arith.constant 7 : i32
      %dma_wait3A_1060 = arith.constant 7 : i32
      %dma_wait3A_1061 = arith.constant 0 : i32
      %dma_wait3A_1062 = arith.constant 0 : i32
      %dma_wait3A_1063 = tpu.memref_slice %arg6[%dma_wait3A_1059, %dma_wait3A_1061, %dma_wait3A_1062] : memref<8x64x128xf32, #tpu.memory_space<vmem>> -> memref<1x64x128xf32, #tpu.memory_space<vmem>>
      %dma_wait3A_1064 = tpu.memref_squeeze %dma_wait3A_1063 : memref<1x64x128xf32, #tpu.memory_space<vmem>> -> memref<64x128xf32, #tpu.memory_space<vmem>>
      %dma_wait3A_1065 = arith.constant 0 : i32
      %dma_wait3A_1066 = arith.constant 0 : i32
      %dma_wait3A_1067 = tpu.memref_slice %arg3[%dma_wait3A_1065, %dma_wait3A_1066] : memref<64x1000000xf32, #tpu.memory_space<hbm>> -> memref<64x128xf32, #tpu.memory_space<hbm>>
      %dma_wait3A_1068 = tpu.memref_slice %arg8[%dma_wait3A_1060] : memref<8x!tpu.dma_semaphore, #tpu.memory_space<semaphore_mem>> -> memref<1x!tpu.dma_semaphore, #tpu.memory_space<semaphore_mem>>
      %dma_wait3A_1069 = tpu.memref_squeeze %dma_wait3A_1068 : memref<1x!tpu.dma_semaphore, #tpu.memory_space<semaphore_mem>> -> memref<!tpu.dma_semaphore, #tpu.memory_space<semaphore_mem>>
      %dma_wait3A_1070 = arith.constant 0 : i32
      %dma_wait3A_1071 = arith.constant 0 : i32
      %dma_wait3A_1072 = tpu.memref_slice %arg6[%dma_wait3A_1059, %dma_wait3A_1070, %dma_wait3A_1071] : memref<8x64x128xf32, #tpu.memory_space<vmem>> -> memref<1x64x128xf32, #tpu.memory_space<vmem>>
      %dma_wait3A_1073 = tpu.memref_squeeze %dma_wait3A_1072 : memref<1x64x128xf32, #tpu.memory_space<vmem>> -> memref<64x128xf32, #tpu.memory_space<vmem>>
      %dma_wait3A_1074 = arith.constant 0 : i32
      %dma_wait3A_1075 = arith.constant 0 : i32
      %dma_wait3A_1076 = tpu.memref_slice %arg3[%dma_wait3A_1074, %dma_wait3A_1075] : memref<64x1000000xf32, #tpu.memory_space<hbm>> -> memref<64x128xf32, #tpu.memory_space<hbm>>
      tpu.wait_dma2 semaphore(%dma_wait3A_1069 : memref<!tpu.dma_semaphore, #tpu.memory_space<semaphore_mem>>) src(%dma_wait3A_1076 : memref<64x128xf32, #tpu.memory_space<hbm>>) dst(%dma_wait3A_1073 : memref<64x128xf32, #tpu.memory_space<vmem>>)
      %slice3A_1077 = vector.extract_strided_slice %get3A_381 {offsets = [7], sizes = [1], strides = [1]} : vector<16xi32> to vector<1xi32>
      %squeeze3A_1078 = vector.extract %slice3A_1077[0] : i32 from vector<1xi32>
      %add3A_1079 = arith.constant 7 : i32
      %add3A_1080 = arith.addi %mul3A_379, %add3A_1079 : i32
      %and3A_1081 = arith.constant 127 : i32
      %and3A_1082 = arith.andi %squeeze3A_1078, %and3A_1081 : i32
      %broadcast_in_dim3A_1083 = vector.broadcast %and3A_1082 : i32 to vector<16xi32>
      %and3A_1084 = arith.constant 255 : i32
      %and3A_1085 = arith.andi %add3A_1080, %and3A_1084 : i32
      %broadcast_in_dim3A_1086 = vector.broadcast %and3A_1085 : i32 to vector<16xi32>
      %gather3A_1087 = arith.constant 7 : i32
      %gather3A_1088 = arith.constant 0 : i32
      %gather3A_1089 = arith.constant 0 : i32
      %gather3A_1090 = tpu.memref_slice %arg6[%gather3A_1087, %gather3A_1088, %gather3A_1089] : memref<8x64x128xf32, #tpu.memory_space<vmem>> -> memref<1x64x128xf32, #tpu.memory_space<vmem>>
      %gather3A_1091 = tpu.memref_squeeze %gather3A_1090 : memref<1x64x128xf32, #tpu.memory_space<vmem>> -> memref<64x128xf32, #tpu.memory_space<vmem>>
      %gather3A_1092 = tpu.vector_load_idx %gather3A_1091[%add3A_7, %broadcast_in_dim3A_1083] : memref<64x128xf32, #tpu.memory_space<vmem>>[vector<16xi32>, vector<16xi32>], vector<16xf32>,
      tpu.vector_store_idx %arg7[%add3A_7, %broadcast_in_dim3A_1086], %gather3A_1092 : memref<64x256xf32, #tpu.memory_space<vmem>>[vector<16xi32>, vector<16xi32>], vector<16xf32>,
      %gather3A_1093 = arith.constant 7 : i32
      %gather3A_1094 = arith.constant 0 : i32
      %gather3A_1095 = arith.constant 0 : i32
      %gather3A_1096 = tpu.memref_slice %arg6[%gather3A_1093, %gather3A_1094, %gather3A_1095] : memref<8x64x128xf32, #tpu.memory_space<vmem>> -> memref<1x64x128xf32, #tpu.memory_space<vmem>>
      %gather3A_1097 = tpu.memref_squeeze %gather3A_1096 : memref<1x64x128xf32, #tpu.memory_space<vmem>> -> memref<64x128xf32, #tpu.memory_space<vmem>>
      %gather3A_1098 = tpu.vector_load_idx %gather3A_1097[%add3A_11, %broadcast_in_dim3A_1083] : memref<64x128xf32, #tpu.memory_space<vmem>>[vector<16xi32>, vector<16xi32>], vector<16xf32>,
      tpu.vector_store_idx %arg7[%add3A_11, %broadcast_in_dim3A_1086], %gather3A_1098 : memref<64x256xf32, #tpu.memory_space<vmem>>[vector<16xi32>, vector<16xi32>], vector<16xf32>,
      %gather3A_1099 = arith.constant 7 : i32
      %gather3A_1100 = arith.constant 0 : i32
      %gather3A_1101 = arith.constant 0 : i32
      %gather3A_1102 = tpu.memref_slice %arg6[%gather3A_1099, %gather3A_1100, %gather3A_1101] : memref<8x64x128xf32, #tpu.memory_space<vmem>> -> memref<1x64x128xf32, #tpu.memory_space<vmem>>
      %gather3A_1103 = tpu.memref_squeeze %gather3A_1102 : memref<1x64x128xf32, #tpu.memory_space<vmem>> -> memref<64x128xf32, #tpu.memory_space<vmem>>
      %gather3A_1104 = tpu.vector_load_idx %gather3A_1103[%add3A_15, %broadcast_in_dim3A_1083] : memref<64x128xf32, #tpu.memory_space<vmem>>[vector<16xi32>, vector<16xi32>], vector<16xf32>,
      tpu.vector_store_idx %arg7[%add3A_15, %broadcast_in_dim3A_1086], %gather3A_1104 : memref<64x256xf32, #tpu.memory_space<vmem>>[vector<16xi32>, vector<16xi32>], vector<16xf32>,
      %gather3A_1105 = arith.constant 7 : i32
      %gather3A_1106 = arith.constant 0 : i32
      %gather3A_1107 = arith.constant 0 : i32
      %gather3A_1108 = tpu.memref_slice %arg6[%gather3A_1105, %gather3A_1106, %gather3A_1107] : memref<8x64x128xf32, #tpu.memory_space<vmem>> -> memref<1x64x128xf32, #tpu.memory_space<vmem>>
      %gather3A_1109 = tpu.memref_squeeze %gather3A_1108 : memref<1x64x128xf32, #tpu.memory_space<vmem>> -> memref<64x128xf32, #tpu.memory_space<vmem>>
      %gather3A_1110 = tpu.vector_load_idx %gather3A_1109[%add3A_19, %broadcast_in_dim3A_1083] : memref<64x128xf32, #tpu.memory_space<vmem>>[vector<16xi32>, vector<16xi32>], vector<16xf32>,
      tpu.vector_store_idx %arg7[%add3A_19, %broadcast_in_dim3A_1086], %gather3A_1110 : memref<64x256xf32, #tpu.memory_space<vmem>>[vector<16xi32>, vector<16xi32>], vector<16xf32>,
      %slice3A_1111 = vector.extract_strided_slice %get3A_381 {offsets = [15], sizes = [1], strides = [1]} : vector<16xi32> to vector<1xi32>
      %squeeze3A_1112 = vector.extract %slice3A_1111[0] : i32 from vector<1xi32>
      %jit3A_1113 = arith.constant 128 : i32
      %div3A_1114 = arith.divsi %squeeze3A_1112, %jit3A_1113 : i32
      %sign3A_1115 = arith.constant 0 : i32
      %sign3A_1116 = arith.cmpi sgt, %squeeze3A_1112, %sign3A_1115 : i32
      %sign3A_1117 = arith.extui %sign3A_1116 : i1 to i32
      %sign3A_1118 = arith.constant 0 : i32
      %sign3A_1119 = arith.cmpi slt, %squeeze3A_1112, %sign3A_1118 : i32
      %sign3A_1120 = arith.extui %sign3A_1119 : i1 to i32
      %sign3A_1121 = arith.subi %sign3A_1117, %sign3A_1120 : i32
      %sign3A_1122 = arith.constant 0 : i32
      %sign3A_1123 = arith.cmpi sgt, %jit3A_1113, %sign3A_1122 : i32
      %sign3A_1124 = arith.extui %sign3A_1123 : i1 to i32
      %sign3A_1125 = arith.constant 0 : i32
      %sign3A_1126 = arith.cmpi slt, %jit3A_1113, %sign3A_1125 : i32
      %sign3A_1127 = arith.extui %sign3A_1126 : i1 to i32
      %sign3A_1128 = arith.subi %sign3A_1124, %sign3A_1127 : i32
      %ne3A_1129 = arith.cmpi ne, %sign3A_1121, %sign3A_1128 : i32
      %rem3A_1130 = arith.remsi %squeeze3A_1112, %jit3A_1113 : i32
      %ne3A_1131 = arith.constant 0 : i32
      %ne3A_1132 = arith.cmpi ne, %rem3A_1130, %ne3A_1131 : i32
      %and3A_1133 = arith.andi %ne3A_1129, %ne3A_1132 : i1
      %sub3A_1134 = arith.constant 1 : i32
      %sub3A_1135 = arith.subi %div3A_1114, %sub3A_1134 : i32
      %select_n3A_1136 = arith.select %and3A_1133, %sub3A_1135, %div3A_1114 : i32
      %mul3A_1137 = arith.constant 128 : i32
      %mul3A_1138 = arith.muli %select_n3A_1136, %mul3A_1137 : i32
      %multiple_of3A_1139 = tpu.assume_multiple %mul3A_1138, 128 : i32
      %dma_start3A_1140 = arith.constant 7 : i32
      %dma_start3A_1141 = arith.constant 7 : i32
      %dma_start3A_1142 = arith.constant 0 : i32
      %dma_start3A_1143 = arith.constant 0 : i32
      %dma_start3A_1144 = tpu.memref_slice %arg6[%dma_start3A_1140, %dma_start3A_1142, %dma_start3A_1143] : memref<8x64x128xf32, #tpu.memory_space<vmem>> -> memref<1x64x128xf32, #tpu.memory_space<vmem>>
      %dma_start3A_1145 = tpu.memref_squeeze %dma_start3A_1144 : memref<1x64x128xf32, #tpu.memory_space<vmem>> -> memref<64x128xf32, #tpu.memory_space<vmem>>
      %dma_start3A_1146 = arith.constant 0 : i32
      %dma_start3A_1147 = tpu.memref_slice %arg3[%dma_start3A_1146, %multiple_of3A_1139] : memref<64x1000000xf32, #tpu.memory_space<hbm>> -> memref<64x128xf32, #tpu.memory_space<hbm>>
      %dma_start3A_1148 = tpu.memref_slice %arg8[%dma_start3A_1141] : memref<8x!tpu.dma_semaphore, #tpu.memory_space<semaphore_mem>> -> memref<1x!tpu.dma_semaphore, #tpu.memory_space<semaphore_mem>>
      %dma_start3A_1149 = tpu.memref_squeeze %dma_start3A_1148 : memref<1x!tpu.dma_semaphore, #tpu.memory_space<semaphore_mem>> -> memref<!tpu.dma_semaphore, #tpu.memory_space<semaphore_mem>>
      %dma_start3A_1150 = arith.constant 0 : i32
      %dma_start3A_1151 = arith.constant 0 : i32
      %dma_start3A_1152 = tpu.memref_slice %arg6[%dma_start3A_1140, %dma_start3A_1150, %dma_start3A_1151] : memref<8x64x128xf32, #tpu.memory_space<vmem>> -> memref<1x64x128xf32, #tpu.memory_space<vmem>>
      %dma_start3A_1153 = tpu.memref_squeeze %dma_start3A_1152 : memref<1x64x128xf32, #tpu.memory_space<vmem>> -> memref<64x128xf32, #tpu.memory_space<vmem>>
      %dma_start3A_1154 = arith.constant 0 : i32
      %dma_start3A_1155 = tpu.memref_slice %arg3[%dma_start3A_1154, %multiple_of3A_1139] : memref<64x1000000xf32, #tpu.memory_space<hbm>> -> memref<64x128xf32, #tpu.memory_space<hbm>>
      tpu.enqueue_dma source(%dma_start3A_1155 : memref<64x128xf32, #tpu.memory_space<hbm>>) target(%dma_start3A_1153 : memref<64x128xf32, #tpu.memory_space<vmem>>) target_semaphore(%dma_start3A_1149 : memref<!tpu.dma_semaphore, #tpu.memory_space<semaphore_mem>>)
      %dma_wait3A_1156 = arith.constant 0 : i32
      %dma_wait3A_1157 = arith.constant 0 : i32
      %dma_wait3A_1158 = arith.constant 0 : i32
      %dma_wait3A_1159 = arith.constant 0 : i32
      %dma_wait3A_1160 = tpu.memref_slice %arg6[%dma_wait3A_1156, %dma_wait3A_1158, %dma_wait3A_1159] : memref<8x64x128xf32, #tpu.memory_space<vmem>> -> memref<1x64x128xf32, #tpu.memory_space<vmem>>
      %dma_wait3A_1161 = tpu.memref_squeeze %dma_wait3A_1160 : memref<1x64x128xf32, #tpu.memory_space<vmem>> -> memref<64x128xf32, #tpu.memory_space<vmem>>
      %dma_wait3A_1162 = arith.constant 0 : i32
      %dma_wait3A_1163 = arith.constant 0 : i32
      %dma_wait3A_1164 = tpu.memref_slice %arg3[%dma_wait3A_1162, %dma_wait3A_1163] : memref<64x1000000xf32, #tpu.memory_space<hbm>> -> memref<64x128xf32, #tpu.memory_space<hbm>>
      %dma_wait3A_1165 = tpu.memref_slice %arg8[%dma_wait3A_1157] : memref<8x!tpu.dma_semaphore, #tpu.memory_space<semaphore_mem>> -> memref<1x!tpu.dma_semaphore, #tpu.memory_space<semaphore_mem>>
      %dma_wait3A_1166 = tpu.memref_squeeze %dma_wait3A_1165 : memref<1x!tpu.dma_semaphore, #tpu.memory_space<semaphore_mem>> -> memref<!tpu.dma_semaphore, #tpu.memory_space<semaphore_mem>>
      %dma_wait3A_1167 = arith.constant 0 : i32
      %dma_wait3A_1168 = arith.constant 0 : i32
      %dma_wait3A_1169 = tpu.memref_slice %arg6[%dma_wait3A_1156, %dma_wait3A_1167, %dma_wait3A_1168] : memref<8x64x128xf32, #tpu.memory_space<vmem>> -> memref<1x64x128xf32, #tpu.memory_space<vmem>>
      %dma_wait3A_1170 = tpu.memref_squeeze %dma_wait3A_1169 : memref<1x64x128xf32, #tpu.memory_space<vmem>> -> memref<64x128xf32, #tpu.memory_space<vmem>>
      %dma_wait3A_1171 = arith.constant 0 : i32
      %dma_wait3A_1172 = arith.constant 0 : i32
      %dma_wait3A_1173 = tpu.memref_slice %arg3[%dma_wait3A_1171, %dma_wait3A_1172] : memref<64x1000000xf32, #tpu.memory_space<hbm>> -> memref<64x128xf32, #tpu.memory_space<hbm>>
      tpu.wait_dma2 semaphore(%dma_wait3A_1166 : memref<!tpu.dma_semaphore, #tpu.memory_space<semaphore_mem>>) src(%dma_wait3A_1173 : memref<64x128xf32, #tpu.memory_space<hbm>>) dst(%dma_wait3A_1170 : memref<64x128xf32, #tpu.memory_space<vmem>>)
      %slice3A_1174 = vector.extract_strided_slice %get3A_381 {offsets = [8], sizes = [1], strides = [1]} : vector<16xi32> to vector<1xi32>
      %squeeze3A_1175 = vector.extract %slice3A_1174[0] : i32 from vector<1xi32>
      %add3A_1176 = arith.constant 8 : i32
      %add3A_1177 = arith.addi %mul3A_379, %add3A_1176 : i32
      %add3A_1178 = arith.constant 0 : i32
      %add3A_1179 = arith.addi %add3A_1177, %add3A_1178 : i32
      %and3A_1180 = arith.constant 127 : i32
      %and3A_1181 = arith.andi %squeeze3A_1175, %and3A_1180 : i32
      %broadcast_in_dim3A_1182 = vector.broadcast %and3A_1181 : i32 to vector<16xi32>
      %and3A_1183 = arith.constant 255 : i32
      %and3A_1184 = arith.andi %add3A_1179, %and3A_1183 : i32
      %broadcast_in_dim3A_1185 = vector.broadcast %and3A_1184 : i32 to vector<16xi32>
      %gather3A_1186 = arith.constant 0 : i32
      %gather3A_1187 = arith.constant 0 : i32
      %gather3A_1188 = arith.constant 0 : i32
      %gather3A_1189 = tpu.memref_slice %arg6[%gather3A_1186, %gather3A_1187, %gather3A_1188] : memref<8x64x128xf32, #tpu.memory_space<vmem>> -> memref<1x64x128xf32, #tpu.memory_space<vmem>>
      %gather3A_1190 = tpu.memref_squeeze %gather3A_1189 : memref<1x64x128xf32, #tpu.memory_space<vmem>> -> memref<64x128xf32, #tpu.memory_space<vmem>>
      %gather3A_1191 = tpu.vector_load_idx %gather3A_1190[%add3A_7, %broadcast_in_dim3A_1182] : memref<64x128xf32, #tpu.memory_space<vmem>>[vector<16xi32>, vector<16xi32>], vector<16xf32>,
      tpu.vector_store_idx %arg7[%add3A_7, %broadcast_in_dim3A_1185], %gather3A_1191 : memref<64x256xf32, #tpu.memory_space<vmem>>[vector<16xi32>, vector<16xi32>], vector<16xf32>,
      %gather3A_1192 = arith.constant 0 : i32
      %gather3A_1193 = arith.constant 0 : i32
      %gather3A_1194 = arith.constant 0 : i32
      %gather3A_1195 = tpu.memref_slice %arg6[%gather3A_1192, %gather3A_1193, %gather3A_1194] : memref<8x64x128xf32, #tpu.memory_space<vmem>> -> memref<1x64x128xf32, #tpu.memory_space<vmem>>
      %gather3A_1196 = tpu.memref_squeeze %gather3A_1195 : memref<1x64x128xf32, #tpu.memory_space<vmem>> -> memref<64x128xf32, #tpu.memory_space<vmem>>
      %gather3A_1197 = tpu.vector_load_idx %gather3A_1196[%add3A_11, %broadcast_in_dim3A_1182] : memref<64x128xf32, #tpu.memory_space<vmem>>[vector<16xi32>, vector<16xi32>], vector<16xf32>,
      tpu.vector_store_idx %arg7[%add3A_11, %broadcast_in_dim3A_1185], %gather3A_1197 : memref<64x256xf32, #tpu.memory_space<vmem>>[vector<16xi32>, vector<16xi32>], vector<16xf32>,
      %gather3A_1198 = arith.constant 0 : i32
      %gather3A_1199 = arith.constant 0 : i32
      %gather3A_1200 = arith.constant 0 : i32
      %gather3A_1201 = tpu.memref_slice %arg6[%gather3A_1198, %gather3A_1199, %gather3A_1200] : memref<8x64x128xf32, #tpu.memory_space<vmem>> -> memref<1x64x128xf32, #tpu.memory_space<vmem>>
      %gather3A_1202 = tpu.memref_squeeze %gather3A_1201 : memref<1x64x128xf32, #tpu.memory_space<vmem>> -> memref<64x128xf32, #tpu.memory_space<vmem>>
      %gather3A_1203 = tpu.vector_load_idx %gather3A_1202[%add3A_15, %broadcast_in_dim3A_1182] : memref<64x128xf32, #tpu.memory_space<vmem>>[vector<16xi32>, vector<16xi32>], vector<16xf32>,
      tpu.vector_store_idx %arg7[%add3A_15, %broadcast_in_dim3A_1185], %gather3A_1203 : memref<64x256xf32, #tpu.memory_space<vmem>>[vector<16xi32>, vector<16xi32>], vector<16xf32>,
      %gather3A_1204 = arith.constant 0 : i32
      %gather3A_1205 = arith.constant 0 : i32
      %gather3A_1206 = arith.constant 0 : i32
      %gather3A_1207 = tpu.memref_slice %arg6[%gather3A_1204, %gather3A_1205, %gather3A_1206] : memref<8x64x128xf32, #tpu.memory_space<vmem>> -> memref<1x64x128xf32, #tpu.memory_space<vmem>>
      %gather3A_1208 = tpu.memref_squeeze %gather3A_1207 : memref<1x64x128xf32, #tpu.memory_space<vmem>> -> memref<64x128xf32, #tpu.memory_space<vmem>>
      %gather3A_1209 = tpu.vector_load_idx %gather3A_1208[%add3A_19, %broadcast_in_dim3A_1182] : memref<64x128xf32, #tpu.memory_space<vmem>>[vector<16xi32>, vector<16xi32>], vector<16xf32>,
      tpu.vector_store_idx %arg7[%add3A_19, %broadcast_in_dim3A_1185], %gather3A_1209 : memref<64x256xf32, #tpu.memory_space<vmem>>[vector<16xi32>, vector<16xi32>], vector<16xf32>,
      %dma_wait3A_1210 = arith.constant 1 : i32
      %dma_wait3A_1211 = arith.constant 1 : i32
      %dma_wait3A_1212 = arith.constant 0 : i32
      %dma_wait3A_1213 = arith.constant 0 : i32
      %dma_wait3A_1214 = tpu.memref_slice %arg6[%dma_wait3A_1210, %dma_wait3A_1212, %dma_wait3A_1213] : memref<8x64x128xf32, #tpu.memory_space<vmem>> -> memref<1x64x128xf32, #tpu.memory_space<vmem>>
      %dma_wait3A_1215 = tpu.memref_squeeze %dma_wait3A_1214 : memref<1x64x128xf32, #tpu.memory_space<vmem>> -> memref<64x128xf32, #tpu.memory_space<vmem>>
      %dma_wait3A_1216 = arith.constant 0 : i32
      %dma_wait3A_1217 = arith.constant 0 : i32
      %dma_wait3A_1218 = tpu.memref_slice %arg3[%dma_wait3A_1216, %dma_wait3A_1217] : memref<64x1000000xf32, #tpu.memory_space<hbm>> -> memref<64x128xf32, #tpu.memory_space<hbm>>
      %dma_wait3A_1219 = tpu.memref_slice %arg8[%dma_wait3A_1211] : memref<8x!tpu.dma_semaphore, #tpu.memory_space<semaphore_mem>> -> memref<1x!tpu.dma_semaphore, #tpu.memory_space<semaphore_mem>>
      %dma_wait3A_1220 = tpu.memref_squeeze %dma_wait3A_1219 : memref<1x!tpu.dma_semaphore, #tpu.memory_space<semaphore_mem>> -> memref<!tpu.dma_semaphore, #tpu.memory_space<semaphore_mem>>
      %dma_wait3A_1221 = arith.constant 0 : i32
      %dma_wait3A_1222 = arith.constant 0 : i32
      %dma_wait3A_1223 = tpu.memref_slice %arg6[%dma_wait3A_1210, %dma_wait3A_1221, %dma_wait3A_1222] : memref<8x64x128xf32, #tpu.memory_space<vmem>> -> memref<1x64x128xf32, #tpu.memory_space<vmem>>
      %dma_wait3A_1224 = tpu.memref_squeeze %dma_wait3A_1223 : memref<1x64x128xf32, #tpu.memory_space<vmem>> -> memref<64x128xf32, #tpu.memory_space<vmem>>
      %dma_wait3A_1225 = arith.constant 0 : i32
      %dma_wait3A_1226 = arith.constant 0 : i32
      %dma_wait3A_1227 = tpu.memref_slice %arg3[%dma_wait3A_1225, %dma_wait3A_1226] : memref<64x1000000xf32, #tpu.memory_space<hbm>> -> memref<64x128xf32, #tpu.memory_space<hbm>>
      tpu.wait_dma2 semaphore(%dma_wait3A_1220 : memref<!tpu.dma_semaphore, #tpu.memory_space<semaphore_mem>>) src(%dma_wait3A_1227 : memref<64x128xf32, #tpu.memory_space<hbm>>) dst(%dma_wait3A_1224 : memref<64x128xf32, #tpu.memory_space<vmem>>)
      %slice3A_1228 = vector.extract_strided_slice %get3A_381 {offsets = [9], sizes = [1], strides = [1]} : vector<16xi32> to vector<1xi32>
      %squeeze3A_1229 = vector.extract %slice3A_1228[0] : i32 from vector<1xi32>
      %add3A_1230 = arith.constant 8 : i32
      %add3A_1231 = arith.addi %mul3A_379, %add3A_1230 : i32
      %add3A_1232 = arith.constant 1 : i32
      %add3A_1233 = arith.addi %add3A_1231, %add3A_1232 : i32
      %and3A_1234 = arith.constant 127 : i32
      %and3A_1235 = arith.andi %squeeze3A_1229, %and3A_1234 : i32
      %broadcast_in_dim3A_1236 = vector.broadcast %and3A_1235 : i32 to vector<16xi32>
      %and3A_1237 = arith.constant 255 : i32
      %and3A_1238 = arith.andi %add3A_1233, %and3A_1237 : i32
      %broadcast_in_dim3A_1239 = vector.broadcast %and3A_1238 : i32 to vector<16xi32>
      %gather3A_1240 = arith.constant 1 : i32
      %gather3A_1241 = arith.constant 0 : i32
      %gather3A_1242 = arith.constant 0 : i32
      %gather3A_1243 = tpu.memref_slice %arg6[%gather3A_1240, %gather3A_1241, %gather3A_1242] : memref<8x64x128xf32, #tpu.memory_space<vmem>> -> memref<1x64x128xf32, #tpu.memory_space<vmem>>
      %gather3A_1244 = tpu.memref_squeeze %gather3A_1243 : memref<1x64x128xf32, #tpu.memory_space<vmem>> -> memref<64x128xf32, #tpu.memory_space<vmem>>
      %gather3A_1245 = tpu.vector_load_idx %gather3A_1244[%add3A_7, %broadcast_in_dim3A_1236] : memref<64x128xf32, #tpu.memory_space<vmem>>[vector<16xi32>, vector<16xi32>], vector<16xf32>,
      tpu.vector_store_idx %arg7[%add3A_7, %broadcast_in_dim3A_1239], %gather3A_1245 : memref<64x256xf32, #tpu.memory_space<vmem>>[vector<16xi32>, vector<16xi32>], vector<16xf32>,
      %gather3A_1246 = arith.constant 1 : i32
      %gather3A_1247 = arith.constant 0 : i32
      %gather3A_1248 = arith.constant 0 : i32
      %gather3A_1249 = tpu.memref_slice %arg6[%gather3A_1246, %gather3A_1247, %gather3A_1248] : memref<8x64x128xf32, #tpu.memory_space<vmem>> -> memref<1x64x128xf32, #tpu.memory_space<vmem>>
      %gather3A_1250 = tpu.memref_squeeze %gather3A_1249 : memref<1x64x128xf32, #tpu.memory_space<vmem>> -> memref<64x128xf32, #tpu.memory_space<vmem>>
      %gather3A_1251 = tpu.vector_load_idx %gather3A_1250[%add3A_11, %broadcast_in_dim3A_1236] : memref<64x128xf32, #tpu.memory_space<vmem>>[vector<16xi32>, vector<16xi32>], vector<16xf32>,
      tpu.vector_store_idx %arg7[%add3A_11, %broadcast_in_dim3A_1239], %gather3A_1251 : memref<64x256xf32, #tpu.memory_space<vmem>>[vector<16xi32>, vector<16xi32>], vector<16xf32>,
      %gather3A_1252 = arith.constant 1 : i32
      %gather3A_1253 = arith.constant 0 : i32
      %gather3A_1254 = arith.constant 0 : i32
      %gather3A_1255 = tpu.memref_slice %arg6[%gather3A_1252, %gather3A_1253, %gather3A_1254] : memref<8x64x128xf32, #tpu.memory_space<vmem>> -> memref<1x64x128xf32, #tpu.memory_space<vmem>>
      %gather3A_1256 = tpu.memref_squeeze %gather3A_1255 : memref<1x64x128xf32, #tpu.memory_space<vmem>> -> memref<64x128xf32, #tpu.memory_space<vmem>>
      %gather3A_1257 = tpu.vector_load_idx %gather3A_1256[%add3A_15, %broadcast_in_dim3A_1236] : memref<64x128xf32, #tpu.memory_space<vmem>>[vector<16xi32>, vector<16xi32>], vector<16xf32>,
      tpu.vector_store_idx %arg7[%add3A_15, %broadcast_in_dim3A_1239], %gather3A_1257 : memref<64x256xf32, #tpu.memory_space<vmem>>[vector<16xi32>, vector<16xi32>], vector<16xf32>,
      %gather3A_1258 = arith.constant 1 : i32
      %gather3A_1259 = arith.constant 0 : i32
      %gather3A_1260 = arith.constant 0 : i32
      %gather3A_1261 = tpu.memref_slice %arg6[%gather3A_1258, %gather3A_1259, %gather3A_1260] : memref<8x64x128xf32, #tpu.memory_space<vmem>> -> memref<1x64x128xf32, #tpu.memory_space<vmem>>
      %gather3A_1262 = tpu.memref_squeeze %gather3A_1261 : memref<1x64x128xf32, #tpu.memory_space<vmem>> -> memref<64x128xf32, #tpu.memory_space<vmem>>
      %gather3A_1263 = tpu.vector_load_idx %gather3A_1262[%add3A_19, %broadcast_in_dim3A_1236] : memref<64x128xf32, #tpu.memory_space<vmem>>[vector<16xi32>, vector<16xi32>], vector<16xf32>,
      tpu.vector_store_idx %arg7[%add3A_19, %broadcast_in_dim3A_1239], %gather3A_1263 : memref<64x256xf32, #tpu.memory_space<vmem>>[vector<16xi32>, vector<16xi32>], vector<16xf32>,
      %dma_wait3A_1264 = arith.constant 2 : i32
      %dma_wait3A_1265 = arith.constant 2 : i32
      %dma_wait3A_1266 = arith.constant 0 : i32
      %dma_wait3A_1267 = arith.constant 0 : i32
      %dma_wait3A_1268 = tpu.memref_slice %arg6[%dma_wait3A_1264, %dma_wait3A_1266, %dma_wait3A_1267] : memref<8x64x128xf32, #tpu.memory_space<vmem>> -> memref<1x64x128xf32, #tpu.memory_space<vmem>>
      %dma_wait3A_1269 = tpu.memref_squeeze %dma_wait3A_1268 : memref<1x64x128xf32, #tpu.memory_space<vmem>> -> memref<64x128xf32, #tpu.memory_space<vmem>>
      %dma_wait3A_1270 = arith.constant 0 : i32
      %dma_wait3A_1271 = arith.constant 0 : i32
      %dma_wait3A_1272 = tpu.memref_slice %arg3[%dma_wait3A_1270, %dma_wait3A_1271] : memref<64x1000000xf32, #tpu.memory_space<hbm>> -> memref<64x128xf32, #tpu.memory_space<hbm>>
      %dma_wait3A_1273 = tpu.memref_slice %arg8[%dma_wait3A_1265] : memref<8x!tpu.dma_semaphore, #tpu.memory_space<semaphore_mem>> -> memref<1x!tpu.dma_semaphore, #tpu.memory_space<semaphore_mem>>
      %dma_wait3A_1274 = tpu.memref_squeeze %dma_wait3A_1273 : memref<1x!tpu.dma_semaphore, #tpu.memory_space<semaphore_mem>> -> memref<!tpu.dma_semaphore, #tpu.memory_space<semaphore_mem>>
      %dma_wait3A_1275 = arith.constant 0 : i32
      %dma_wait3A_1276 = arith.constant 0 : i32
      %dma_wait3A_1277 = tpu.memref_slice %arg6[%dma_wait3A_1264, %dma_wait3A_1275, %dma_wait3A_1276] : memref<8x64x128xf32, #tpu.memory_space<vmem>> -> memref<1x64x128xf32, #tpu.memory_space<vmem>>
      %dma_wait3A_1278 = tpu.memref_squeeze %dma_wait3A_1277 : memref<1x64x128xf32, #tpu.memory_space<vmem>> -> memref<64x128xf32, #tpu.memory_space<vmem>>
      %dma_wait3A_1279 = arith.constant 0 : i32
      %dma_wait3A_1280 = arith.constant 0 : i32
      %dma_wait3A_1281 = tpu.memref_slice %arg3[%dma_wait3A_1279, %dma_wait3A_1280] : memref<64x1000000xf32, #tpu.memory_space<hbm>> -> memref<64x128xf32, #tpu.memory_space<hbm>>
      tpu.wait_dma2 semaphore(%dma_wait3A_1274 : memref<!tpu.dma_semaphore, #tpu.memory_space<semaphore_mem>>) src(%dma_wait3A_1281 : memref<64x128xf32, #tpu.memory_space<hbm>>) dst(%dma_wait3A_1278 : memref<64x128xf32, #tpu.memory_space<vmem>>)
      %slice3A_1282 = vector.extract_strided_slice %get3A_381 {offsets = [10], sizes = [1], strides = [1]} : vector<16xi32> to vector<1xi32>
      %squeeze3A_1283 = vector.extract %slice3A_1282[0] : i32 from vector<1xi32>
      %add3A_1284 = arith.constant 8 : i32
      %add3A_1285 = arith.addi %mul3A_379, %add3A_1284 : i32
      %add3A_1286 = arith.constant 2 : i32
      %add3A_1287 = arith.addi %add3A_1285, %add3A_1286 : i32
      %and3A_1288 = arith.constant 127 : i32
      %and3A_1289 = arith.andi %squeeze3A_1283, %and3A_1288 : i32
      %broadcast_in_dim3A_1290 = vector.broadcast %and3A_1289 : i32 to vector<16xi32>
      %and3A_1291 = arith.constant 255 : i32
      %and3A_1292 = arith.andi %add3A_1287, %and3A_1291 : i32
      %broadcast_in_dim3A_1293 = vector.broadcast %and3A_1292 : i32 to vector<16xi32>
      %gather3A_1294 = arith.constant 2 : i32
      %gather3A_1295 = arith.constant 0 : i32
      %gather3A_1296 = arith.constant 0 : i32
      %gather3A_1297 = tpu.memref_slice %arg6[%gather3A_1294, %gather3A_1295, %gather3A_1296] : memref<8x64x128xf32, #tpu.memory_space<vmem>> -> memref<1x64x128xf32, #tpu.memory_space<vmem>>
      %gather3A_1298 = tpu.memref_squeeze %gather3A_1297 : memref<1x64x128xf32, #tpu.memory_space<vmem>> -> memref<64x128xf32, #tpu.memory_space<vmem>>
      %gather3A_1299 = tpu.vector_load_idx %gather3A_1298[%add3A_7, %broadcast_in_dim3A_1290] : memref<64x128xf32, #tpu.memory_space<vmem>>[vector<16xi32>, vector<16xi32>], vector<16xf32>,
      tpu.vector_store_idx %arg7[%add3A_7, %broadcast_in_dim3A_1293], %gather3A_1299 : memref<64x256xf32, #tpu.memory_space<vmem>>[vector<16xi32>, vector<16xi32>], vector<16xf32>,
      %gather3A_1300 = arith.constant 2 : i32
      %gather3A_1301 = arith.constant 0 : i32
      %gather3A_1302 = arith.constant 0 : i32
      %gather3A_1303 = tpu.memref_slice %arg6[%gather3A_1300, %gather3A_1301, %gather3A_1302] : memref<8x64x128xf32, #tpu.memory_space<vmem>> -> memref<1x64x128xf32, #tpu.memory_space<vmem>>
      %gather3A_1304 = tpu.memref_squeeze %gather3A_1303 : memref<1x64x128xf32, #tpu.memory_space<vmem>> -> memref<64x128xf32, #tpu.memory_space<vmem>>
      %gather3A_1305 = tpu.vector_load_idx %gather3A_1304[%add3A_11, %broadcast_in_dim3A_1290] : memref<64x128xf32, #tpu.memory_space<vmem>>[vector<16xi32>, vector<16xi32>], vector<16xf32>,
      tpu.vector_store_idx %arg7[%add3A_11, %broadcast_in_dim3A_1293], %gather3A_1305 : memref<64x256xf32, #tpu.memory_space<vmem>>[vector<16xi32>, vector<16xi32>], vector<16xf32>,
      %gather3A_1306 = arith.constant 2 : i32
      %gather3A_1307 = arith.constant 0 : i32
      %gather3A_1308 = arith.constant 0 : i32
      %gather3A_1309 = tpu.memref_slice %arg6[%gather3A_1306, %gather3A_1307, %gather3A_1308] : memref<8x64x128xf32, #tpu.memory_space<vmem>> -> memref<1x64x128xf32, #tpu.memory_space<vmem>>
      %gather3A_1310 = tpu.memref_squeeze %gather3A_1309 : memref<1x64x128xf32, #tpu.memory_space<vmem>> -> memref<64x128xf32, #tpu.memory_space<vmem>>
      %gather3A_1311 = tpu.vector_load_idx %gather3A_1310[%add3A_15, %broadcast_in_dim3A_1290] : memref<64x128xf32, #tpu.memory_space<vmem>>[vector<16xi32>, vector<16xi32>], vector<16xf32>,
      tpu.vector_store_idx %arg7[%add3A_15, %broadcast_in_dim3A_1293], %gather3A_1311 : memref<64x256xf32, #tpu.memory_space<vmem>>[vector<16xi32>, vector<16xi32>], vector<16xf32>,
      %gather3A_1312 = arith.constant 2 : i32
      %gather3A_1313 = arith.constant 0 : i32
      %gather3A_1314 = arith.constant 0 : i32
      %gather3A_1315 = tpu.memref_slice %arg6[%gather3A_1312, %gather3A_1313, %gather3A_1314] : memref<8x64x128xf32, #tpu.memory_space<vmem>> -> memref<1x64x128xf32, #tpu.memory_space<vmem>>
      %gather3A_1316 = tpu.memref_squeeze %gather3A_1315 : memref<1x64x128xf32, #tpu.memory_space<vmem>> -> memref<64x128xf32, #tpu.memory_space<vmem>>
      %gather3A_1317 = tpu.vector_load_idx %gather3A_1316[%add3A_19, %broadcast_in_dim3A_1290] : memref<64x128xf32, #tpu.memory_space<vmem>>[vector<16xi32>, vector<16xi32>], vector<16xf32>,
      tpu.vector_store_idx %arg7[%add3A_19, %broadcast_in_dim3A_1293], %gather3A_1317 : memref<64x256xf32, #tpu.memory_space<vmem>>[vector<16xi32>, vector<16xi32>], vector<16xf32>,
      %dma_wait3A_1318 = arith.constant 3 : i32
      %dma_wait3A_1319 = arith.constant 3 : i32
      %dma_wait3A_1320 = arith.constant 0 : i32
      %dma_wait3A_1321 = arith.constant 0 : i32
      %dma_wait3A_1322 = tpu.memref_slice %arg6[%dma_wait3A_1318, %dma_wait3A_1320, %dma_wait3A_1321] : memref<8x64x128xf32, #tpu.memory_space<vmem>> -> memref<1x64x128xf32, #tpu.memory_space<vmem>>
      %dma_wait3A_1323 = tpu.memref_squeeze %dma_wait3A_1322 : memref<1x64x128xf32, #tpu.memory_space<vmem>> -> memref<64x128xf32, #tpu.memory_space<vmem>>
      %dma_wait3A_1324 = arith.constant 0 : i32
      %dma_wait3A_1325 = arith.constant 0 : i32
      %dma_wait3A_1326 = tpu.memref_slice %arg3[%dma_wait3A_1324, %dma_wait3A_1325] : memref<64x1000000xf32, #tpu.memory_space<hbm>> -> memref<64x128xf32, #tpu.memory_space<hbm>>
      %dma_wait3A_1327 = tpu.memref_slice %arg8[%dma_wait3A_1319] : memref<8x!tpu.dma_semaphore, #tpu.memory_space<semaphore_mem>> -> memref<1x!tpu.dma_semaphore, #tpu.memory_space<semaphore_mem>>
      %dma_wait3A_1328 = tpu.memref_squeeze %dma_wait3A_1327 : memref<1x!tpu.dma_semaphore, #tpu.memory_space<semaphore_mem>> -> memref<!tpu.dma_semaphore, #tpu.memory_space<semaphore_mem>>
      %dma_wait3A_1329 = arith.constant 0 : i32
      %dma_wait3A_1330 = arith.constant 0 : i32
      %dma_wait3A_1331 = tpu.memref_slice %arg6[%dma_wait3A_1318, %dma_wait3A_1329, %dma_wait3A_1330] : memref<8x64x128xf32, #tpu.memory_space<vmem>> -> memref<1x64x128xf32, #tpu.memory_space<vmem>>
      %dma_wait3A_1332 = tpu.memref_squeeze %dma_wait3A_1331 : memref<1x64x128xf32, #tpu.memory_space<vmem>> -> memref<64x128xf32, #tpu.memory_space<vmem>>
      %dma_wait3A_1333 = arith.constant 0 : i32
      %dma_wait3A_1334 = arith.constant 0 : i32
      %dma_wait3A_1335 = tpu.memref_slice %arg3[%dma_wait3A_1333, %dma_wait3A_1334] : memref<64x1000000xf32, #tpu.memory_space<hbm>> -> memref<64x128xf32, #tpu.memory_space<hbm>>
      tpu.wait_dma2 semaphore(%dma_wait3A_1328 : memref<!tpu.dma_semaphore, #tpu.memory_space<semaphore_mem>>) src(%dma_wait3A_1335 : memref<64x128xf32, #tpu.memory_space<hbm>>) dst(%dma_wait3A_1332 : memref<64x128xf32, #tpu.memory_space<vmem>>)
      %slice3A_1336 = vector.extract_strided_slice %get3A_381 {offsets = [11], sizes = [1], strides = [1]} : vector<16xi32> to vector<1xi32>
      %squeeze3A_1337 = vector.extract %slice3A_1336[0] : i32 from vector<1xi32>
      %add3A_1338 = arith.constant 8 : i32
      %add3A_1339 = arith.addi %mul3A_379, %add3A_1338 : i32
      %add3A_1340 = arith.constant 3 : i32
      %add3A_1341 = arith.addi %add3A_1339, %add3A_1340 : i32
      %and3A_1342 = arith.constant 127 : i32
      %and3A_1343 = arith.andi %squeeze3A_1337, %and3A_1342 : i32
      %broadcast_in_dim3A_1344 = vector.broadcast %and3A_1343 : i32 to vector<16xi32>
      %and3A_1345 = arith.constant 255 : i32
      %and3A_1346 = arith.andi %add3A_1341, %and3A_1345 : i32
      %broadcast_in_dim3A_1347 = vector.broadcast %and3A_1346 : i32 to vector<16xi32>
      %gather3A_1348 = arith.constant 3 : i32
      %gather3A_1349 = arith.constant 0 : i32
      %gather3A_1350 = arith.constant 0 : i32
      %gather3A_1351 = tpu.memref_slice %arg6[%gather3A_1348, %gather3A_1349, %gather3A_1350] : memref<8x64x128xf32, #tpu.memory_space<vmem>> -> memref<1x64x128xf32, #tpu.memory_space<vmem>>
      %gather3A_1352 = tpu.memref_squeeze %gather3A_1351 : memref<1x64x128xf32, #tpu.memory_space<vmem>> -> memref<64x128xf32, #tpu.memory_space<vmem>>
      %gather3A_1353 = tpu.vector_load_idx %gather3A_1352[%add3A_7, %broadcast_in_dim3A_1344] : memref<64x128xf32, #tpu.memory_space<vmem>>[vector<16xi32>, vector<16xi32>], vector<16xf32>,
      tpu.vector_store_idx %arg7[%add3A_7, %broadcast_in_dim3A_1347], %gather3A_1353 : memref<64x256xf32, #tpu.memory_space<vmem>>[vector<16xi32>, vector<16xi32>], vector<16xf32>,
      %gather3A_1354 = arith.constant 3 : i32
      %gather3A_1355 = arith.constant 0 : i32
      %gather3A_1356 = arith.constant 0 : i32
      %gather3A_1357 = tpu.memref_slice %arg6[%gather3A_1354, %gather3A_1355, %gather3A_1356] : memref<8x64x128xf32, #tpu.memory_space<vmem>> -> memref<1x64x128xf32, #tpu.memory_space<vmem>>
      %gather3A_1358 = tpu.memref_squeeze %gather3A_1357 : memref<1x64x128xf32, #tpu.memory_space<vmem>> -> memref<64x128xf32, #tpu.memory_space<vmem>>
      %gather3A_1359 = tpu.vector_load_idx %gather3A_1358[%add3A_11, %broadcast_in_dim3A_1344] : memref<64x128xf32, #tpu.memory_space<vmem>>[vector<16xi32>, vector<16xi32>], vector<16xf32>,
      tpu.vector_store_idx %arg7[%add3A_11, %broadcast_in_dim3A_1347], %gather3A_1359 : memref<64x256xf32, #tpu.memory_space<vmem>>[vector<16xi32>, vector<16xi32>], vector<16xf32>,
      %gather3A_1360 = arith.constant 3 : i32
      %gather3A_1361 = arith.constant 0 : i32
      %gather3A_1362 = arith.constant 0 : i32
      %gather3A_1363 = tpu.memref_slice %arg6[%gather3A_1360, %gather3A_1361, %gather3A_1362] : memref<8x64x128xf32, #tpu.memory_space<vmem>> -> memref<1x64x128xf32, #tpu.memory_space<vmem>>
      %gather3A_1364 = tpu.memref_squeeze %gather3A_1363 : memref<1x64x128xf32, #tpu.memory_space<vmem>> -> memref<64x128xf32, #tpu.memory_space<vmem>>
      %gather3A_1365 = tpu.vector_load_idx %gather3A_1364[%add3A_15, %broadcast_in_dim3A_1344] : memref<64x128xf32, #tpu.memory_space<vmem>>[vector<16xi32>, vector<16xi32>], vector<16xf32>,
      tpu.vector_store_idx %arg7[%add3A_15, %broadcast_in_dim3A_1347], %gather3A_1365 : memref<64x256xf32, #tpu.memory_space<vmem>>[vector<16xi32>, vector<16xi32>], vector<16xf32>,
      %gather3A_1366 = arith.constant 3 : i32
      %gather3A_1367 = arith.constant 0 : i32
      %gather3A_1368 = arith.constant 0 : i32
      %gather3A_1369 = tpu.memref_slice %arg6[%gather3A_1366, %gather3A_1367, %gather3A_1368] : memref<8x64x128xf32, #tpu.memory_space<vmem>> -> memref<1x64x128xf32, #tpu.memory_space<vmem>>
      %gather3A_1370 = tpu.memref_squeeze %gather3A_1369 : memref<1x64x128xf32, #tpu.memory_space<vmem>> -> memref<64x128xf32, #tpu.memory_space<vmem>>
      %gather3A_1371 = tpu.vector_load_idx %gather3A_1370[%add3A_19, %broadcast_in_dim3A_1344] : memref<64x128xf32, #tpu.memory_space<vmem>>[vector<16xi32>, vector<16xi32>], vector<16xf32>,
      tpu.vector_store_idx %arg7[%add3A_19, %broadcast_in_dim3A_1347], %gather3A_1371 : memref<64x256xf32, #tpu.memory_space<vmem>>[vector<16xi32>, vector<16xi32>], vector<16xf32>,
      %dma_wait3A_1372 = arith.constant 4 : i32
      %dma_wait3A_1373 = arith.constant 4 : i32
      %dma_wait3A_1374 = arith.constant 0 : i32
      %dma_wait3A_1375 = arith.constant 0 : i32
      %dma_wait3A_1376 = tpu.memref_slice %arg6[%dma_wait3A_1372, %dma_wait3A_1374, %dma_wait3A_1375] : memref<8x64x128xf32, #tpu.memory_space<vmem>> -> memref<1x64x128xf32, #tpu.memory_space<vmem>>
      %dma_wait3A_1377 = tpu.memref_squeeze %dma_wait3A_1376 : memref<1x64x128xf32, #tpu.memory_space<vmem>> -> memref<64x128xf32, #tpu.memory_space<vmem>>
      %dma_wait3A_1378 = arith.constant 0 : i32
      %dma_wait3A_1379 = arith.constant 0 : i32
      %dma_wait3A_1380 = tpu.memref_slice %arg3[%dma_wait3A_1378, %dma_wait3A_1379] : memref<64x1000000xf32, #tpu.memory_space<hbm>> -> memref<64x128xf32, #tpu.memory_space<hbm>>
      %dma_wait3A_1381 = tpu.memref_slice %arg8[%dma_wait3A_1373] : memref<8x!tpu.dma_semaphore, #tpu.memory_space<semaphore_mem>> -> memref<1x!tpu.dma_semaphore, #tpu.memory_space<semaphore_mem>>
      %dma_wait3A_1382 = tpu.memref_squeeze %dma_wait3A_1381 : memref<1x!tpu.dma_semaphore, #tpu.memory_space<semaphore_mem>> -> memref<!tpu.dma_semaphore, #tpu.memory_space<semaphore_mem>>
      %dma_wait3A_1383 = arith.constant 0 : i32
      %dma_wait3A_1384 = arith.constant 0 : i32
      %dma_wait3A_1385 = tpu.memref_slice %arg6[%dma_wait3A_1372, %dma_wait3A_1383, %dma_wait3A_1384] : memref<8x64x128xf32, #tpu.memory_space<vmem>> -> memref<1x64x128xf32, #tpu.memory_space<vmem>>
      %dma_wait3A_1386 = tpu.memref_squeeze %dma_wait3A_1385 : memref<1x64x128xf32, #tpu.memory_space<vmem>> -> memref<64x128xf32, #tpu.memory_space<vmem>>
      %dma_wait3A_1387 = arith.constant 0 : i32
      %dma_wait3A_1388 = arith.constant 0 : i32
      %dma_wait3A_1389 = tpu.memref_slice %arg3[%dma_wait3A_1387, %dma_wait3A_1388] : memref<64x1000000xf32, #tpu.memory_space<hbm>> -> memref<64x128xf32, #tpu.memory_space<hbm>>
      tpu.wait_dma2 semaphore(%dma_wait3A_1382 : memref<!tpu.dma_semaphore, #tpu.memory_space<semaphore_mem>>) src(%dma_wait3A_1389 : memref<64x128xf32, #tpu.memory_space<hbm>>) dst(%dma_wait3A_1386 : memref<64x128xf32, #tpu.memory_space<vmem>>)
      %slice3A_1390 = vector.extract_strided_slice %get3A_381 {offsets = [12], sizes = [1], strides = [1]} : vector<16xi32> to vector<1xi32>
      %squeeze3A_1391 = vector.extract %slice3A_1390[0] : i32 from vector<1xi32>
      %add3A_1392 = arith.constant 8 : i32
      %add3A_1393 = arith.addi %mul3A_379, %add3A_1392 : i32
      %add3A_1394 = arith.constant 4 : i32
      %add3A_1395 = arith.addi %add3A_1393, %add3A_1394 : i32
      %and3A_1396 = arith.constant 127 : i32
      %and3A_1397 = arith.andi %squeeze3A_1391, %and3A_1396 : i32
      %broadcast_in_dim3A_1398 = vector.broadcast %and3A_1397 : i32 to vector<16xi32>
      %and3A_1399 = arith.constant 255 : i32
      %and3A_1400 = arith.andi %add3A_1395, %and3A_1399 : i32
      %broadcast_in_dim3A_1401 = vector.broadcast %and3A_1400 : i32 to vector<16xi32>
      %gather3A_1402 = arith.constant 4 : i32
      %gather3A_1403 = arith.constant 0 : i32
      %gather3A_1404 = arith.constant 0 : i32
      %gather3A_1405 = tpu.memref_slice %arg6[%gather3A_1402, %gather3A_1403, %gather3A_1404] : memref<8x64x128xf32, #tpu.memory_space<vmem>> -> memref<1x64x128xf32, #tpu.memory_space<vmem>>
      %gather3A_1406 = tpu.memref_squeeze %gather3A_1405 : memref<1x64x128xf32, #tpu.memory_space<vmem>> -> memref<64x128xf32, #tpu.memory_space<vmem>>
      %gather3A_1407 = tpu.vector_load_idx %gather3A_1406[%add3A_7, %broadcast_in_dim3A_1398] : memref<64x128xf32, #tpu.memory_space<vmem>>[vector<16xi32>, vector<16xi32>], vector<16xf32>,
      tpu.vector_store_idx %arg7[%add3A_7, %broadcast_in_dim3A_1401], %gather3A_1407 : memref<64x256xf32, #tpu.memory_space<vmem>>[vector<16xi32>, vector<16xi32>], vector<16xf32>,
      %gather3A_1408 = arith.constant 4 : i32
      %gather3A_1409 = arith.constant 0 : i32
      %gather3A_1410 = arith.constant 0 : i32
      %gather3A_1411 = tpu.memref_slice %arg6[%gather3A_1408, %gather3A_1409, %gather3A_1410] : memref<8x64x128xf32, #tpu.memory_space<vmem>> -> memref<1x64x128xf32, #tpu.memory_space<vmem>>
      %gather3A_1412 = tpu.memref_squeeze %gather3A_1411 : memref<1x64x128xf32, #tpu.memory_space<vmem>> -> memref<64x128xf32, #tpu.memory_space<vmem>>
      %gather3A_1413 = tpu.vector_load_idx %gather3A_1412[%add3A_11, %broadcast_in_dim3A_1398] : memref<64x128xf32, #tpu.memory_space<vmem>>[vector<16xi32>, vector<16xi32>], vector<16xf32>,
      tpu.vector_store_idx %arg7[%add3A_11, %broadcast_in_dim3A_1401], %gather3A_1413 : memref<64x256xf32, #tpu.memory_space<vmem>>[vector<16xi32>, vector<16xi32>], vector<16xf32>,
      %gather3A_1414 = arith.constant 4 : i32
      %gather3A_1415 = arith.constant 0 : i32
      %gather3A_1416 = arith.constant 0 : i32
      %gather3A_1417 = tpu.memref_slice %arg6[%gather3A_1414, %gather3A_1415, %gather3A_1416] : memref<8x64x128xf32, #tpu.memory_space<vmem>> -> memref<1x64x128xf32, #tpu.memory_space<vmem>>
      %gather3A_1418 = tpu.memref_squeeze %gather3A_1417 : memref<1x64x128xf32, #tpu.memory_space<vmem>> -> memref<64x128xf32, #tpu.memory_space<vmem>>
      %gather3A_1419 = tpu.vector_load_idx %gather3A_1418[%add3A_15, %broadcast_in_dim3A_1398] : memref<64x128xf32, #tpu.memory_space<vmem>>[vector<16xi32>, vector<16xi32>], vector<16xf32>,
      tpu.vector_store_idx %arg7[%add3A_15, %broadcast_in_dim3A_1401], %gather3A_1419 : memref<64x256xf32, #tpu.memory_space<vmem>>[vector<16xi32>, vector<16xi32>], vector<16xf32>,
      %gather3A_1420 = arith.constant 4 : i32
      %gather3A_1421 = arith.constant 0 : i32
      %gather3A_1422 = arith.constant 0 : i32
      %gather3A_1423 = tpu.memref_slice %arg6[%gather3A_1420, %gather3A_1421, %gather3A_1422] : memref<8x64x128xf32, #tpu.memory_space<vmem>> -> memref<1x64x128xf32, #tpu.memory_space<vmem>>
      %gather3A_1424 = tpu.memref_squeeze %gather3A_1423 : memref<1x64x128xf32, #tpu.memory_space<vmem>> -> memref<64x128xf32, #tpu.memory_space<vmem>>
      %gather3A_1425 = tpu.vector_load_idx %gather3A_1424[%add3A_19, %broadcast_in_dim3A_1398] : memref<64x128xf32, #tpu.memory_space<vmem>>[vector<16xi32>, vector<16xi32>], vector<16xf32>,
      tpu.vector_store_idx %arg7[%add3A_19, %broadcast_in_dim3A_1401], %gather3A_1425 : memref<64x256xf32, #tpu.memory_space<vmem>>[vector<16xi32>, vector<16xi32>], vector<16xf32>,
      %dma_wait3A_1426 = arith.constant 5 : i32
      %dma_wait3A_1427 = arith.constant 5 : i32
      %dma_wait3A_1428 = arith.constant 0 : i32
      %dma_wait3A_1429 = arith.constant 0 : i32
      %dma_wait3A_1430 = tpu.memref_slice %arg6[%dma_wait3A_1426, %dma_wait3A_1428, %dma_wait3A_1429] : memref<8x64x128xf32, #tpu.memory_space<vmem>> -> memref<1x64x128xf32, #tpu.memory_space<vmem>>
      %dma_wait3A_1431 = tpu.memref_squeeze %dma_wait3A_1430 : memref<1x64x128xf32, #tpu.memory_space<vmem>> -> memref<64x128xf32, #tpu.memory_space<vmem>>
      %dma_wait3A_1432 = arith.constant 0 : i32
      %dma_wait3A_1433 = arith.constant 0 : i32
      %dma_wait3A_1434 = tpu.memref_slice %arg3[%dma_wait3A_1432, %dma_wait3A_1433] : memref<64x1000000xf32, #tpu.memory_space<hbm>> -> memref<64x128xf32, #tpu.memory_space<hbm>>
      %dma_wait3A_1435 = tpu.memref_slice %arg8[%dma_wait3A_1427] : memref<8x!tpu.dma_semaphore, #tpu.memory_space<semaphore_mem>> -> memref<1x!tpu.dma_semaphore, #tpu.memory_space<semaphore_mem>>
      %dma_wait3A_1436 = tpu.memref_squeeze %dma_wait3A_1435 : memref<1x!tpu.dma_semaphore, #tpu.memory_space<semaphore_mem>> -> memref<!tpu.dma_semaphore, #tpu.memory_space<semaphore_mem>>
      %dma_wait3A_1437 = arith.constant 0 : i32
      %dma_wait3A_1438 = arith.constant 0 : i32
      %dma_wait3A_1439 = tpu.memref_slice %arg6[%dma_wait3A_1426, %dma_wait3A_1437, %dma_wait3A_1438] : memref<8x64x128xf32, #tpu.memory_space<vmem>> -> memref<1x64x128xf32, #tpu.memory_space<vmem>>
      %dma_wait3A_1440 = tpu.memref_squeeze %dma_wait3A_1439 : memref<1x64x128xf32, #tpu.memory_space<vmem>> -> memref<64x128xf32, #tpu.memory_space<vmem>>
      %dma_wait3A_1441 = arith.constant 0 : i32
      %dma_wait3A_1442 = arith.constant 0 : i32
      %dma_wait3A_1443 = tpu.memref_slice %arg3[%dma_wait3A_1441, %dma_wait3A_1442] : memref<64x1000000xf32, #tpu.memory_space<hbm>> -> memref<64x128xf32, #tpu.memory_space<hbm>>
      tpu.wait_dma2 semaphore(%dma_wait3A_1436 : memref<!tpu.dma_semaphore, #tpu.memory_space<semaphore_mem>>) src(%dma_wait3A_1443 : memref<64x128xf32, #tpu.memory_space<hbm>>) dst(%dma_wait3A_1440 : memref<64x128xf32, #tpu.memory_space<vmem>>)
      %slice3A_1444 = vector.extract_strided_slice %get3A_381 {offsets = [13], sizes = [1], strides = [1]} : vector<16xi32> to vector<1xi32>
      %squeeze3A_1445 = vector.extract %slice3A_1444[0] : i32 from vector<1xi32>
      %add3A_1446 = arith.constant 8 : i32
      %add3A_1447 = arith.addi %mul3A_379, %add3A_1446 : i32
      %add3A_1448 = arith.constant 5 : i32
      %add3A_1449 = arith.addi %add3A_1447, %add3A_1448 : i32
      %and3A_1450 = arith.constant 127 : i32
      %and3A_1451 = arith.andi %squeeze3A_1445, %and3A_1450 : i32
      %broadcast_in_dim3A_1452 = vector.broadcast %and3A_1451 : i32 to vector<16xi32>
      %and3A_1453 = arith.constant 255 : i32
      %and3A_1454 = arith.andi %add3A_1449, %and3A_1453 : i32
      %broadcast_in_dim3A_1455 = vector.broadcast %and3A_1454 : i32 to vector<16xi32>
      %gather3A_1456 = arith.constant 5 : i32
      %gather3A_1457 = arith.constant 0 : i32
      %gather3A_1458 = arith.constant 0 : i32
      %gather3A_1459 = tpu.memref_slice %arg6[%gather3A_1456, %gather3A_1457, %gather3A_1458] : memref<8x64x128xf32, #tpu.memory_space<vmem>> -> memref<1x64x128xf32, #tpu.memory_space<vmem>>
      %gather3A_1460 = tpu.memref_squeeze %gather3A_1459 : memref<1x64x128xf32, #tpu.memory_space<vmem>> -> memref<64x128xf32, #tpu.memory_space<vmem>>
      %gather3A_1461 = tpu.vector_load_idx %gather3A_1460[%add3A_7, %broadcast_in_dim3A_1452] : memref<64x128xf32, #tpu.memory_space<vmem>>[vector<16xi32>, vector<16xi32>], vector<16xf32>,
      tpu.vector_store_idx %arg7[%add3A_7, %broadcast_in_dim3A_1455], %gather3A_1461 : memref<64x256xf32, #tpu.memory_space<vmem>>[vector<16xi32>, vector<16xi32>], vector<16xf32>,
      %gather3A_1462 = arith.constant 5 : i32
      %gather3A_1463 = arith.constant 0 : i32
      %gather3A_1464 = arith.constant 0 : i32
      %gather3A_1465 = tpu.memref_slice %arg6[%gather3A_1462, %gather3A_1463, %gather3A_1464] : memref<8x64x128xf32, #tpu.memory_space<vmem>> -> memref<1x64x128xf32, #tpu.memory_space<vmem>>
      %gather3A_1466 = tpu.memref_squeeze %gather3A_1465 : memref<1x64x128xf32, #tpu.memory_space<vmem>> -> memref<64x128xf32, #tpu.memory_space<vmem>>
      %gather3A_1467 = tpu.vector_load_idx %gather3A_1466[%add3A_11, %broadcast_in_dim3A_1452] : memref<64x128xf32, #tpu.memory_space<vmem>>[vector<16xi32>, vector<16xi32>], vector<16xf32>,
      tpu.vector_store_idx %arg7[%add3A_11, %broadcast_in_dim3A_1455], %gather3A_1467 : memref<64x256xf32, #tpu.memory_space<vmem>>[vector<16xi32>, vector<16xi32>], vector<16xf32>,
      %gather3A_1468 = arith.constant 5 : i32
      %gather3A_1469 = arith.constant 0 : i32
      %gather3A_1470 = arith.constant 0 : i32
      %gather3A_1471 = tpu.memref_slice %arg6[%gather3A_1468, %gather3A_1469, %gather3A_1470] : memref<8x64x128xf32, #tpu.memory_space<vmem>> -> memref<1x64x128xf32, #tpu.memory_space<vmem>>
      %gather3A_1472 = tpu.memref_squeeze %gather3A_1471 : memref<1x64x128xf32, #tpu.memory_space<vmem>> -> memref<64x128xf32, #tpu.memory_space<vmem>>
      %gather3A_1473 = tpu.vector_load_idx %gather3A_1472[%add3A_15, %broadcast_in_dim3A_1452] : memref<64x128xf32, #tpu.memory_space<vmem>>[vector<16xi32>, vector<16xi32>], vector<16xf32>,
      tpu.vector_store_idx %arg7[%add3A_15, %broadcast_in_dim3A_1455], %gather3A_1473 : memref<64x256xf32, #tpu.memory_space<vmem>>[vector<16xi32>, vector<16xi32>], vector<16xf32>,
      %gather3A_1474 = arith.constant 5 : i32
      %gather3A_1475 = arith.constant 0 : i32
      %gather3A_1476 = arith.constant 0 : i32
      %gather3A_1477 = tpu.memref_slice %arg6[%gather3A_1474, %gather3A_1475, %gather3A_1476] : memref<8x64x128xf32, #tpu.memory_space<vmem>> -> memref<1x64x128xf32, #tpu.memory_space<vmem>>
      %gather3A_1478 = tpu.memref_squeeze %gather3A_1477 : memref<1x64x128xf32, #tpu.memory_space<vmem>> -> memref<64x128xf32, #tpu.memory_space<vmem>>
      %gather3A_1479 = tpu.vector_load_idx %gather3A_1478[%add3A_19, %broadcast_in_dim3A_1452] : memref<64x128xf32, #tpu.memory_space<vmem>>[vector<16xi32>, vector<16xi32>], vector<16xf32>,
      tpu.vector_store_idx %arg7[%add3A_19, %broadcast_in_dim3A_1455], %gather3A_1479 : memref<64x256xf32, #tpu.memory_space<vmem>>[vector<16xi32>, vector<16xi32>], vector<16xf32>,
      %dma_wait3A_1480 = arith.constant 6 : i32
      %dma_wait3A_1481 = arith.constant 6 : i32
      %dma_wait3A_1482 = arith.constant 0 : i32
      %dma_wait3A_1483 = arith.constant 0 : i32
      %dma_wait3A_1484 = tpu.memref_slice %arg6[%dma_wait3A_1480, %dma_wait3A_1482, %dma_wait3A_1483] : memref<8x64x128xf32, #tpu.memory_space<vmem>> -> memref<1x64x128xf32, #tpu.memory_space<vmem>>
      %dma_wait3A_1485 = tpu.memref_squeeze %dma_wait3A_1484 : memref<1x64x128xf32, #tpu.memory_space<vmem>> -> memref<64x128xf32, #tpu.memory_space<vmem>>
      %dma_wait3A_1486 = arith.constant 0 : i32
      %dma_wait3A_1487 = arith.constant 0 : i32
      %dma_wait3A_1488 = tpu.memref_slice %arg3[%dma_wait3A_1486, %dma_wait3A_1487] : memref<64x1000000xf32, #tpu.memory_space<hbm>> -> memref<64x128xf32, #tpu.memory_space<hbm>>
      %dma_wait3A_1489 = tpu.memref_slice %arg8[%dma_wait3A_1481] : memref<8x!tpu.dma_semaphore, #tpu.memory_space<semaphore_mem>> -> memref<1x!tpu.dma_semaphore, #tpu.memory_space<semaphore_mem>>
      %dma_wait3A_1490 = tpu.memref_squeeze %dma_wait3A_1489 : memref<1x!tpu.dma_semaphore, #tpu.memory_space<semaphore_mem>> -> memref<!tpu.dma_semaphore, #tpu.memory_space<semaphore_mem>>
      %dma_wait3A_1491 = arith.constant 0 : i32
      %dma_wait3A_1492 = arith.constant 0 : i32
      %dma_wait3A_1493 = tpu.memref_slice %arg6[%dma_wait3A_1480, %dma_wait3A_1491, %dma_wait3A_1492] : memref<8x64x128xf32, #tpu.memory_space<vmem>> -> memref<1x64x128xf32, #tpu.memory_space<vmem>>
      %dma_wait3A_1494 = tpu.memref_squeeze %dma_wait3A_1493 : memref<1x64x128xf32, #tpu.memory_space<vmem>> -> memref<64x128xf32, #tpu.memory_space<vmem>>
      %dma_wait3A_1495 = arith.constant 0 : i32
      %dma_wait3A_1496 = arith.constant 0 : i32
      %dma_wait3A_1497 = tpu.memref_slice %arg3[%dma_wait3A_1495, %dma_wait3A_1496] : memref<64x1000000xf32, #tpu.memory_space<hbm>> -> memref<64x128xf32, #tpu.memory_space<hbm>>
      tpu.wait_dma2 semaphore(%dma_wait3A_1490 : memref<!tpu.dma_semaphore, #tpu.memory_space<semaphore_mem>>) src(%dma_wait3A_1497 : memref<64x128xf32, #tpu.memory_space<hbm>>) dst(%dma_wait3A_1494 : memref<64x128xf32, #tpu.memory_space<vmem>>)
      %slice3A_1498 = vector.extract_strided_slice %get3A_381 {offsets = [14], sizes = [1], strides = [1]} : vector<16xi32> to vector<1xi32>
      %squeeze3A_1499 = vector.extract %slice3A_1498[0] : i32 from vector<1xi32>
      %add3A_1500 = arith.constant 8 : i32
      %add3A_1501 = arith.addi %mul3A_379, %add3A_1500 : i32
      %add3A_1502 = arith.constant 6 : i32
      %add3A_1503 = arith.addi %add3A_1501, %add3A_1502 : i32
      %and3A_1504 = arith.constant 127 : i32
      %and3A_1505 = arith.andi %squeeze3A_1499, %and3A_1504 : i32
      %broadcast_in_dim3A_1506 = vector.broadcast %and3A_1505 : i32 to vector<16xi32>
      %and3A_1507 = arith.constant 255 : i32
      %and3A_1508 = arith.andi %add3A_1503, %and3A_1507 : i32
      %broadcast_in_dim3A_1509 = vector.broadcast %and3A_1508 : i32 to vector<16xi32>
      %gather3A_1510 = arith.constant 6 : i32
      %gather3A_1511 = arith.constant 0 : i32
      %gather3A_1512 = arith.constant 0 : i32
      %gather3A_1513 = tpu.memref_slice %arg6[%gather3A_1510, %gather3A_1511, %gather3A_1512] : memref<8x64x128xf32, #tpu.memory_space<vmem>> -> memref<1x64x128xf32, #tpu.memory_space<vmem>>
      %gather3A_1514 = tpu.memref_squeeze %gather3A_1513 : memref<1x64x128xf32, #tpu.memory_space<vmem>> -> memref<64x128xf32, #tpu.memory_space<vmem>>
      %gather3A_1515 = tpu.vector_load_idx %gather3A_1514[%add3A_7, %broadcast_in_dim3A_1506] : memref<64x128xf32, #tpu.memory_space<vmem>>[vector<16xi32>, vector<16xi32>], vector<16xf32>,
      tpu.vector_store_idx %arg7[%add3A_7, %broadcast_in_dim3A_1509], %gather3A_1515 : memref<64x256xf32, #tpu.memory_space<vmem>>[vector<16xi32>, vector<16xi32>], vector<16xf32>,
      %gather3A_1516 = arith.constant 6 : i32
      %gather3A_1517 = arith.constant 0 : i32
      %gather3A_1518 = arith.constant 0 : i32
      %gather3A_1519 = tpu.memref_slice %arg6[%gather3A_1516, %gather3A_1517, %gather3A_1518] : memref<8x64x128xf32, #tpu.memory_space<vmem>> -> memref<1x64x128xf32, #tpu.memory_space<vmem>>
      %gather3A_1520 = tpu.memref_squeeze %gather3A_1519 : memref<1x64x128xf32, #tpu.memory_space<vmem>> -> memref<64x128xf32, #tpu.memory_space<vmem>>
      %gather3A_1521 = tpu.vector_load_idx %gather3A_1520[%add3A_11, %broadcast_in_dim3A_1506] : memref<64x128xf32, #tpu.memory_space<vmem>>[vector<16xi32>, vector<16xi32>], vector<16xf32>,
      tpu.vector_store_idx %arg7[%add3A_11, %broadcast_in_dim3A_1509], %gather3A_1521 : memref<64x256xf32, #tpu.memory_space<vmem>>[vector<16xi32>, vector<16xi32>], vector<16xf32>,
      %gather3A_1522 = arith.constant 6 : i32
      %gather3A_1523 = arith.constant 0 : i32
      %gather3A_1524 = arith.constant 0 : i32
      %gather3A_1525 = tpu.memref_slice %arg6[%gather3A_1522, %gather3A_1523, %gather3A_1524] : memref<8x64x128xf32, #tpu.memory_space<vmem>> -> memref<1x64x128xf32, #tpu.memory_space<vmem>>
      %gather3A_1526 = tpu.memref_squeeze %gather3A_1525 : memref<1x64x128xf32, #tpu.memory_space<vmem>> -> memref<64x128xf32, #tpu.memory_space<vmem>>
      %gather3A_1527 = tpu.vector_load_idx %gather3A_1526[%add3A_15, %broadcast_in_dim3A_1506] : memref<64x128xf32, #tpu.memory_space<vmem>>[vector<16xi32>, vector<16xi32>], vector<16xf32>,
      tpu.vector_store_idx %arg7[%add3A_15, %broadcast_in_dim3A_1509], %gather3A_1527 : memref<64x256xf32, #tpu.memory_space<vmem>>[vector<16xi32>, vector<16xi32>], vector<16xf32>,
      %gather3A_1528 = arith.constant 6 : i32
      %gather3A_1529 = arith.constant 0 : i32
      %gather3A_1530 = arith.constant 0 : i32
      %gather3A_1531 = tpu.memref_slice %arg6[%gather3A_1528, %gather3A_1529, %gather3A_1530] : memref<8x64x128xf32, #tpu.memory_space<vmem>> -> memref<1x64x128xf32, #tpu.memory_space<vmem>>
      %gather3A_1532 = tpu.memref_squeeze %gather3A_1531 : memref<1x64x128xf32, #tpu.memory_space<vmem>> -> memref<64x128xf32, #tpu.memory_space<vmem>>
      %gather3A_1533 = tpu.vector_load_idx %gather3A_1532[%add3A_19, %broadcast_in_dim3A_1506] : memref<64x128xf32, #tpu.memory_space<vmem>>[vector<16xi32>, vector<16xi32>], vector<16xf32>,
      tpu.vector_store_idx %arg7[%add3A_19, %broadcast_in_dim3A_1509], %gather3A_1533 : memref<64x256xf32, #tpu.memory_space<vmem>>[vector<16xi32>, vector<16xi32>], vector<16xf32>,
      %dma_wait3A_1534 = arith.constant 7 : i32
      %dma_wait3A_1535 = arith.constant 7 : i32
      %dma_wait3A_1536 = arith.constant 0 : i32
      %dma_wait3A_1537 = arith.constant 0 : i32
      %dma_wait3A_1538 = tpu.memref_slice %arg6[%dma_wait3A_1534, %dma_wait3A_1536, %dma_wait3A_1537] : memref<8x64x128xf32, #tpu.memory_space<vmem>> -> memref<1x64x128xf32, #tpu.memory_space<vmem>>
      %dma_wait3A_1539 = tpu.memref_squeeze %dma_wait3A_1538 : memref<1x64x128xf32, #tpu.memory_space<vmem>> -> memref<64x128xf32, #tpu.memory_space<vmem>>
      %dma_wait3A_1540 = arith.constant 0 : i32
      %dma_wait3A_1541 = arith.constant 0 : i32
      %dma_wait3A_1542 = tpu.memref_slice %arg3[%dma_wait3A_1540, %dma_wait3A_1541] : memref<64x1000000xf32, #tpu.memory_space<hbm>> -> memref<64x128xf32, #tpu.memory_space<hbm>>
      %dma_wait3A_1543 = tpu.memref_slice %arg8[%dma_wait3A_1535] : memref<8x!tpu.dma_semaphore, #tpu.memory_space<semaphore_mem>> -> memref<1x!tpu.dma_semaphore, #tpu.memory_space<semaphore_mem>>
      %dma_wait3A_1544 = tpu.memref_squeeze %dma_wait3A_1543 : memref<1x!tpu.dma_semaphore, #tpu.memory_space<semaphore_mem>> -> memref<!tpu.dma_semaphore, #tpu.memory_space<semaphore_mem>>
      %dma_wait3A_1545 = arith.constant 0 : i32
      %dma_wait3A_1546 = arith.constant 0 : i32
      %dma_wait3A_1547 = tpu.memref_slice %arg6[%dma_wait3A_1534, %dma_wait3A_1545, %dma_wait3A_1546] : memref<8x64x128xf32, #tpu.memory_space<vmem>> -> memref<1x64x128xf32, #tpu.memory_space<vmem>>
      %dma_wait3A_1548 = tpu.memref_squeeze %dma_wait3A_1547 : memref<1x64x128xf32, #tpu.memory_space<vmem>> -> memref<64x128xf32, #tpu.memory_space<vmem>>
      %dma_wait3A_1549 = arith.constant 0 : i32
      %dma_wait3A_1550 = arith.constant 0 : i32
      %dma_wait3A_1551 = tpu.memref_slice %arg3[%dma_wait3A_1549, %dma_wait3A_1550] : memref<64x1000000xf32, #tpu.memory_space<hbm>> -> memref<64x128xf32, #tpu.memory_space<hbm>>
      tpu.wait_dma2 semaphore(%dma_wait3A_1544 : memref<!tpu.dma_semaphore, #tpu.memory_space<semaphore_mem>>) src(%dma_wait3A_1551 : memref<64x128xf32, #tpu.memory_space<hbm>>) dst(%dma_wait3A_1548 : memref<64x128xf32, #tpu.memory_space<vmem>>)
      %slice3A_1552 = vector.extract_strided_slice %get3A_381 {offsets = [15], sizes = [1], strides = [1]} : vector<16xi32> to vector<1xi32>
      %squeeze3A_1553 = vector.extract %slice3A_1552[0] : i32 from vector<1xi32>
      %add3A_1554 = arith.constant 8 : i32
      %add3A_1555 = arith.addi %mul3A_379, %add3A_1554 : i32
      %add3A_1556 = arith.constant 7 : i32
      %add3A_1557 = arith.addi %add3A_1555, %add3A_1556 : i32
      %and3A_1558 = arith.constant 127 : i32
      %and3A_1559 = arith.andi %squeeze3A_1553, %and3A_1558 : i32
      %broadcast_in_dim3A_1560 = vector.broadcast %and3A_1559 : i32 to vector<16xi32>
      %and3A_1561 = arith.constant 255 : i32
      %and3A_1562 = arith.andi %add3A_1557, %and3A_1561 : i32
      %broadcast_in_dim3A_1563 = vector.broadcast %and3A_1562 : i32 to vector<16xi32>
      %gather3A_1564 = arith.constant 7 : i32
      %gather3A_1565 = arith.constant 0 : i32
      %gather3A_1566 = arith.constant 0 : i32
      %gather3A_1567 = tpu.memref_slice %arg6[%gather3A_1564, %gather3A_1565, %gather3A_1566] : memref<8x64x128xf32, #tpu.memory_space<vmem>> -> memref<1x64x128xf32, #tpu.memory_space<vmem>>
      %gather3A_1568 = tpu.memref_squeeze %gather3A_1567 : memref<1x64x128xf32, #tpu.memory_space<vmem>> -> memref<64x128xf32, #tpu.memory_space<vmem>>
      %gather3A_1569 = tpu.vector_load_idx %gather3A_1568[%add3A_7, %broadcast_in_dim3A_1560] : memref<64x128xf32, #tpu.memory_space<vmem>>[vector<16xi32>, vector<16xi32>], vector<16xf32>,
      tpu.vector_store_idx %arg7[%add3A_7, %broadcast_in_dim3A_1563], %gather3A_1569 : memref<64x256xf32, #tpu.memory_space<vmem>>[vector<16xi32>, vector<16xi32>], vector<16xf32>,
      %gather3A_1570 = arith.constant 7 : i32
      %gather3A_1571 = arith.constant 0 : i32
      %gather3A_1572 = arith.constant 0 : i32
      %gather3A_1573 = tpu.memref_slice %arg6[%gather3A_1570, %gather3A_1571, %gather3A_1572] : memref<8x64x128xf32, #tpu.memory_space<vmem>> -> memref<1x64x128xf32, #tpu.memory_space<vmem>>
      %gather3A_1574 = tpu.memref_squeeze %gather3A_1573 : memref<1x64x128xf32, #tpu.memory_space<vmem>> -> memref<64x128xf32, #tpu.memory_space<vmem>>
      %gather3A_1575 = tpu.vector_load_idx %gather3A_1574[%add3A_11, %broadcast_in_dim3A_1560] : memref<64x128xf32, #tpu.memory_space<vmem>>[vector<16xi32>, vector<16xi32>], vector<16xf32>,
      tpu.vector_store_idx %arg7[%add3A_11, %broadcast_in_dim3A_1563], %gather3A_1575 : memref<64x256xf32, #tpu.memory_space<vmem>>[vector<16xi32>, vector<16xi32>], vector<16xf32>,
      %gather3A_1576 = arith.constant 7 : i32
      %gather3A_1577 = arith.constant 0 : i32
      %gather3A_1578 = arith.constant 0 : i32
      %gather3A_1579 = tpu.memref_slice %arg6[%gather3A_1576, %gather3A_1577, %gather3A_1578] : memref<8x64x128xf32, #tpu.memory_space<vmem>> -> memref<1x64x128xf32, #tpu.memory_space<vmem>>
      %gather3A_1580 = tpu.memref_squeeze %gather3A_1579 : memref<1x64x128xf32, #tpu.memory_space<vmem>> -> memref<64x128xf32, #tpu.memory_space<vmem>>
      %gather3A_1581 = tpu.vector_load_idx %gather3A_1580[%add3A_15, %broadcast_in_dim3A_1560] : memref<64x128xf32, #tpu.memory_space<vmem>>[vector<16xi32>, vector<16xi32>], vector<16xf32>,
      tpu.vector_store_idx %arg7[%add3A_15, %broadcast_in_dim3A_1563], %gather3A_1581 : memref<64x256xf32, #tpu.memory_space<vmem>>[vector<16xi32>, vector<16xi32>], vector<16xf32>,
      %gather3A_1582 = arith.constant 7 : i32
      %gather3A_1583 = arith.constant 0 : i32
      %gather3A_1584 = arith.constant 0 : i32
      %gather3A_1585 = tpu.memref_slice %arg6[%gather3A_1582, %gather3A_1583, %gather3A_1584] : memref<8x64x128xf32, #tpu.memory_space<vmem>> -> memref<1x64x128xf32, #tpu.memory_space<vmem>>
      %gather3A_1586 = tpu.memref_squeeze %gather3A_1585 : memref<1x64x128xf32, #tpu.memory_space<vmem>> -> memref<64x128xf32, #tpu.memory_space<vmem>>
      %gather3A_1587 = tpu.vector_load_idx %gather3A_1586[%add3A_19, %broadcast_in_dim3A_1560] : memref<64x128xf32, #tpu.memory_space<vmem>>[vector<16xi32>, vector<16xi32>], vector<16xf32>,
      tpu.vector_store_idx %arg7[%add3A_19, %broadcast_in_dim3A_1563], %gather3A_1587 : memref<64x256xf32, #tpu.memory_space<vmem>>[vector<16xi32>, vector<16xi32>], vector<16xf32>,
      %add3A_1588 = arith.constant 1 : i32
      %add3A_1589 = arith.addi %scan3A_377, %add3A_1588 : i32
      %lt3A = arith.constant 32 : i32
      %lt3A_1590 = arith.cmpi slt, %add3A_1589, %lt3A : i32
      %convert_element_type3A = arith.extui %lt3A_1590 : i1 to i32
      %cond3A = arith.constant 0 : i32
      %cond3A_1591 = arith.cmpi ne, %convert_element_type3A, %cond3A : i32
      scf.if %cond3A_1591 {
        %add3A_1596 = arith.constant 16 : i32
        %add3A_1597 = arith.addi %mul3A_379, %add3A_1596 : i32
        %get3A_1598 = arith.index_cast %add3A_1597 : i32 to index
        %get3A_1599 = tpu.vector_load %arg5[%get3A_1598] {strides = array<i32>} : memref<512xi32, #tpu.memory_space<vmem>>, vector<16xi32>,
        %slice3A_1600 = vector.extract_strided_slice %get3A_1599 {offsets = [0], sizes = [1], strides = [1]} : vector<16xi32> to vector<1xi32>
        %squeeze3A_1601 = vector.extract %slice3A_1600[0] : i32 from vector<1xi32>
        %jit3A_1602 = arith.constant 128 : i32
        %div3A_1603 = arith.divsi %squeeze3A_1601, %jit3A_1602 : i32
        %sign3A_1604 = arith.constant 0 : i32
        %sign3A_1605 = arith.cmpi sgt, %squeeze3A_1601, %sign3A_1604 : i32
        %sign3A_1606 = arith.extui %sign3A_1605 : i1 to i32
        %sign3A_1607 = arith.constant 0 : i32
        %sign3A_1608 = arith.cmpi slt, %squeeze3A_1601, %sign3A_1607 : i32
        %sign3A_1609 = arith.extui %sign3A_1608 : i1 to i32
        %sign3A_1610 = arith.subi %sign3A_1606, %sign3A_1609 : i32
        %sign3A_1611 = arith.constant 0 : i32
        %sign3A_1612 = arith.cmpi sgt, %jit3A_1602, %sign3A_1611 : i32
        %sign3A_1613 = arith.extui %sign3A_1612 : i1 to i32
        %sign3A_1614 = arith.constant 0 : i32
        %sign3A_1615 = arith.cmpi slt, %jit3A_1602, %sign3A_1614 : i32
        %sign3A_1616 = arith.extui %sign3A_1615 : i1 to i32
        %sign3A_1617 = arith.subi %sign3A_1613, %sign3A_1616 : i32
        %ne3A_1618 = arith.cmpi ne, %sign3A_1610, %sign3A_1617 : i32
        %rem3A_1619 = arith.remsi %squeeze3A_1601, %jit3A_1602 : i32
        %ne3A_1620 = arith.constant 0 : i32
        %ne3A_1621 = arith.cmpi ne, %rem3A_1619, %ne3A_1620 : i32
        %and3A_1622 = arith.andi %ne3A_1618, %ne3A_1621 : i1
        %sub3A_1623 = arith.constant 1 : i32
        %sub3A_1624 = arith.subi %div3A_1603, %sub3A_1623 : i32
        %select_n3A_1625 = arith.select %and3A_1622, %sub3A_1624, %div3A_1603 : i32
        %mul3A_1626 = arith.constant 128 : i32
        %mul3A_1627 = arith.muli %select_n3A_1625, %mul3A_1626 : i32
        %multiple_of3A_1628 = tpu.assume_multiple %mul3A_1627, 128 : i32
        %dma_start3A_1629 = arith.constant 0 : i32
        %dma_start3A_1630 = arith.constant 0 : i32
        %dma_start3A_1631 = arith.constant 0 : i32
        %dma_start3A_1632 = arith.constant 0 : i32
        %dma_start3A_1633 = tpu.memref_slice %arg6[%dma_start3A_1629, %dma_start3A_1631, %dma_start3A_1632] : memref<8x64x128xf32, #tpu.memory_space<vmem>> -> memref<1x64x128xf32, #tpu.memory_space<vmem>>
        %dma_start3A_1634 = tpu.memref_squeeze %dma_start3A_1633 : memref<1x64x128xf32, #tpu.memory_space<vmem>> -> memref<64x128xf32, #tpu.memory_space<vmem>>
        %dma_start3A_1635 = arith.constant 0 : i32
        %dma_start3A_1636 = tpu.memref_slice %arg3[%dma_start3A_1635, %multiple_of3A_1628] : memref<64x1000000xf32, #tpu.memory_space<hbm>> -> memref<64x128xf32, #tpu.memory_space<hbm>>
        %dma_start3A_1637 = tpu.memref_slice %arg8[%dma_start3A_1630] : memref<8x!tpu.dma_semaphore, #tpu.memory_space<semaphore_mem>> -> memref<1x!tpu.dma_semaphore, #tpu.memory_space<semaphore_mem>>
        %dma_start3A_1638 = tpu.memref_squeeze %dma_start3A_1637 : memref<1x!tpu.dma_semaphore, #tpu.memory_space<semaphore_mem>> -> memref<!tpu.dma_semaphore, #tpu.memory_space<semaphore_mem>>
        %dma_start3A_1639 = arith.constant 0 : i32
        %dma_start3A_1640 = arith.constant 0 : i32
        %dma_start3A_1641 = tpu.memref_slice %arg6[%dma_start3A_1629, %dma_start3A_1639, %dma_start3A_1640] : memref<8x64x128xf32, #tpu.memory_space<vmem>> -> memref<1x64x128xf32, #tpu.memory_space<vmem>>
        %dma_start3A_1642 = tpu.memref_squeeze %dma_start3A_1641 : memref<1x64x128xf32, #tpu.memory_space<vmem>> -> memref<64x128xf32, #tpu.memory_space<vmem>>
        %dma_start3A_1643 = arith.constant 0 : i32
        %dma_start3A_1644 = tpu.memref_slice %arg3[%dma_start3A_1643, %multiple_of3A_1628] : memref<64x1000000xf32, #tpu.memory_space<hbm>> -> memref<64x128xf32, #tpu.memory_space<hbm>>
        tpu.enqueue_dma source(%dma_start3A_1644 : memref<64x128xf32, #tpu.memory_space<hbm>>) target(%dma_start3A_1642 : memref<64x128xf32, #tpu.memory_space<vmem>>) target_semaphore(%dma_start3A_1638 : memref<!tpu.dma_semaphore, #tpu.memory_space<semaphore_mem>>)
        %slice3A_1645 = vector.extract_strided_slice %get3A_1599 {offsets = [1], sizes = [1], strides = [1]} : vector<16xi32> to vector<1xi32>
        %squeeze3A_1646 = vector.extract %slice3A_1645[0] : i32 from vector<1xi32>
        %jit3A_1647 = arith.constant 128 : i32
        %div3A_1648 = arith.divsi %squeeze3A_1646, %jit3A_1647 : i32
        %sign3A_1649 = arith.constant 0 : i32
        %sign3A_1650 = arith.cmpi sgt, %squeeze3A_1646, %sign3A_1649 : i32
        %sign3A_1651 = arith.extui %sign3A_1650 : i1 to i32
        %sign3A_1652 = arith.constant 0 : i32
        %sign3A_1653 = arith.cmpi slt, %squeeze3A_1646, %sign3A_1652 : i32
        %sign3A_1654 = arith.extui %sign3A_1653 : i1 to i32
        %sign3A_1655 = arith.subi %sign3A_1651, %sign3A_1654 : i32
        %sign3A_1656 = arith.constant 0 : i32
        %sign3A_1657 = arith.cmpi sgt, %jit3A_1647, %sign3A_1656 : i32
        %sign3A_1658 = arith.extui %sign3A_1657 : i1 to i32
        %sign3A_1659 = arith.constant 0 : i32
        %sign3A_1660 = arith.cmpi slt, %jit3A_1647, %sign3A_1659 : i32
        %sign3A_1661 = arith.extui %sign3A_1660 : i1 to i32
        %sign3A_1662 = arith.subi %sign3A_1658, %sign3A_1661 : i32
        %ne3A_1663 = arith.cmpi ne, %sign3A_1655, %sign3A_1662 : i32
        %rem3A_1664 = arith.remsi %squeeze3A_1646, %jit3A_1647 : i32
        %ne3A_1665 = arith.constant 0 : i32
        %ne3A_1666 = arith.cmpi ne, %rem3A_1664, %ne3A_1665 : i32
        %and3A_1667 = arith.andi %ne3A_1663, %ne3A_1666 : i1
        %sub3A_1668 = arith.constant 1 : i32
        %sub3A_1669 = arith.subi %div3A_1648, %sub3A_1668 : i32
        %select_n3A_1670 = arith.select %and3A_1667, %sub3A_1669, %div3A_1648 : i32
        %mul3A_1671 = arith.constant 128 : i32
        %mul3A_1672 = arith.muli %select_n3A_1670, %mul3A_1671 : i32
        %multiple_of3A_1673 = tpu.assume_multiple %mul3A_1672, 128 : i32
        %dma_start3A_1674 = arith.constant 1 : i32
        %dma_start3A_1675 = arith.constant 1 : i32
        %dma_start3A_1676 = arith.constant 0 : i32
        %dma_start3A_1677 = arith.constant 0 : i32
        %dma_start3A_1678 = tpu.memref_slice %arg6[%dma_start3A_1674, %dma_start3A_1676, %dma_start3A_1677] : memref<8x64x128xf32, #tpu.memory_space<vmem>> -> memref<1x64x128xf32, #tpu.memory_space<vmem>>
        %dma_start3A_1679 = tpu.memref_squeeze %dma_start3A_1678 : memref<1x64x128xf32, #tpu.memory_space<vmem>> -> memref<64x128xf32, #tpu.memory_space<vmem>>
        %dma_start3A_1680 = arith.constant 0 : i32
        %dma_start3A_1681 = tpu.memref_slice %arg3[%dma_start3A_1680, %multiple_of3A_1673] : memref<64x1000000xf32, #tpu.memory_space<hbm>> -> memref<64x128xf32, #tpu.memory_space<hbm>>
        %dma_start3A_1682 = tpu.memref_slice %arg8[%dma_start3A_1675] : memref<8x!tpu.dma_semaphore, #tpu.memory_space<semaphore_mem>> -> memref<1x!tpu.dma_semaphore, #tpu.memory_space<semaphore_mem>>
        %dma_start3A_1683 = tpu.memref_squeeze %dma_start3A_1682 : memref<1x!tpu.dma_semaphore, #tpu.memory_space<semaphore_mem>> -> memref<!tpu.dma_semaphore, #tpu.memory_space<semaphore_mem>>
        %dma_start3A_1684 = arith.constant 0 : i32
        %dma_start3A_1685 = arith.constant 0 : i32
        %dma_start3A_1686 = tpu.memref_slice %arg6[%dma_start3A_1674, %dma_start3A_1684, %dma_start3A_1685] : memref<8x64x128xf32, #tpu.memory_space<vmem>> -> memref<1x64x128xf32, #tpu.memory_space<vmem>>
        %dma_start3A_1687 = tpu.memref_squeeze %dma_start3A_1686 : memref<1x64x128xf32, #tpu.memory_space<vmem>> -> memref<64x128xf32, #tpu.memory_space<vmem>>
        %dma_start3A_1688 = arith.constant 0 : i32
        %dma_start3A_1689 = tpu.memref_slice %arg3[%dma_start3A_1688, %multiple_of3A_1673] : memref<64x1000000xf32, #tpu.memory_space<hbm>> -> memref<64x128xf32, #tpu.memory_space<hbm>>
        tpu.enqueue_dma source(%dma_start3A_1689 : memref<64x128xf32, #tpu.memory_space<hbm>>) target(%dma_start3A_1687 : memref<64x128xf32, #tpu.memory_space<vmem>>) target_semaphore(%dma_start3A_1683 : memref<!tpu.dma_semaphore, #tpu.memory_space<semaphore_mem>>)
        %slice3A_1690 = vector.extract_strided_slice %get3A_1599 {offsets = [2], sizes = [1], strides = [1]} : vector<16xi32> to vector<1xi32>
        %squeeze3A_1691 = vector.extract %slice3A_1690[0] : i32 from vector<1xi32>
        %jit3A_1692 = arith.constant 128 : i32
        %div3A_1693 = arith.divsi %squeeze3A_1691, %jit3A_1692 : i32
        %sign3A_1694 = arith.constant 0 : i32
        %sign3A_1695 = arith.cmpi sgt, %squeeze3A_1691, %sign3A_1694 : i32
        %sign3A_1696 = arith.extui %sign3A_1695 : i1 to i32
        %sign3A_1697 = arith.constant 0 : i32
        %sign3A_1698 = arith.cmpi slt, %squeeze3A_1691, %sign3A_1697 : i32
        %sign3A_1699 = arith.extui %sign3A_1698 : i1 to i32
        %sign3A_1700 = arith.subi %sign3A_1696, %sign3A_1699 : i32
        %sign3A_1701 = arith.constant 0 : i32
        %sign3A_1702 = arith.cmpi sgt, %jit3A_1692, %sign3A_1701 : i32
        %sign3A_1703 = arith.extui %sign3A_1702 : i1 to i32
        %sign3A_1704 = arith.constant 0 : i32
        %sign3A_1705 = arith.cmpi slt, %jit3A_1692, %sign3A_1704 : i32
        %sign3A_1706 = arith.extui %sign3A_1705 : i1 to i32
        %sign3A_1707 = arith.subi %sign3A_1703, %sign3A_1706 : i32
        %ne3A_1708 = arith.cmpi ne, %sign3A_1700, %sign3A_1707 : i32
        %rem3A_1709 = arith.remsi %squeeze3A_1691, %jit3A_1692 : i32
        %ne3A_1710 = arith.constant 0 : i32
        %ne3A_1711 = arith.cmpi ne, %rem3A_1709, %ne3A_1710 : i32
        %and3A_1712 = arith.andi %ne3A_1708, %ne3A_1711 : i1
        %sub3A_1713 = arith.constant 1 : i32
        %sub3A_1714 = arith.subi %div3A_1693, %sub3A_1713 : i32
        %select_n3A_1715 = arith.select %and3A_1712, %sub3A_1714, %div3A_1693 : i32
        %mul3A_1716 = arith.constant 128 : i32
        %mul3A_1717 = arith.muli %select_n3A_1715, %mul3A_1716 : i32
        %multiple_of3A_1718 = tpu.assume_multiple %mul3A_1717, 128 : i32
        %dma_start3A_1719 = arith.constant 2 : i32
        %dma_start3A_1720 = arith.constant 2 : i32
        %dma_start3A_1721 = arith.constant 0 : i32
        %dma_start3A_1722 = arith.constant 0 : i32
        %dma_start3A_1723 = tpu.memref_slice %arg6[%dma_start3A_1719, %dma_start3A_1721, %dma_start3A_1722] : memref<8x64x128xf32, #tpu.memory_space<vmem>> -> memref<1x64x128xf32, #tpu.memory_space<vmem>>
        %dma_start3A_1724 = tpu.memref_squeeze %dma_start3A_1723 : memref<1x64x128xf32, #tpu.memory_space<vmem>> -> memref<64x128xf32, #tpu.memory_space<vmem>>
        %dma_start3A_1725 = arith.constant 0 : i32
        %dma_start3A_1726 = tpu.memref_slice %arg3[%dma_start3A_1725, %multiple_of3A_1718] : memref<64x1000000xf32, #tpu.memory_space<hbm>> -> memref<64x128xf32, #tpu.memory_space<hbm>>
        %dma_start3A_1727 = tpu.memref_slice %arg8[%dma_start3A_1720] : memref<8x!tpu.dma_semaphore, #tpu.memory_space<semaphore_mem>> -> memref<1x!tpu.dma_semaphore, #tpu.memory_space<semaphore_mem>>
        %dma_start3A_1728 = tpu.memref_squeeze %dma_start3A_1727 : memref<1x!tpu.dma_semaphore, #tpu.memory_space<semaphore_mem>> -> memref<!tpu.dma_semaphore, #tpu.memory_space<semaphore_mem>>
        %dma_start3A_1729 = arith.constant 0 : i32
        %dma_start3A_1730 = arith.constant 0 : i32
        %dma_start3A_1731 = tpu.memref_slice %arg6[%dma_start3A_1719, %dma_start3A_1729, %dma_start3A_1730] : memref<8x64x128xf32, #tpu.memory_space<vmem>> -> memref<1x64x128xf32, #tpu.memory_space<vmem>>
        %dma_start3A_1732 = tpu.memref_squeeze %dma_start3A_1731 : memref<1x64x128xf32, #tpu.memory_space<vmem>> -> memref<64x128xf32, #tpu.memory_space<vmem>>
        %dma_start3A_1733 = arith.constant 0 : i32
        %dma_start3A_1734 = tpu.memref_slice %arg3[%dma_start3A_1733, %multiple_of3A_1718] : memref<64x1000000xf32, #tpu.memory_space<hbm>> -> memref<64x128xf32, #tpu.memory_space<hbm>>
        tpu.enqueue_dma source(%dma_start3A_1734 : memref<64x128xf32, #tpu.memory_space<hbm>>) target(%dma_start3A_1732 : memref<64x128xf32, #tpu.memory_space<vmem>>) target_semaphore(%dma_start3A_1728 : memref<!tpu.dma_semaphore, #tpu.memory_space<semaphore_mem>>)
        %slice3A_1735 = vector.extract_strided_slice %get3A_1599 {offsets = [3], sizes = [1], strides = [1]} : vector<16xi32> to vector<1xi32>
        %squeeze3A_1736 = vector.extract %slice3A_1735[0] : i32 from vector<1xi32>
        %jit3A_1737 = arith.constant 128 : i32
        %div3A_1738 = arith.divsi %squeeze3A_1736, %jit3A_1737 : i32
        %sign3A_1739 = arith.constant 0 : i32
        %sign3A_1740 = arith.cmpi sgt, %squeeze3A_1736, %sign3A_1739 : i32
        %sign3A_1741 = arith.extui %sign3A_1740 : i1 to i32
        %sign3A_1742 = arith.constant 0 : i32
        %sign3A_1743 = arith.cmpi slt, %squeeze3A_1736, %sign3A_1742 : i32
        %sign3A_1744 = arith.extui %sign3A_1743 : i1 to i32
        %sign3A_1745 = arith.subi %sign3A_1741, %sign3A_1744 : i32
        %sign3A_1746 = arith.constant 0 : i32
        %sign3A_1747 = arith.cmpi sgt, %jit3A_1737, %sign3A_1746 : i32
        %sign3A_1748 = arith.extui %sign3A_1747 : i1 to i32
        %sign3A_1749 = arith.constant 0 : i32
        %sign3A_1750 = arith.cmpi slt, %jit3A_1737, %sign3A_1749 : i32
        %sign3A_1751 = arith.extui %sign3A_1750 : i1 to i32
        %sign3A_1752 = arith.subi %sign3A_1748, %sign3A_1751 : i32
        %ne3A_1753 = arith.cmpi ne, %sign3A_1745, %sign3A_1752 : i32
        %rem3A_1754 = arith.remsi %squeeze3A_1736, %jit3A_1737 : i32
        %ne3A_1755 = arith.constant 0 : i32
        %ne3A_1756 = arith.cmpi ne, %rem3A_1754, %ne3A_1755 : i32
        %and3A_1757 = arith.andi %ne3A_1753, %ne3A_1756 : i1
        %sub3A_1758 = arith.constant 1 : i32
        %sub3A_1759 = arith.subi %div3A_1738, %sub3A_1758 : i32
        %select_n3A_1760 = arith.select %and3A_1757, %sub3A_1759, %div3A_1738 : i32
        %mul3A_1761 = arith.constant 128 : i32
        %mul3A_1762 = arith.muli %select_n3A_1760, %mul3A_1761 : i32
        %multiple_of3A_1763 = tpu.assume_multiple %mul3A_1762, 128 : i32
        %dma_start3A_1764 = arith.constant 3 : i32
        %dma_start3A_1765 = arith.constant 3 : i32
        %dma_start3A_1766 = arith.constant 0 : i32
        %dma_start3A_1767 = arith.constant 0 : i32
        %dma_start3A_1768 = tpu.memref_slice %arg6[%dma_start3A_1764, %dma_start3A_1766, %dma_start3A_1767] : memref<8x64x128xf32, #tpu.memory_space<vmem>> -> memref<1x64x128xf32, #tpu.memory_space<vmem>>
        %dma_start3A_1769 = tpu.memref_squeeze %dma_start3A_1768 : memref<1x64x128xf32, #tpu.memory_space<vmem>> -> memref<64x128xf32, #tpu.memory_space<vmem>>
        %dma_start3A_1770 = arith.constant 0 : i32
        %dma_start3A_1771 = tpu.memref_slice %arg3[%dma_start3A_1770, %multiple_of3A_1763] : memref<64x1000000xf32, #tpu.memory_space<hbm>> -> memref<64x128xf32, #tpu.memory_space<hbm>>
        %dma_start3A_1772 = tpu.memref_slice %arg8[%dma_start3A_1765] : memref<8x!tpu.dma_semaphore, #tpu.memory_space<semaphore_mem>> -> memref<1x!tpu.dma_semaphore, #tpu.memory_space<semaphore_mem>>
        %dma_start3A_1773 = tpu.memref_squeeze %dma_start3A_1772 : memref<1x!tpu.dma_semaphore, #tpu.memory_space<semaphore_mem>> -> memref<!tpu.dma_semaphore, #tpu.memory_space<semaphore_mem>>
        %dma_start3A_1774 = arith.constant 0 : i32
        %dma_start3A_1775 = arith.constant 0 : i32
        %dma_start3A_1776 = tpu.memref_slice %arg6[%dma_start3A_1764, %dma_start3A_1774, %dma_start3A_1775] : memref<8x64x128xf32, #tpu.memory_space<vmem>> -> memref<1x64x128xf32, #tpu.memory_space<vmem>>
        %dma_start3A_1777 = tpu.memref_squeeze %dma_start3A_1776 : memref<1x64x128xf32, #tpu.memory_space<vmem>> -> memref<64x128xf32, #tpu.memory_space<vmem>>
        %dma_start3A_1778 = arith.constant 0 : i32
        %dma_start3A_1779 = tpu.memref_slice %arg3[%dma_start3A_1778, %multiple_of3A_1763] : memref<64x1000000xf32, #tpu.memory_space<hbm>> -> memref<64x128xf32, #tpu.memory_space<hbm>>
        tpu.enqueue_dma source(%dma_start3A_1779 : memref<64x128xf32, #tpu.memory_space<hbm>>) target(%dma_start3A_1777 : memref<64x128xf32, #tpu.memory_space<vmem>>) target_semaphore(%dma_start3A_1773 : memref<!tpu.dma_semaphore, #tpu.memory_space<semaphore_mem>>)
        %slice3A_1780 = vector.extract_strided_slice %get3A_1599 {offsets = [4], sizes = [1], strides = [1]} : vector<16xi32> to vector<1xi32>
        %squeeze3A_1781 = vector.extract %slice3A_1780[0] : i32 from vector<1xi32>
        %jit3A_1782 = arith.constant 128 : i32
        %div3A_1783 = arith.divsi %squeeze3A_1781, %jit3A_1782 : i32
        %sign3A_1784 = arith.constant 0 : i32
        %sign3A_1785 = arith.cmpi sgt, %squeeze3A_1781, %sign3A_1784 : i32
        %sign3A_1786 = arith.extui %sign3A_1785 : i1 to i32
        %sign3A_1787 = arith.constant 0 : i32
        %sign3A_1788 = arith.cmpi slt, %squeeze3A_1781, %sign3A_1787 : i32
        %sign3A_1789 = arith.extui %sign3A_1788 : i1 to i32
        %sign3A_1790 = arith.subi %sign3A_1786, %sign3A_1789 : i32
        %sign3A_1791 = arith.constant 0 : i32
        %sign3A_1792 = arith.cmpi sgt, %jit3A_1782, %sign3A_1791 : i32
        %sign3A_1793 = arith.extui %sign3A_1792 : i1 to i32
        %sign3A_1794 = arith.constant 0 : i32
        %sign3A_1795 = arith.cmpi slt, %jit3A_1782, %sign3A_1794 : i32
        %sign3A_1796 = arith.extui %sign3A_1795 : i1 to i32
        %sign3A_1797 = arith.subi %sign3A_1793, %sign3A_1796 : i32
        %ne3A_1798 = arith.cmpi ne, %sign3A_1790, %sign3A_1797 : i32
        %rem3A_1799 = arith.remsi %squeeze3A_1781, %jit3A_1782 : i32
        %ne3A_1800 = arith.constant 0 : i32
        %ne3A_1801 = arith.cmpi ne, %rem3A_1799, %ne3A_1800 : i32
        %and3A_1802 = arith.andi %ne3A_1798, %ne3A_1801 : i1
        %sub3A_1803 = arith.constant 1 : i32
        %sub3A_1804 = arith.subi %div3A_1783, %sub3A_1803 : i32
        %select_n3A_1805 = arith.select %and3A_1802, %sub3A_1804, %div3A_1783 : i32
        %mul3A_1806 = arith.constant 128 : i32
        %mul3A_1807 = arith.muli %select_n3A_1805, %mul3A_1806 : i32
        %multiple_of3A_1808 = tpu.assume_multiple %mul3A_1807, 128 : i32
        %dma_start3A_1809 = arith.constant 4 : i32
        %dma_start3A_1810 = arith.constant 4 : i32
        %dma_start3A_1811 = arith.constant 0 : i32
        %dma_start3A_1812 = arith.constant 0 : i32
        %dma_start3A_1813 = tpu.memref_slice %arg6[%dma_start3A_1809, %dma_start3A_1811, %dma_start3A_1812] : memref<8x64x128xf32, #tpu.memory_space<vmem>> -> memref<1x64x128xf32, #tpu.memory_space<vmem>>
        %dma_start3A_1814 = tpu.memref_squeeze %dma_start3A_1813 : memref<1x64x128xf32, #tpu.memory_space<vmem>> -> memref<64x128xf32, #tpu.memory_space<vmem>>
        %dma_start3A_1815 = arith.constant 0 : i32
        %dma_start3A_1816 = tpu.memref_slice %arg3[%dma_start3A_1815, %multiple_of3A_1808] : memref<64x1000000xf32, #tpu.memory_space<hbm>> -> memref<64x128xf32, #tpu.memory_space<hbm>>
        %dma_start3A_1817 = tpu.memref_slice %arg8[%dma_start3A_1810] : memref<8x!tpu.dma_semaphore, #tpu.memory_space<semaphore_mem>> -> memref<1x!tpu.dma_semaphore, #tpu.memory_space<semaphore_mem>>
        %dma_start3A_1818 = tpu.memref_squeeze %dma_start3A_1817 : memref<1x!tpu.dma_semaphore, #tpu.memory_space<semaphore_mem>> -> memref<!tpu.dma_semaphore, #tpu.memory_space<semaphore_mem>>
        %dma_start3A_1819 = arith.constant 0 : i32
        %dma_start3A_1820 = arith.constant 0 : i32
        %dma_start3A_1821 = tpu.memref_slice %arg6[%dma_start3A_1809, %dma_start3A_1819, %dma_start3A_1820] : memref<8x64x128xf32, #tpu.memory_space<vmem>> -> memref<1x64x128xf32, #tpu.memory_space<vmem>>
        %dma_start3A_1822 = tpu.memref_squeeze %dma_start3A_1821 : memref<1x64x128xf32, #tpu.memory_space<vmem>> -> memref<64x128xf32, #tpu.memory_space<vmem>>
        %dma_start3A_1823 = arith.constant 0 : i32
        %dma_start3A_1824 = tpu.memref_slice %arg3[%dma_start3A_1823, %multiple_of3A_1808] : memref<64x1000000xf32, #tpu.memory_space<hbm>> -> memref<64x128xf32, #tpu.memory_space<hbm>>
        tpu.enqueue_dma source(%dma_start3A_1824 : memref<64x128xf32, #tpu.memory_space<hbm>>) target(%dma_start3A_1822 : memref<64x128xf32, #tpu.memory_space<vmem>>) target_semaphore(%dma_start3A_1818 : memref<!tpu.dma_semaphore, #tpu.memory_space<semaphore_mem>>)
        %slice3A_1825 = vector.extract_strided_slice %get3A_1599 {offsets = [5], sizes = [1], strides = [1]} : vector<16xi32> to vector<1xi32>
        %squeeze3A_1826 = vector.extract %slice3A_1825[0] : i32 from vector<1xi32>
        %jit3A_1827 = arith.constant 128 : i32
        %div3A_1828 = arith.divsi %squeeze3A_1826, %jit3A_1827 : i32
        %sign3A_1829 = arith.constant 0 : i32
        %sign3A_1830 = arith.cmpi sgt, %squeeze3A_1826, %sign3A_1829 : i32
        %sign3A_1831 = arith.extui %sign3A_1830 : i1 to i32
        %sign3A_1832 = arith.constant 0 : i32
        %sign3A_1833 = arith.cmpi slt, %squeeze3A_1826, %sign3A_1832 : i32
        %sign3A_1834 = arith.extui %sign3A_1833 : i1 to i32
        %sign3A_1835 = arith.subi %sign3A_1831, %sign3A_1834 : i32
        %sign3A_1836 = arith.constant 0 : i32
        %sign3A_1837 = arith.cmpi sgt, %jit3A_1827, %sign3A_1836 : i32
        %sign3A_1838 = arith.extui %sign3A_1837 : i1 to i32
        %sign3A_1839 = arith.constant 0 : i32
        %sign3A_1840 = arith.cmpi slt, %jit3A_1827, %sign3A_1839 : i32
        %sign3A_1841 = arith.extui %sign3A_1840 : i1 to i32
        %sign3A_1842 = arith.subi %sign3A_1838, %sign3A_1841 : i32
        %ne3A_1843 = arith.cmpi ne, %sign3A_1835, %sign3A_1842 : i32
        %rem3A_1844 = arith.remsi %squeeze3A_1826, %jit3A_1827 : i32
        %ne3A_1845 = arith.constant 0 : i32
        %ne3A_1846 = arith.cmpi ne, %rem3A_1844, %ne3A_1845 : i32
        %and3A_1847 = arith.andi %ne3A_1843, %ne3A_1846 : i1
        %sub3A_1848 = arith.constant 1 : i32
        %sub3A_1849 = arith.subi %div3A_1828, %sub3A_1848 : i32
        %select_n3A_1850 = arith.select %and3A_1847, %sub3A_1849, %div3A_1828 : i32
        %mul3A_1851 = arith.constant 128 : i32
        %mul3A_1852 = arith.muli %select_n3A_1850, %mul3A_1851 : i32
        %multiple_of3A_1853 = tpu.assume_multiple %mul3A_1852, 128 : i32
        %dma_start3A_1854 = arith.constant 5 : i32
        %dma_start3A_1855 = arith.constant 5 : i32
        %dma_start3A_1856 = arith.constant 0 : i32
        %dma_start3A_1857 = arith.constant 0 : i32
        %dma_start3A_1858 = tpu.memref_slice %arg6[%dma_start3A_1854, %dma_start3A_1856, %dma_start3A_1857] : memref<8x64x128xf32, #tpu.memory_space<vmem>> -> memref<1x64x128xf32, #tpu.memory_space<vmem>>
        %dma_start3A_1859 = tpu.memref_squeeze %dma_start3A_1858 : memref<1x64x128xf32, #tpu.memory_space<vmem>> -> memref<64x128xf32, #tpu.memory_space<vmem>>
        %dma_start3A_1860 = arith.constant 0 : i32
        %dma_start3A_1861 = tpu.memref_slice %arg3[%dma_start3A_1860, %multiple_of3A_1853] : memref<64x1000000xf32, #tpu.memory_space<hbm>> -> memref<64x128xf32, #tpu.memory_space<hbm>>
        %dma_start3A_1862 = tpu.memref_slice %arg8[%dma_start3A_1855] : memref<8x!tpu.dma_semaphore, #tpu.memory_space<semaphore_mem>> -> memref<1x!tpu.dma_semaphore, #tpu.memory_space<semaphore_mem>>
        %dma_start3A_1863 = tpu.memref_squeeze %dma_start3A_1862 : memref<1x!tpu.dma_semaphore, #tpu.memory_space<semaphore_mem>> -> memref<!tpu.dma_semaphore, #tpu.memory_space<semaphore_mem>>
        %dma_start3A_1864 = arith.constant 0 : i32
        %dma_start3A_1865 = arith.constant 0 : i32
        %dma_start3A_1866 = tpu.memref_slice %arg6[%dma_start3A_1854, %dma_start3A_1864, %dma_start3A_1865] : memref<8x64x128xf32, #tpu.memory_space<vmem>> -> memref<1x64x128xf32, #tpu.memory_space<vmem>>
        %dma_start3A_1867 = tpu.memref_squeeze %dma_start3A_1866 : memref<1x64x128xf32, #tpu.memory_space<vmem>> -> memref<64x128xf32, #tpu.memory_space<vmem>>
        %dma_start3A_1868 = arith.constant 0 : i32
        %dma_start3A_1869 = tpu.memref_slice %arg3[%dma_start3A_1868, %multiple_of3A_1853] : memref<64x1000000xf32, #tpu.memory_space<hbm>> -> memref<64x128xf32, #tpu.memory_space<hbm>>
        tpu.enqueue_dma source(%dma_start3A_1869 : memref<64x128xf32, #tpu.memory_space<hbm>>) target(%dma_start3A_1867 : memref<64x128xf32, #tpu.memory_space<vmem>>) target_semaphore(%dma_start3A_1863 : memref<!tpu.dma_semaphore, #tpu.memory_space<semaphore_mem>>)
        %slice3A_1870 = vector.extract_strided_slice %get3A_1599 {offsets = [6], sizes = [1], strides = [1]} : vector<16xi32> to vector<1xi32>
        %squeeze3A_1871 = vector.extract %slice3A_1870[0] : i32 from vector<1xi32>
        %jit3A_1872 = arith.constant 128 : i32
        %div3A_1873 = arith.divsi %squeeze3A_1871, %jit3A_1872 : i32
        %sign3A_1874 = arith.constant 0 : i32
        %sign3A_1875 = arith.cmpi sgt, %squeeze3A_1871, %sign3A_1874 : i32
        %sign3A_1876 = arith.extui %sign3A_1875 : i1 to i32
        %sign3A_1877 = arith.constant 0 : i32
        %sign3A_1878 = arith.cmpi slt, %squeeze3A_1871, %sign3A_1877 : i32
        %sign3A_1879 = arith.extui %sign3A_1878 : i1 to i32
        %sign3A_1880 = arith.subi %sign3A_1876, %sign3A_1879 : i32
        %sign3A_1881 = arith.constant 0 : i32
        %sign3A_1882 = arith.cmpi sgt, %jit3A_1872, %sign3A_1881 : i32
        %sign3A_1883 = arith.extui %sign3A_1882 : i1 to i32
        %sign3A_1884 = arith.constant 0 : i32
        %sign3A_1885 = arith.cmpi slt, %jit3A_1872, %sign3A_1884 : i32
        %sign3A_1886 = arith.extui %sign3A_1885 : i1 to i32
        %sign3A_1887 = arith.subi %sign3A_1883, %sign3A_1886 : i32
        %ne3A_1888 = arith.cmpi ne, %sign3A_1880, %sign3A_1887 : i32
        %rem3A_1889 = arith.remsi %squeeze3A_1871, %jit3A_1872 : i32
        %ne3A_1890 = arith.constant 0 : i32
        %ne3A_1891 = arith.cmpi ne, %rem3A_1889, %ne3A_1890 : i32
        %and3A_1892 = arith.andi %ne3A_1888, %ne3A_1891 : i1
        %sub3A_1893 = arith.constant 1 : i32
        %sub3A_1894 = arith.subi %div3A_1873, %sub3A_1893 : i32
        %select_n3A_1895 = arith.select %and3A_1892, %sub3A_1894, %div3A_1873 : i32
        %mul3A_1896 = arith.constant 128 : i32
        %mul3A_1897 = arith.muli %select_n3A_1895, %mul3A_1896 : i32
        %multiple_of3A_1898 = tpu.assume_multiple %mul3A_1897, 128 : i32
        %dma_start3A_1899 = arith.constant 6 : i32
        %dma_start3A_1900 = arith.constant 6 : i32
        %dma_start3A_1901 = arith.constant 0 : i32
        %dma_start3A_1902 = arith.constant 0 : i32
        %dma_start3A_1903 = tpu.memref_slice %arg6[%dma_start3A_1899, %dma_start3A_1901, %dma_start3A_1902] : memref<8x64x128xf32, #tpu.memory_space<vmem>> -> memref<1x64x128xf32, #tpu.memory_space<vmem>>
        %dma_start3A_1904 = tpu.memref_squeeze %dma_start3A_1903 : memref<1x64x128xf32, #tpu.memory_space<vmem>> -> memref<64x128xf32, #tpu.memory_space<vmem>>
        %dma_start3A_1905 = arith.constant 0 : i32
        %dma_start3A_1906 = tpu.memref_slice %arg3[%dma_start3A_1905, %multiple_of3A_1898] : memref<64x1000000xf32, #tpu.memory_space<hbm>> -> memref<64x128xf32, #tpu.memory_space<hbm>>
        %dma_start3A_1907 = tpu.memref_slice %arg8[%dma_start3A_1900] : memref<8x!tpu.dma_semaphore, #tpu.memory_space<semaphore_mem>> -> memref<1x!tpu.dma_semaphore, #tpu.memory_space<semaphore_mem>>
        %dma_start3A_1908 = tpu.memref_squeeze %dma_start3A_1907 : memref<1x!tpu.dma_semaphore, #tpu.memory_space<semaphore_mem>> -> memref<!tpu.dma_semaphore, #tpu.memory_space<semaphore_mem>>
        %dma_start3A_1909 = arith.constant 0 : i32
        %dma_start3A_1910 = arith.constant 0 : i32
        %dma_start3A_1911 = tpu.memref_slice %arg6[%dma_start3A_1899, %dma_start3A_1909, %dma_start3A_1910] : memref<8x64x128xf32, #tpu.memory_space<vmem>> -> memref<1x64x128xf32, #tpu.memory_space<vmem>>
        %dma_start3A_1912 = tpu.memref_squeeze %dma_start3A_1911 : memref<1x64x128xf32, #tpu.memory_space<vmem>> -> memref<64x128xf32, #tpu.memory_space<vmem>>
        %dma_start3A_1913 = arith.constant 0 : i32
        %dma_start3A_1914 = tpu.memref_slice %arg3[%dma_start3A_1913, %multiple_of3A_1898] : memref<64x1000000xf32, #tpu.memory_space<hbm>> -> memref<64x128xf32, #tpu.memory_space<hbm>>
        tpu.enqueue_dma source(%dma_start3A_1914 : memref<64x128xf32, #tpu.memory_space<hbm>>) target(%dma_start3A_1912 : memref<64x128xf32, #tpu.memory_space<vmem>>) target_semaphore(%dma_start3A_1908 : memref<!tpu.dma_semaphore, #tpu.memory_space<semaphore_mem>>)
        %slice3A_1915 = vector.extract_strided_slice %get3A_1599 {offsets = [7], sizes = [1], strides = [1]} : vector<16xi32> to vector<1xi32>
        %squeeze3A_1916 = vector.extract %slice3A_1915[0] : i32 from vector<1xi32>
        %jit3A_1917 = arith.constant 128 : i32
        %div3A_1918 = arith.divsi %squeeze3A_1916, %jit3A_1917 : i32
        %sign3A_1919 = arith.constant 0 : i32
        %sign3A_1920 = arith.cmpi sgt, %squeeze3A_1916, %sign3A_1919 : i32
        %sign3A_1921 = arith.extui %sign3A_1920 : i1 to i32
        %sign3A_1922 = arith.constant 0 : i32
        %sign3A_1923 = arith.cmpi slt, %squeeze3A_1916, %sign3A_1922 : i32
        %sign3A_1924 = arith.extui %sign3A_1923 : i1 to i32
        %sign3A_1925 = arith.subi %sign3A_1921, %sign3A_1924 : i32
        %sign3A_1926 = arith.constant 0 : i32
        %sign3A_1927 = arith.cmpi sgt, %jit3A_1917, %sign3A_1926 : i32
        %sign3A_1928 = arith.extui %sign3A_1927 : i1 to i32
        %sign3A_1929 = arith.constant 0 : i32
        %sign3A_1930 = arith.cmpi slt, %jit3A_1917, %sign3A_1929 : i32
        %sign3A_1931 = arith.extui %sign3A_1930 : i1 to i32
        %sign3A_1932 = arith.subi %sign3A_1928, %sign3A_1931 : i32
        %ne3A_1933 = arith.cmpi ne, %sign3A_1925, %sign3A_1932 : i32
        %rem3A_1934 = arith.remsi %squeeze3A_1916, %jit3A_1917 : i32
        %ne3A_1935 = arith.constant 0 : i32
        %ne3A_1936 = arith.cmpi ne, %rem3A_1934, %ne3A_1935 : i32
        %and3A_1937 = arith.andi %ne3A_1933, %ne3A_1936 : i1
        %sub3A_1938 = arith.constant 1 : i32
        %sub3A_1939 = arith.subi %div3A_1918, %sub3A_1938 : i32
        %select_n3A_1940 = arith.select %and3A_1937, %sub3A_1939, %div3A_1918 : i32
        %mul3A_1941 = arith.constant 128 : i32
        %mul3A_1942 = arith.muli %select_n3A_1940, %mul3A_1941 : i32
        %multiple_of3A_1943 = tpu.assume_multiple %mul3A_1942, 128 : i32
        %dma_start3A_1944 = arith.constant 7 : i32
        %dma_start3A_1945 = arith.constant 7 : i32
        %dma_start3A_1946 = arith.constant 0 : i32
        %dma_start3A_1947 = arith.constant 0 : i32
        %dma_start3A_1948 = tpu.memref_slice %arg6[%dma_start3A_1944, %dma_start3A_1946, %dma_start3A_1947] : memref<8x64x128xf32, #tpu.memory_space<vmem>> -> memref<1x64x128xf32, #tpu.memory_space<vmem>>
        %dma_start3A_1949 = tpu.memref_squeeze %dma_start3A_1948 : memref<1x64x128xf32, #tpu.memory_space<vmem>> -> memref<64x128xf32, #tpu.memory_space<vmem>>
        %dma_start3A_1950 = arith.constant 0 : i32
        %dma_start3A_1951 = tpu.memref_slice %arg3[%dma_start3A_1950, %multiple_of3A_1943] : memref<64x1000000xf32, #tpu.memory_space<hbm>> -> memref<64x128xf32, #tpu.memory_space<hbm>>
        %dma_start3A_1952 = tpu.memref_slice %arg8[%dma_start3A_1945] : memref<8x!tpu.dma_semaphore, #tpu.memory_space<semaphore_mem>> -> memref<1x!tpu.dma_semaphore, #tpu.memory_space<semaphore_mem>>
        %dma_start3A_1953 = tpu.memref_squeeze %dma_start3A_1952 : memref<1x!tpu.dma_semaphore, #tpu.memory_space<semaphore_mem>> -> memref<!tpu.dma_semaphore, #tpu.memory_space<semaphore_mem>>
        %dma_start3A_1954 = arith.constant 0 : i32
        %dma_start3A_1955 = arith.constant 0 : i32
        %dma_start3A_1956 = tpu.memref_slice %arg6[%dma_start3A_1944, %dma_start3A_1954, %dma_start3A_1955] : memref<8x64x128xf32, #tpu.memory_space<vmem>> -> memref<1x64x128xf32, #tpu.memory_space<vmem>>
        %dma_start3A_1957 = tpu.memref_squeeze %dma_start3A_1956 : memref<1x64x128xf32, #tpu.memory_space<vmem>> -> memref<64x128xf32, #tpu.memory_space<vmem>>
        %dma_start3A_1958 = arith.constant 0 : i32
        %dma_start3A_1959 = tpu.memref_slice %arg3[%dma_start3A_1958, %multiple_of3A_1943] : memref<64x1000000xf32, #tpu.memory_space<hbm>> -> memref<64x128xf32, #tpu.memory_space<hbm>>
        tpu.enqueue_dma source(%dma_start3A_1959 : memref<64x128xf32, #tpu.memory_space<hbm>>) target(%dma_start3A_1957 : memref<64x128xf32, #tpu.memory_space<vmem>>) target_semaphore(%dma_start3A_1953 : memref<!tpu.dma_semaphore, #tpu.memory_space<semaphore_mem>>)
      } else {
      }
      %eq3A = arith.constant 15 : i32
      %eq3A_1592 = arith.cmpi eq, %scan3A_377, %eq3A : i32
      %convert_element_type3A_1593 = arith.extui %eq3A_1592 : i1 to i32
      %cond3A_1594 = arith.constant 0 : i32
      %cond3A_1595 = arith.cmpi ne, %convert_element_type3A_1593, %cond3A_1594 : i32
      scf.if %cond3A_1595 {
        "tpu.region"() ({
          %run_scoped3A = tpu.sem_alloc : memref<!tpu.dma_semaphore, #tpu.memory_space<semaphore_mem>>
          %dma_start3A_1596 = arith.constant 0 : i32
          %dma_start3A_1597 = tpu.memref_slice %arg4[%dma_start3A_1596, %mul3A_2] : memref<64x16384xf32, #tpu.memory_space<hbm>> -> memref<64x256xf32, #tpu.memory_space<hbm>>
          %dma_start3A_1598 = arith.constant 0 : i32
          %dma_start3A_1599 = tpu.memref_slice %arg4[%dma_start3A_1598, %mul3A_2] : memref<64x16384xf32, #tpu.memory_space<hbm>> -> memref<64x256xf32, #tpu.memory_space<hbm>>
          tpu.enqueue_dma source(%arg7 : memref<64x256xf32, #tpu.memory_space<vmem>>) target(%dma_start3A_1599 : memref<64x256xf32, #tpu.memory_space<hbm>>) target_semaphore(%run_scoped3A : memref<!tpu.dma_semaphore, #tpu.memory_space<semaphore_mem>>)
          %dma_wait3A_1600 = arith.constant 0 : i32
          %dma_wait3A_1601 = tpu.memref_slice %arg4[%dma_wait3A_1600, %mul3A_2] : memref<64x16384xf32, #tpu.memory_space<hbm>> -> memref<64x256xf32, #tpu.memory_space<hbm>>
          %dma_wait3A_1602 = arith.constant 0 : i32
          %dma_wait3A_1603 = tpu.memref_slice %arg4[%dma_wait3A_1602, %mul3A_2] : memref<64x16384xf32, #tpu.memory_space<hbm>> -> memref<64x256xf32, #tpu.memory_space<hbm>>
          tpu.wait_dma2 semaphore(%run_scoped3A : memref<!tpu.dma_semaphore, #tpu.memory_space<semaphore_mem>>) src(%arg7 : memref<64x256xf32, #tpu.memory_space<vmem>>) dst(%dma_wait3A_1603 : memref<64x256xf32, #tpu.memory_space<hbm>>)
          tpu.yield
        }) : () -> ()
      } else {
      }
    }
    %scan3A_374 = arith.constant 32 : i32
    %add3A_375 = arith.constant 256 : i32
    %add3A_376 = arith.addi %mul3A_2, %add3A_375 : i32
    "tpu.region"() ({
      %run_scoped3A = tpu.sem_alloc : memref<!tpu.dma_semaphore, #tpu.memory_space<semaphore_mem>>
      %dma_start3A_377 = arith.constant 0 : i32
      %dma_start3A_378 = tpu.memref_slice %arg4[%dma_start3A_377, %add3A_376] : memref<64x16384xf32, #tpu.memory_space<hbm>> -> memref<64x256xf32, #tpu.memory_space<hbm>>
      %dma_start3A_379 = arith.constant 0 : i32
      %dma_start3A_380 = tpu.memref_slice %arg4[%dma_start3A_379, %add3A_376] : memref<64x16384xf32, #tpu.memory_space<hbm>> -> memref<64x256xf32, #tpu.memory_space<hbm>>
      tpu.enqueue_dma source(%arg7 : memref<64x256xf32, #tpu.memory_space<vmem>>) target(%dma_start3A_380 : memref<64x256xf32, #tpu.memory_space<hbm>>) target_semaphore(%run_scoped3A : memref<!tpu.dma_semaphore, #tpu.memory_space<semaphore_mem>>)
      %dma_wait3A_381 = arith.constant 0 : i32
      %dma_wait3A_382 = tpu.memref_slice %arg4[%dma_wait3A_381, %add3A_376] : memref<64x16384xf32, #tpu.memory_space<hbm>> -> memref<64x256xf32, #tpu.memory_space<hbm>>
      %dma_wait3A_383 = arith.constant 0 : i32
      %dma_wait3A_384 = tpu.memref_slice %arg4[%dma_wait3A_383, %add3A_376] : memref<64x16384xf32, #tpu.memory_space<hbm>> -> memref<64x256xf32, #tpu.memory_space<hbm>>
      tpu.wait_dma2 semaphore(%run_scoped3A : memref<!tpu.dma_semaphore, #tpu.memory_space<semaphore_mem>>) src(%arg7 : memref<64x256xf32, #tpu.memory_space<vmem>>) dst(%dma_wait3A_384 : memref<64x256xf32, #tpu.memory_space<hbm>>)
      tpu.yield
    }) : () -> ()
    return
  }
}

</mosaic_0001>

<sc_bundles>
// kernel: _lookup.3.cloned.1.call-start
scs
__scs_entry_jumppad:
0x0: {  	(pc) =	sbr.rel $0x88, $3  }
0x1: {  	(tag) =	ssettag $0x0;
	lr =	simm.s32 $0x1  }
0x2: {  	[smem:$0x3F9F] =	sst lr;
	_ =	strace $0xD0000000  }
0x3: {  	_ = 	snop  }
0x4: {  	_ = 	snop  }
0x5: {  	_ = 	snop  }
0x6: {  	_ = 	snop  }
0x7: {  	_ = 	snop  }
__scs_overlays_trampoline_lowered:
0x8: {  	[smem:$0x3FAE] =	sst s0  }
0x9: {  	[smem:$0x3FAF] =	sst s1  }
0xa: {  	[smem:$0x3FB0] =	sst s2  }
0xb: {  	[smem:$0x3FB1] =	sst s3  }
0xc: {  	[smem:$0x3FB2] =	sst s4  }
0xd: {  	[smem:$0x3FB3] =	sst s5  }
0xe: {  	[smem:$0x3FB4] =	sst s6  }
0xf: {  	[smem:$0x3FB5] =	sst s7  }
0x10: {  	[smem:$0x3FB6] =	sst s8  }
0x11: {  	[smem:$0x3FB7] =	sst s9;
	s0 =	simm.s32 @!p0 $0x0  }
0x12: {  	s1 =	sld [smem:$0x3F9D];
	s0 =	simm.s32 @p0 $0x1  }
0x13: {  	[smem:$0x3FB8] =	sst s0;
	s0 =	simm.s32 @!p1 $0x0  }
0x14: {  	s2 =	sld [smem:$0x3F9C];
	s0 =	simm.s32 @p1 $0x1  }
0x15: {  	[smem:$0x3FB9] =	sst s0;
	s0 =	simm.s32 @!p2 $0x0  }
0x16: {  	s3 =	sld [smem:$0x3FDB];
	s0 =	simm.s32 @p2 $0x1  }
0x17: {  	s4 =	simm.s32 $0x1BF5;
	[smem:$0x3FBB] =	sst s0  }
0x18: {  	s0 =	sld [smem:$0x3F9E];
	_ =	swait.ge [sflag:s4], $0x0  }
0x19: {  	s7 =	sld [smem:$0x3F9F]  }
0x1a: {  	s8 =	sadd.s32 $0xFFFFE003, lr  }
0x1b: {  	s9 =	sadd.s32 $0xFFFFFEF7, lr;
	s5 =	simm.s32 $0xFFFFFFFF;
	p2 =	slt.u32 s8, $0xFFFFF086  }
0x1c: {  	p1 =	slt.u32 s9, $0xF7A;
	s5 =	simm.s32 @!p2 $0x0  }
0x1d: {  	s5 =	simm.s32 @p1 $0x1;
	p0 =	seq.s32 s7, s2  }
0x1e: {  	s7 =	smul.u32 @!p0 $0xF7A, s2;
	p2 =	seq.s32 @!p0 s5, $0x0  }
0x1f: {  	s9 =	smul.u32 $0xF7A, s1;
	s8 =	simm.s32 @!p0 $0x1BF5;
	p2 =	por !p2, p0  }
0x20: {  	[sflag:s8] =	ssyncset.s32 @!p0 $0xFFFFF086;
	s6 =	sadd.s32 @!p0 s3, s7;
	s7 =	simm.s32 @!p0 $0x108  }
0x21: {  	s3 =	sadd.s32 s3, s9;
	s6 =	sadd.s32 @!p0 $0x88, s6;
	s7 =	simm.s32 @p2 $0x1082  }
0x22: {  	[simem:s7], [sflag:s8] =	dma.local @!p0 [hbm:s6], $0xF7A  }
0x23: {  	s9 =	sor.u32 $0xD0000000, s2;
	s6 =	simm.s32 $0x108;
	_ =	swait.ge @!p0 [sflag:s8], $0x0  }
0x24: {  	s3 =	sadd.s32 $0x88, s3;
	s6 =	simm.s32 @!p1 $0x1082;
	[sflag:s4] =	ssyncset.s32 $0xFFFFF086  }
0x25: {  	[simem:s6], [sflag:s4] =	dma.local [hbm:s3], $0xF7A  }
0x26: {  	[smem:$0x3F9F] =	sst s1;
	(tag) =	ssettag s2;
	_ =	strace s9  }
0x27: {  	s1 =	sld [smem:$0x3FAF]  }
0x28: {  	s2 =	sld [smem:$0x3FB0]  }
0x29: {  	s4 =	sld [smem:$0x3FB2]  }
0x2a: {  	p0 =	seq.s32 s5, $0x0;
	s5 =	sld [smem:$0x3FB3]  }
0x2b: {  	s6 =	sld [smem:$0x3FB4]  }
0x2c: {  	s7 =	sld [smem:$0x3FB5]  }
0x2d: {  	s3 =	simm.s32 $0x108;
	s8 =	sld [smem:$0x3FB6]  }
0x2e: {  	s3 =	simm.s32 @!p0 $0x1082;
	s9 =	sld [smem:$0x3FB7]  }
0x2f: {  	lr =	sadd.s32 s0, s3;
	s0 =	sld [smem:$0x3FAE]  }
0x30: {  	s3 =	sld [smem:$0x3FB1]  }
0x31: {  	[smem:$0x3FBA] =	sst s10  }
0x32: {  	s10 =	sld [smem:$0x3FB8];
	_ =	sdelay $0x3  }
0x33: {  	p0 =	seq.s32 s10, $0x1;
	s10 =	sld [smem:$0x3FBA];
	_ =	sdelay $0x3  }
0x34: {  	[smem:$0x3FBA] =	sst s10  }
0x35: {  	s10 =	sld [smem:$0x3FB9];
	_ =	sdelay $0x3  }
0x36: {  	p1 =	seq.s32 s10, $0x1;
	s10 =	sld [smem:$0x3FBA];
	_ =	sdelay $0x3  }
0x37: {  	[smem:$0x3FBA] =	sst s10  }
0x38: {  	s10 =	sld [smem:$0x3FBB]  }
0x39: {  	_ = 	snop;
	(pc) =	sbr.ind lr, $3  }
0x3a: {  	_ = 	snop  }
0x3b: {  	_ = 	snop  }
0x3c: {  	p2 =	seq.s32 s10, $0x1;
	s10 =	sld [smem:$0x3FBA]  }
0x3d: {  	_ =	shalt  }
0x3e: {  	_ =	shalt  }
0x3f: {  	_ =	shalt  }
0x40: {  	_ =	shalt  }
0x41: {  	_ =	shalt  }
0x42: {  	_ =	shalt  }
0x43: {  	_ =	shalt  }
0x44: {  	_ =	shalt  }
0x45: {  	_ =	shalt  }
0x46: {  	_ =	shalt  }
0x47: {  	_ =	shalt  }
0x48: {  	_ =	shalt  }
0x49: {  	_ =	shalt  }
0x4a: {  	_ =	shalt  }
0x4b: {  	_ =	shalt  }
0x4c: {  	_ =	shalt  }
0x4d: {  	_ =	shalt  }
0x4e: {  	_ =	shalt  }
0x4f: {  	_ =	shalt  }
0x50: {  	_ =	shalt  }
0x51: {  	_ =	shalt  }
0x52: {  	_ =	shalt  }
0x53: {  	_ =	shalt  }
0x54: {  	_ =	shalt  }
0x55: {  	_ =	shalt  }
0x56: {  	_ =	shalt  }
0x57: {  	_ =	shalt  }
0x58: {  	_ =	shalt  }
0x59: {  	_ =	shalt  }
0x5a: {  	_ =	shalt  }
0x5b: {  	_ =	shalt  }
0x5c: {  	_ =	shalt  }
0x5d: {  	_ =	shalt  }
0x5e: {  	_ =	shalt  }
0x5f: {  	_ =	shalt  }
0x60: {  	_ =	shalt  }
0x61: {  	_ =	shalt  }
0x62: {  	_ =	shalt  }
0x63: {  	_ =	shalt  }
0x64: {  	_ =	shalt  }
0x65: {  	_ =	shalt  }
0x66: {  	_ =	shalt  }
0x67: {  	_ =	shalt  }
0x68: {  	_ =	shalt  }
0x69: {  	_ =	shalt  }
0x6a: {  	_ =	shalt  }
0x6b: {  	_ =	shalt  }
0x6c: {  	_ =	shalt  }
0x6d: {  	_ =	shalt  }
0x6e: {  	_ =	shalt  }
0x6f: {  	_ =	shalt  }
0x70: {  	_ =	shalt  }
0x71: {  	_ =	shalt  }
0x72: {  	_ =	shalt  }
0x73: {  	_ =	shalt  }
0x74: {  	_ =	shalt  }
0x75: {  	_ =	shalt  }
0x76: {  	_ =	shalt  }
0x77: {  	_ =	shalt  }
0x78: {  	_ =	shalt  }
0x79: {  	_ =	shalt  }
0x7a: {  	_ =	shalt  }
0x7b: {  	_ =	shalt  }
0x7c: {  	_ =	shalt  }
0x7d: {  	_ =	shalt  }
0x7e: {  	_ =	shalt  }
0x7f: {  	_ =	shalt  }
0x80: {  	_ =	shalt  }
0x81: {  	_ =	shalt  }
0x82: {  	_ =	shalt  }
0x83: {  	_ =	shalt  }
0x84: {  	_ =	shalt  }
0x85: {  	_ =	shalt  }
0x86: {  	_ =	shalt  }
0x87: {  	_ =	shalt  }
.Lfunc_end0:
.L_simem_size_0:
called_computation_lowered:
.L_overlay_start_0:
0x88: {  	s2 =	sld [smem:$0x3FD9]  }
0x89: {  	s3 =	sld [smem:$0x3FFE];
	_ =	sdelay $0x1  }
0x8a: {  	s1 =	srdreg.scid  }
0x8b: {  	s0 =	sand.u32 $0x1, s1  }
0x8c: {  	s18 =	sshll.u32 s0, $0xA;
	s2 =	sadd.s32 s3, s2  }
0x8d: {  	s2 =	sadd.s32 s2, s18  }
0x8e: {  	[smem:$0x3FC6] =	sst s2  }
0x8f: {  	_ = 	snop  }
0x90: {  	s2 =	sld [smem:$0x3FC9]  }
0x91: {  	s19 =	sld [smem:$0x3FC8]  }
0x92: {  	s4 =	sld [smem:$0x3FD0];
	(tm) =	ssettm $0x1  }
0x93: {  	s5 =	sld [smem:$0x3FFB];
	_ =	sdelay $0x3  }
0x94: {  	_ =	strace s5  }
0x95: {  	s5 =	sld [smem:$0x3FFC];
	_ =	sdelay $0x3  }
0x96: {  	_ =	strace s5  }
0x97: {  	s5 =	sld [smem:$0x3FFD];
	_ =	sdelay $0x3  }
0x98: {  	_ =	strace s5  }
0x99: {  	_ =	strace $0x8FFFFFFF  }
0x9a: {  	s20 =	sld [smem:$0x3FDB];
	_ =	sdelay $0x1  }
0x9b: {  	s6 =	simm.s32 $_scs_section_size  }
0x9c: {  	s7 =	simm.s32 $_size__tile_overlayer_lowered;
	s8 =	simm.s32 $_tile_overlayer_lowered  }
0x9d: {  	s23 =	simm.s32 $0x1BFF;
	s22 =	sshll.u32 s8, $0x1;
	s5 =	sadd.s32 s6, s20  }
0x9e: {  	s9 =	simm.s32 $0x0;
	s21 =	sshll.u32 s7, $0x1;
	s7 =	sadd.s32 s22, s5  }
0x9f: {  	[timem:s9], [sflag:s23] =	dma.local [hbm:s7], s21  }
0xa0: {  	_ =	swait.ge [sflag:s23], s21  }
0xa1: {  	s6 =	ssub.s32 $0x0, s21;
	[sflag:s23] =	ssyncset.done $0x0  }
0xa2: {  	[sflag:s23] =	ssyncadd.s32 s6;
	_ =	sdelay $0x1  }
0xa3: {  	s24 =	simm.s32 $0x1B8B  }
0xa4: {  	_ =	swait.ge [sflag:s24], $0x1  }
0xa5: {  	[sflag:s24] =	ssyncset.done $0x0  }
0xa6: {  	s25 =	simm.s32 $0x1B8E;
	[sflag:s24] =	ssyncadd.s32 $0xFFFFFFFF  }
0xa7: {  	s26 =	simm.s32 $execute0_lowered;
	[smem:$0x3FD2] =	sst s25  }
0xa8: {  	s6 =	sshll.u32 s26, $0x1;
	_ =	strace $0x80000046;
	[dreg:$0x1] =	wrdreg $0xFFFFFFFF  }
0xa9: {  	s28 =	simm.s32 $_size_execute0_lowered;
	s5 =	sadd.s32 s5, s6;
	[dreg:$0x0] =	wrdreg $0x0  }
0xaa: {  	s6 =	sshll.u32 s28, $0x1;
	[dreg:$0x2] =	wrdreg s5  }
0xab: {  	[dreg:$0x3] =	wrdreg s6  }
0xac: {  	[dreg:$0x4] =	wrdreg $0xC0  }
0xad: {  	_ =	task [dreg:s9], $0x5FFFF  }
0xae: {  	[dreg:$0x1] =	wrdreg $0xFFFFFFFF  }
0xaf: {  	[dreg:$0x0] =	wrdreg $0x60  }
0xb0: {  	[dreg:$0x2] =	wrdreg s2  }
0xb1: {  	[dreg:$0x3] =	wrdreg s19  }
0xb2: {  	[dreg:$0x4] =	wrdreg s4  }
0xb3: {  	[dreg:$0x5] =	wrdreg $0x9  }
0xb4: {  	_ =	task.clear_ibuf [dreg:s9], $0x6FFFF;
	_ =	strace $0x90000046  }
0xb5: {  	s29 =	simm.s32 $0x9;
	_ =	strace $0x80000048  }
0xb6: {  	_ =	swait.ge [sflag:s29], $0x1  }
0xb7: {  	[sflag:s29] =	ssyncadd.s32 $0xFFFFFFFF  }
0xb8: {  	_ =	strace $0x90000048  }
0xb9: {  	_ =	sfence  }
0xba: {  	s30 =	sld [smem:$0x0];
	_ =	sdelay $0x2  }
0xbb: {  	s31 =	sshll.u32 s1, $0xD;
	s1 =	sshrl.u32 s1, $0x2  }
0xbc: {  	s3 =	sand.u32 $0x4000, s31;
	s1 =	sadd.s32 s1, s30  }
0xbd: {  	s0 =	sor.u32 s3, s0;
	s1 =	sshll.u32 s1, $0x11  }
0xbe: {  	s0 =	sor.u32 s1, s0  }
0xbf: {  	s0 =	sadd.s32 $0x8F2B, s0  }
0xc0: {  	[sflag:s0] =	ssyncadd.remote.s32 $0x1  }
0xc1: {  	_ =	sfence.sel $0xFFFF  }
0xc2: {  	[dreg:$0x0] =	wrdreg $0xFFFFFFFF;
	(pc) =	sbr.abs _section_cstart, $3  }
0xc3: {  	[dreg:$0x1] =	wrdreg $0xFFFFFFFF  }
0xc4: {  	_ =	task.clear_ibuf [dreg:s9], $0x2FFFF;
	_ =	strace $0x9FFFFFFF  }
0xc5: {  	(tm) =	ssettm $0x7FFFFFFF  }
tec
execute0_lowered:
.L_overlay_start_1:
0x0: {  	(tag) =	ssettag $0x1  }
0x1: {  	v0 =	vimm.s32 $0xB80;
	vm14 =	vcmask $0x300;
	vm13 =	vcmask $0x704  }
0x2: {  	vm12 =	vcmask $0xB08;
	vm11 =	vcmask $0xF0C;
	vm10 =	vcmask $0x1310  }
0x3: {  	vm9 =	vcmask $0x1714;
	vm8 =	vcmask $0x1B18;
	vm7 =	vcmask $0x1F1C  }
0x4: {  	vm6 =	vcmask $0x2320;
	vm5 =	vcmask $0x2724;
	vm4 =	vcmask $0x2B28  }
0x5: {  	vm3 =	vcmask $0x2F2C;
	v1 =	vlaneseq.u32;
	vm2 =	vcmask $0x3330  }
0x6: {  	vm1 =	vcmask $0x3734;
	vm0 =	vcmask $0x3B38;
	v3 =	vimm.s32 $0x1B80  }
0x7: {  	v4 =	vimm.s32 $0x2B80;
	v5 =	vimm.s32 $0x3B80;
	v0 =	vsel vm14, $0x0, v0  }
0x8: {  	v3 =	vsel vm14, $0x1000, v3;
	v4 =	vsel vm14, $0x2000, v4;
	v5 =	vsel vm14, $0x3000, v5  }
0x9: {  	v0 =	vsel vm13, $0x80, v0;
	v3 =	vsel vm13, $0x1080, v3;
	v4 =	vsel vm13, $0x2080, v4  }
0xa: {  	v5 =	vsel vm13, $0x3080, v5;
	v0 =	vsel vm12, $0x100, v0;
	v3 =	vsel vm12, $0x1100, v3  }
0xb: {  	v4 =	vsel vm12, $0x2100, v4;
	v5 =	vsel vm12, $0x3100, v5;
	v0 =	vsel vm11, $0x180, v0  }
0xc: {  	v3 =	vsel vm11, $0x1180, v3;
	v4 =	vsel vm11, $0x2180, v4;
	v5 =	vsel vm11, $0x3180, v5  }
0xd: {  	s1 =	rddreg [dreg:$0x0];
	v0 =	vsel vm10, $0x200, v0;
	v3 =	vsel vm10, $0x1200, v3;
	v4 =	vsel vm10, $0x2200, v4  }
0xe: {  	s0 =	rddreg [dreg:$0x1];
	v5 =	vsel vm10, $0x3200, v5;
	v0 =	vsel vm9, $0x280, v0;
	v3 =	vsel vm9, $0x1280, v3  }
0xf: {  	s2 =	rddreg [dreg:$0x2];
	s4 =	simm.s32 $0x0;
	s3 =	srdreg.scid;
	v4 =	vsel vm9, $0x2280, v4;
	v5 =	vsel vm9, $0x3280, v5;
	v0 =	vsel vm8, $0x300, v0  }
0x10: {  	s5 =	stileid.u32;
	s21 =	simm.s32 $0x1;
	s10 =	simm.s32 $0x7A1400;
	v3 =	vsel vm8, $0x1300, v3;
	v4 =	vsel vm8, $0x2300, v4;
	v5 =	vsel vm8, $0x3300, v5  }
0x11: {  	s11 =	simm.s32 $0x400;
	s12 =	simm.s32 $0x200;
	s13 =	simm.s32 $0x2200;
	v0 =	vsel vm7, $0x380, v0;
	v3 =	vsel vm7, $0x1380, v3;
	v4 =	vsel vm7, $0x2380, v4  }
0x12: {  	s14 =	simm.s32 $0x4200;
	s15 =	simm.s32 $0x6200;
	s16 =	simm.s32 $0x8200;
	v5 =	vsel vm7, $0x3380, v5;
	v0 =	vsel vm6, $0x800, v0;
	v3 =	vsel vm6, $0x1800, v3  }
0x13: {  	s17 =	simm.s32 $0xA200;
	s18 =	simm.s32 $0xC200;
	s19 =	simm.s32 $0xE200;
	v4 =	vsel vm6, $0x2800, v4;
	v5 =	vsel vm6, $0x3800, v5;
	v0 =	vsel vm5, $0x880, v0  }
0x14: {  	s20 =	simm.s32 $0x10200;
	s9 =	simm.s32 $0x2;
	s7 =	simm.s32 $0x4;
	v3 =	vsel vm5, $0x1880, v3;
	v4 =	vsel vm5, $0x2880, v4;
	v5 =	vsel vm5, $0x3880, v5  }
0x15: {  	s8 =	simm.s32 $0x5;
	s26 =	simm.s32 $0x7;
	s3 =	sand.u32 $0x1, s3;
	v0 =	vsel vm4, $0x900, v0;
	v3 =	vsel vm4, $0x1900, v3;
	v4 =	vsel vm4, $0x2900, v4  }
0x16: {  	s5 =	sshll.u32 s5, $0xA;
	s29 =	ssub.s32 $0x2, s3;
	s3 =	sshll.u32 s3, $0x9;
	v5 =	vsel vm4, $0x3900, v5;
	v2 =	vsel vm3, $0x980, v0;
	v0 =	vmul.u32 $0x80, v1  }
0x17: {  	s28 =	simm.s32 $0x8;
	[smem:$0x7FF] =	sst s4;
	s3 =	sor.u32 s3, s5;
	v3 =	vsel vm3, $0x1980, v3;
	v4 =	vsel vm3, $0x2980, v4;
	v5 =	vsel vm3, $0x3980, v5  }
0x18: {  	s24 =	simm.s32 $0x4;
	_ =	strace $0x80000047;
	s5 =	sshrl.u32 s3, $0x3;
	v1 =	vsel vm2, $0xA00, v2;
	v3 =	vsel vm2, $0x1A00, v3;
	v6 =	vsel vm2, $0x2A00, v4  }
0x19: {  	s6 =	sshrl.u32 s29, $0x1;
	s22 =	sadd.s32 s2, s3;
	s1 =	sadd.s32 s1, s5;
	v5 =	vsel vm2, $0x3A00, v5;
	v1 =	vsel vm1, $0xA80, v1;
	v2 =	vor.u32 $0x800, v0  }
0x1a: {  	s4 =	ssub.s32 s29, s6;
	s30 =	sadd.s32 $0x100, s22;
	[dreg:$0x4] =	wrdreg s1;
	v3 =	vsel vm1, $0x1A80, v3;
	v4 =	vor.u32 $0x1000, v0;
	v6 =	vsel vm1, $0x2A80, v6  }
0x1b: {  	s25 =	simm.s32 $0x5;
	s31 =	smax.u32 s4, $0x1;
	[dreg:$0x5] =	wrdreg s30;
	v7 =	vsel vm1, $0x3A80, v5;
	v1 =	vsel vm0, $0xB00, v1;
	v3 =	vsel vm0, $0x1B00, v3  }
0x1c: {  	s6 =	simm.s32 $0x3;
	s3 =	simm.s32 $0x0;
	[dreg:$0x6] =	wrdreg s31;
	v5 =	vsel vm0, $0x2B00, v6;
	v6 =	vor.u32 $0x1800, v0;
	v7 =	vsel vm0, $0x3B00, v7  }
.LBB2_1:
0x1d: {  	[dreg:$0x7] =	wrdreg s3  }
0x1e: {  	s1 =	simm.s32 $0x0;
	s2 =	rddreg [dreg:$0x4];
	s23 =	simm.s32 $0x9  }
0x1f: {  	[tilespmem:s1], [sflag:$0x9] =	stream.linear.gather [hbm4b:s2+s1], $0x200, $0x38;
	[tilespmem:$0x14200] =	vst v63  }
0x20: {  	_ =	swait.ge [sflag:s23], $0x200  }
0x21: {  	[sflag:s23] =	ssyncset.done $0x0  }
0x22: {  	[sflag:s23] =	ssyncadd.s32 $0xFFFFFE00  }
0x23: {  	v8 =	vld [tilespmem:$0x0];
	_ =	sdelay $0x4  }
0x24: {  	(v2sf) =	vpush v8, $0x0;
	_ =	sdelay $0x5  }
0x25: {  	(v2sf) =	vpush v8, $0x1;
	_ =	sdelay $0x8  }
0x26: {  	s29 =	spop (v2sf)  }
0x27: {  	(v2sf) =	vpush v8, $0x2;
	s30 =	sand.u32 $0x7F, s29  }
0x28: {  	s31 =	sshra.s32 s29, $0x1F;
	p1 =	slt.s32 s29, $0x1;
	p0 =	sne.s32 s30, $0x0  }
0x29: {  	s2 =	sshrl.u32 s31, $0x19;
	p0 =	por !p1, !p0  }
0x2a: {  	s1 =	sadd.s32 s2, s29;
	s2 =	simm.s32 $0x1;
	p0 =	por !p0, !p0  }
0x2b: {  	s1 =	sshrl.u32 s1, $0x7;
	s2 =	simm.s32 @!p0 $0x0  }
0x2c: {  	s3 =	spop (v2sf);
	s1 =	ssub.s32 s1, s2  }
0x2d: {  	s4 =	sand.u32 $0x7F, s3;
	s5 =	sshra.s32 s3, $0x1F;
	s1 =	sshll.u32 s1, $0x7  }
0x2e: {  	(v2sf) =	vpush v8, $0x3;
	p6 =	slt.s32 s3, $0x1;
	p5 =	sne.s32 s4, $0x0;
	s1 =	sand.u32 $0x1FFFFF80, s1  }
0x2f: {  	p0 =	por !p6, !p5;
	s2 =	sshrl.u32 s5, $0x19;
	s1 =	sadd.s32 s0, s1  }
0x30: {  	[tilespmem:s12], [sflag:$0x1] =	stream.strided.gather [hbm4b:s1+s11], $0x2000, s10, s11, $0x38;
	[tilespmem:$0x14200] =	vst v63  }
0x31: {  	p0 =	por !p0, !p0;
	s1 =	sadd.s32 s2, s3;
	s2 =	simm.s32 $0x1  }
0x32: {  	s1 =	sshrl.u32 s1, $0x7;
	s2 =	simm.s32 @!p0 $0x0  }
0x33: {  	s1 =	ssub.s32 s1, s2  }
0x34: {  	s1 =	sshll.u32 s1, $0x7  }
0x35: {  	s1 =	sand.u32 $0x1FFFFF80, s1  }
0x36: {  	s1 =	sadd.s32 s0, s1;
	s23 =	spop (v2sf)  }
0x37: {  	[tilespmem:s13], [sflag:$0x2] =	stream.strided.gather [hbm4b:s1+s11], $0x2000, s10, s11, $0x38;
	[tilespmem:$0x14200] =	vst v63  }
0x38: {  	(v2sf) =	vpush v8, $0x4;
	s29 =	sand.u32 $0x7F, s23  }
0x39: {  	s30 =	sshra.s32 s23, $0x1F;
	p2 =	slt.s32 s23, $0x1;
	p1 =	sne.s32 s29, $0x0  }
0x3a: {  	s2 =	sshrl.u32 s30, $0x19;
	p0 =	por !p2, !p1  }
0x3b: {  	s1 =	sadd.s32 s2, s23;
	s2 =	simm.s32 $0x1;
	p0 =	por !p0, !p0  }
0x3c: {  	s1 =	sshrl.u32 s1, $0x7;
	s2 =	simm.s32 @!p0 $0x0  }
0x3d: {  	s31 =	spop (v2sf);
	s1 =	ssub.s32 s1, s2  }
0x3e: {  	s3 =	sand.u32 $0x7F, s31;
	s4 =	sshra.s32 s31, $0x1F;
	s1 =	sshll.u32 s1, $0x7  }
0x3f: {  	(v2sf) =	vpush v8, $0x5;
	p4 =	slt.s32 s31, $0x1;
	p3 =	sne.s32 s3, $0x0;
	s1 =	sand.u32 $0x1FFFFF80, s1  }
0x40: {  	p0 =	por !p4, !p3;
	s2 =	sshrl.u32 s4, $0x19;
	s1 =	sadd.s32 s0, s1  }
0x41: {  	[tilespmem:s14], [sflag:$0x3] =	stream.strided.gather [hbm4b:s1+s11], $0x2000, s10, s11, $0x38;
	[tilespmem:$0x14200] =	vst v63  }
0x42: {  	p0 =	por !p0, !p0;
	s1 =	sadd.s32 s2, s31;
	s2 =	simm.s32 $0x1  }
0x43: {  	s1 =	sshrl.u32 s1, $0x7;
	s2 =	simm.s32 @!p0 $0x0  }
0x44: {  	s1 =	ssub.s32 s1, s2  }
0x45: {  	s1 =	sshll.u32 s1, $0x7  }
0x46: {  	s1 =	sand.u32 $0x1FFFFF80, s1  }
0x47: {  	s1 =	sadd.s32 s0, s1;
	s5 =	spop (v2sf)  }
0x48: {  	[tilespmem:s15], [sflag:$0x4] =	stream.strided.gather [hbm4b:s1+s11], $0x2000, s10, s11, $0x38;
	[tilespmem:$0x14200] =	vst v63  }
0x49: {  	(v2sf) =	vpush v8, $0x6;
	s23 =	sand.u32 $0x7F, s5  }
0x4a: {  	s29 =	sshra.s32 s5, $0x1F;
	p6 =	slt.s32 s5, $0x1;
	p5 =	sne.s32 s23, $0x0  }
0x4b: {  	s2 =	sshrl.u32 s29, $0x19;
	p0 =	por !p6, !p5  }
0x4c: {  	s1 =	sadd.s32 s2, s5;
	s2 =	simm.s32 $0x1;
	p0 =	por !p0, !p0  }
0x4d: {  	s1 =	sshrl.u32 s1, $0x7;
	s2 =	simm.s32 @!p0 $0x0  }
0x4e: {  	s30 =	spop (v2sf);
	s1 =	ssub.s32 s1, s2  }
0x4f: {  	s31 =	sand.u32 $0x7F, s30;
	s3 =	sshra.s32 s30, $0x1F;
	s1 =	sshll.u32 s1, $0x7  }
0x50: {  	(v2sf) =	vpush v8, $0x7;
	p2 =	slt.s32 s30, $0x1;
	p1 =	sne.s32 s31, $0x0;
	s1 =	sand.u32 $0x1FFFFF80, s1  }
0x51: {  	p0 =	por !p2, !p1;
	s2 =	sshrl.u32 s3, $0x19;
	s1 =	sadd.s32 s0, s1  }
0x52: {  	[tilespmem:s16], [sflag:$0x5] =	stream.strided.gather [hbm4b:s1+s11], $0x2000, s10, s11, $0x38;
	[tilespmem:$0x14200] =	vst v63  }
0x53: {  	p0 =	por !p0, !p0;
	s1 =	sadd.s32 s2, s30;
	s2 =	simm.s32 $0x1  }
0x54: {  	s1 =	sshrl.u32 s1, $0x7;
	s2 =	simm.s32 @!p0 $0x0  }
0x55: {  	s1 =	ssub.s32 s1, s2  }
0x56: {  	s1 =	sshll.u32 s1, $0x7  }
0x57: {  	s1 =	sand.u32 $0x1FFFFF80, s1  }
0x58: {  	s4 =	spop (v2sf);
	s1 =	sadd.s32 s0, s1  }
0x59: {  	[tilespmem:s17], [sflag:$0x6] =	stream.strided.gather [hbm4b:s1+s11], $0x2000, s10, s11, $0x38;
	[tilespmem:$0x14200] =	vst v63  }
0x5a: {  	s5 =	sand.u32 $0x7F, s4  }
0x5b: {  	s23 =	sshra.s32 s4, $0x1F;
	p4 =	slt.s32 s4, $0x1;
	p3 =	sne.s32 s5, $0x0  }
0x5c: {  	s1 =	sshrl.u32 s23, $0x19;
	p0 =	por !p4, !p3  }
0x5d: {  	s2 =	simm.s32 $0x1;
	s1 =	sadd.s32 s1, s4;
	p0 =	por !p0, !p0  }
0x5e: {  	s1 =	sshrl.u32 s1, $0x7;
	s2 =	simm.s32 @!p0 $0x0  }
0x5f: {  	s29 =	spop (v2sf);
	s1 =	ssub.s32 s1, s2  }
0x60: {  	s30 =	sand.u32 $0x7F, s29;
	s31 =	sshra.s32 s29, $0x1F;
	s1 =	sshll.u32 s1, $0x7  }
0x61: {  	p6 =	slt.s32 s29, $0x1;
	p5 =	sne.s32 s30, $0x0;
	s1 =	sand.u32 $0x1FFFFF80, s1  }
0x62: {  	p0 =	por !p6, !p5;
	s2 =	sshrl.u32 s31, $0x19;
	s1 =	sadd.s32 s0, s1  }
0x63: {  	[tilespmem:s18], [sflag:$0x7] =	stream.strided.gather [hbm4b:s1+s11], $0x2000, s10, s11, $0x38;
	[tilespmem:$0x14200] =	vst v63  }
0x64: {  	p0 =	por !p0, !p0;
	s1 =	sadd.s32 s2, s29;
	s2 =	simm.s32 $0x1  }
0x65: {  	s1 =	sshrl.u32 s1, $0x7;
	s2 =	simm.s32 @!p0 $0x0  }
0x66: {  	s1 =	ssub.s32 s1, s2  }
0x67: {  	s1 =	sshll.u32 s1, $0x7  }
0x68: {  	s1 =	sand.u32 $0x1FFFFF80, s1  }
0x69: {  	s3 =	simm.s32 $0x10;
	s2 =	simm.s32 $0x0;
	s1 =	sadd.s32 s0, s1  }
0x6a: {  	[tilespmem:s19], [sflag:$0x8] =	stream.strided.gather [hbm4b:s1+s11], $0x2000, s10, s11, $0x38;
	[tilespmem:$0x14200] =	vst v63  }
.LBB2_2:
0x6b: {  	v8 =	vld [tilespmem:s3+$0xFFFFFFF0];
	_ =	sdelay $0x3  }
0x6c: {  	_ =	swait.ge [sflag:s21], $0x2000  }
0x6d: {  	(v2sf) =	vpush v8, $0x0;
	_ =	sdelay $0xe  }
0x6e: {  	s1 =	spop (v2sf)  }
0x6f: {  	s1 =	sand.u32 $0x7F, s1  }
0x70: {  	s29 =	sand.u32 $0xF0, s2;
	v9 =	vor.u32 s1, v0  }
0x71: {  	v10 =	vmov s29  }
0x72: {  	v11 =	vshll.u32 v10, $0x3  }
0x73: {  	[sflag:s21] =	ssyncset.done $0x0;
	v10 =	vand.u32 $0x70, v10;
	v11 =	vand.u32 $0x400, v11  }
0x74: {  	[sflag:s21] =	ssyncadd.s32 $0xFFFFE000;
	v10 =	vor.u32 v10, v11;
	(v2sf) =	vpush v8, $0x8  }
0x75: {  	v11 =	vor.u32 v1, v10;
	v9 =	vld.idx.msk [tilespmem:v9+s12+$0x0], $0xffff  }
0x76: {  	v12 =	vor.u32 s1, v2;
	_ =	sdelay $0x3  }
0x77: {  	[tilespmem:v11+s20+$0x0] =	vst.idx.msk $0xffff, v9  }
0x78: {  	v28 =	vor.u32 v3, v10;
	v9 =	vld.idx.msk [tilespmem:v12+s12+$0x0], $0xffff  }
0x79: {  	v29 =	vor.u32 s1, v4;
	_ =	sdelay $0x3  }
0x7a: {  	[tilespmem:v28+s20+$0x0] =	vst.idx.msk $0xffff, v9  }
0x7b: {  	v30 =	vor.u32 v5, v10;
	v9 =	vld.idx.msk [tilespmem:v29+s12+$0x0], $0xffff  }
0x7c: {  	v31 =	vor.u32 s1, v6  }
0x7d: {  	s31 =	spop (v2sf)  }
0x7e: {  	s30 =	sand.u32 $0x7F, s31  }
0x7f: {  	s4 =	sshra.s32 s31, $0x1F;
	p0 =	slt.s32 s31, $0x1;
	p1 =	sne.s32 s30, $0x0  }
0x80: {  	s4 =	sshrl.u32 s4, $0x19;
	p0 =	por !p0, !p1;
	[tilespmem:v30+s20+$0x0] =	vst.idx.msk $0xffff, v9  }
0x81: {  	v10 =	vor.u32 v7, v10;
	s1 =	sadd.s32 s4, s31;
	s4 =	simm.s32 $0x1;
	p0 =	por !p0, !p0;
	v9 =	vld.idx.msk [tilespmem:v31+s12+$0x0], $0xffff  }
0x82: {  	s1 =	sshrl.u32 s1, $0x7;
	s4 =	simm.s32 @!p0 $0x0  }
0x83: {  	s1 =	ssub.s32 s1, s4  }
0x84: {  	s1 =	sshll.u32 s1, $0x7  }
0x85: {  	s1 =	sand.u32 $0x1FFFFF80, s1  }
0x86: {  	s1 =	sadd.s32 s0, s1;
	[tilespmem:v10+s20+$0x0] =	vst.idx.msk $0xffff, v9  }
0x87: {  	[tilespmem:s12], [sflag:$0x1] =	stream.strided.gather [hbm4b:s1+s11], $0x2000, s10, s11, $0x38;
	[tilespmem:$0x14200] =	vst v63  }
0x88: {  	_ =	swait.ge [sflag:s9], $0x2000  }
0x89: {  	(v2sf) =	vpush v8, $0x1;
	_ =	sdelay $0xe  }
0x8a: {  	s5 =	spop (v2sf)  }
0x8b: {  	s1 =	sand.u32 $0x7F, s5  }
0x8c: {  	s21 =	sor.u32 $0x1, s29;
	v32 =	vor.u32 s1, v0  }
0x8d: {  	v33 =	vmov s21  }
0x8e: {  	v34 =	vshll.u32 v33, $0x3  }
0x8f: {  	v11 =	vand.u32 $0x400, v34;
	v10 =	vand.u32 $0x71, v33;
	[sflag:s9] =	ssyncset.done $0x0  }
0x90: {  	v10 =	vor.u32 v10, v11;
	[sflag:s9] =	ssyncadd.s32 $0xFFFFE000;
	(v2sf) =	vpush v8, $0x9  }
0x91: {  	v11 =	vor.u32 v1, v10;
	v9 =	vld.idx.msk [tilespmem:v32+s13+$0x0], $0xffff  }
0x92: {  	v35 =	vor.u32 s1, v2;
	_ =	sdelay $0x3  }
0x93: {  	[tilespmem:v11+s20+$0x0] =	vst.idx.msk $0xffff, v9  }
0x94: {  	v36 =	vor.u32 v3, v10;
	v9 =	vld.idx.msk [tilespmem:v35+s13+$0x0], $0xffff  }
0x95: {  	v37 =	vor.u32 s1, v4;
	_ =	sdelay $0x3  }
0x96: {  	[tilespmem:v36+s20+$0x0] =	vst.idx.msk $0xffff, v9  }
0x97: {  	v38 =	vor.u32 v5, v10;
	v9 =	vld.idx.msk [tilespmem:v37+s13+$0x0], $0xffff  }
0x98: {  	v39 =	vor.u32 s1, v6  }
0x99: {  	s23 =	spop (v2sf)  }
0x9a: {  	s5 =	sand.u32 $0x7F, s23  }
0x9b: {  	s31 =	sshra.s32 s23, $0x1F;
	p5 =	slt.s32 s23, $0x1;
	p6 =	sne.s32 s5, $0x0  }
0x9c: {  	s4 =	sshrl.u32 s31, $0x19;
	p0 =	por !p5, !p6;
	[tilespmem:v38+s20+$0x0] =	vst.idx.msk $0xffff, v9  }
0x9d: {  	v10 =	vor.u32 v7, v10;
	s1 =	sadd.s32 s4, s23;
	s4 =	simm.s32 $0x1;
	p0 =	por !p0, !p0;
	v9 =	vld.idx.msk [tilespmem:v39+s13+$0x0], $0xffff  }
0x9e: {  	s1 =	sshrl.u32 s1, $0x7;
	s4 =	simm.s32 @!p0 $0x0  }
0x9f: {  	s1 =	ssub.s32 s1, s4  }
0xa0: {  	s1 =	sshll.u32 s1, $0x7  }
0xa1: {  	s1 =	sand.u32 $0x1FFFFF80, s1  }
0xa2: {  	s1 =	sadd.s32 s0, s1;
	[tilespmem:v10+s20+$0x0] =	vst.idx.msk $0xffff, v9  }
0xa3: {  	[tilespmem:s13], [sflag:$0x2] =	stream.strided.gather [hbm4b:s1+s11], $0x2000, s10, s11, $0x38;
	[tilespmem:$0x14200] =	vst v63  }
0xa4: {  	_ =	swait.ge [sflag:s6], $0x2000  }
0xa5: {  	(v2sf) =	vpush v8, $0x2;
	_ =	sdelay $0xe  }
0xa6: {  	s4 =	spop (v2sf)  }
0xa7: {  	s1 =	sand.u32 $0x7F, s4  }
0xa8: {  	s9 =	sor.u32 $0x2, s29;
	v40 =	vor.u32 s1, v0  }
0xa9: {  	v41 =	vmov s9  }
0xaa: {  	v42 =	vshll.u32 v41, $0x3  }
0xab: {  	v11 =	vand.u32 $0x400, v42;
	v10 =	vand.u32 $0x72, v41;
	[sflag:s6] =	ssyncset.done $0x0  }
0xac: {  	v10 =	vor.u32 v10, v11;
	[sflag:s6] =	ssyncadd.s32 $0xFFFFE000;
	(v2sf) =	vpush v8, $0xA  }
0xad: {  	v11 =	vor.u32 v1, v10;
	v9 =	vld.idx.msk [tilespmem:v40+s14+$0x0], $0xffff  }
0xae: {  	v43 =	vor.u32 s1, v2;
	_ =	sdelay $0x3  }
0xaf: {  	[tilespmem:v11+s20+$0x0] =	vst.idx.msk $0xffff, v9  }
0xb0: {  	v44 =	vor.u32 v3, v10;
	v9 =	vld.idx.msk [tilespmem:v43+s14+$0x0], $0xffff  }
0xb1: {  	v45 =	vor.u32 s1, v4;
	_ =	sdelay $0x3  }
0xb2: {  	[tilespmem:v44+s20+$0x0] =	vst.idx.msk $0xffff, v9  }
0xb3: {  	v46 =	vor.u32 v5, v10;
	v9 =	vld.idx.msk [tilespmem:v45+s14+$0x0], $0xffff  }
0xb4: {  	v47 =	vor.u32 s1, v6  }
0xb5: {  	s21 =	spop (v2sf)  }
0xb6: {  	s6 =	sand.u32 $0x7F, s21  }
0xb7: {  	s31 =	sshra.s32 s21, $0x1F;
	p1 =	slt.s32 s21, $0x1;
	p2 =	sne.s32 s6, $0x0  }
0xb8: {  	s4 =	sshrl.u32 s31, $0x19;
	p0 =	por !p1, !p2;
	[tilespmem:v46+s20+$0x0] =	vst.idx.msk $0xffff, v9  }
0xb9: {  	v10 =	vor.u32 v7, v10;
	s1 =	sadd.s32 s4, s21;
	s4 =	simm.s32 $0x1;
	p0 =	por !p0, !p0;
	v9 =	vld.idx.msk [tilespmem:v47+s14+$0x0], $0xffff  }
0xba: {  	s1 =	sshrl.u32 s1, $0x7;
	s4 =	simm.s32 @!p0 $0x0  }
0xbb: {  	s1 =	ssub.s32 s1, s4  }
0xbc: {  	s1 =	sshll.u32 s1, $0x7  }
0xbd: {  	s1 =	sand.u32 $0x1FFFFF80, s1  }
0xbe: {  	s1 =	sadd.s32 s0, s1;
	[tilespmem:v10+s20+$0x0] =	vst.idx.msk $0xffff, v9  }
0xbf: {  	[tilespmem:s14], [sflag:$0x3] =	stream.strided.gather [hbm4b:s1+s11], $0x2000, s10, s11, $0x38;
	[tilespmem:$0x14200] =	vst v63  }
0xc0: {  	_ =	swait.ge [sflag:s7], $0x2000  }
0xc1: {  	(v2sf) =	vpush v8, $0x3;
	_ =	sdelay $0xe  }
0xc2: {  	s21 =	spop (v2sf)  }
0xc3: {  	s1 =	sand.u32 $0x7F, s21  }
0xc4: {  	s31 =	sor.u32 $0x3, s29;
	v48 =	vor.u32 s1, v0  }
0xc5: {  	v49 =	vmov s31  }
0xc6: {  	v50 =	vshll.u32 v49, $0x3  }
0xc7: {  	v11 =	vand.u32 $0x400, v50;
	v10 =	vand.u32 $0x73, v49;
	[sflag:s7] =	ssyncset.done $0x0  }
0xc8: {  	v10 =	vor.u32 v10, v11;
	[sflag:s7] =	ssyncadd.s32 $0xFFFFE000;
	(v2sf) =	vpush v8, $0xB  }
0xc9: {  	v11 =	vor.u32 v1, v10;
	v9 =	vld.idx.msk [tilespmem:v48+s15+$0x0], $0xffff  }
0xca: {  	v51 =	vor.u32 s1, v2;
	_ =	sdelay $0x3  }
0xcb: {  	[tilespmem:v11+s20+$0x0] =	vst.idx.msk $0xffff, v9  }
0xcc: {  	v52 =	vor.u32 v3, v10;
	v9 =	vld.idx.msk [tilespmem:v51+s15+$0x0], $0xffff  }
0xcd: {  	v53 =	vor.u32 s1, v4;
	_ =	sdelay $0x3  }
0xce: {  	[tilespmem:v52+s20+$0x0] =	vst.idx.msk $0xffff, v9  }
0xcf: {  	v54 =	vor.u32 v5, v10;
	v9 =	vld.idx.msk [tilespmem:v53+s15+$0x0], $0xffff  }
0xd0: {  	v55 =	vor.u32 s1, v6  }
0xd1: {  	s21 =	spop (v2sf)  }
0xd2: {  	s7 =	sand.u32 $0x7F, s21  }
0xd3: {  	s31 =	sshra.s32 s21, $0x1F;
	p3 =	slt.s32 s21, $0x1;
	p4 =	sne.s32 s7, $0x0  }
0xd4: {  	s4 =	sshrl.u32 s31, $0x19;
	p0 =	por !p3, !p4;
	[tilespmem:v54+s20+$0x0] =	vst.idx.msk $0xffff, v9  }
0xd5: {  	v10 =	vor.u32 v7, v10;
	s1 =	sadd.s32 s4, s21;
	s4 =	simm.s32 $0x1;
	p0 =	por !p0, !p0;
	v9 =	vld.idx.msk [tilespmem:v55+s15+$0x0], $0xffff  }
0xd6: {  	s1 =	sshrl.u32 s1, $0x7;
	s4 =	simm.s32 @!p0 $0x0  }
0xd7: {  	s1 =	ssub.s32 s1, s4  }
0xd8: {  	s1 =	sshll.u32 s1, $0x7  }
0xd9: {  	s1 =	sand.u32 $0x1FFFFF80, s1  }
0xda: {  	s1 =	sadd.s32 s0, s1;
	[tilespmem:v10+s20+$0x0] =	vst.idx.msk $0xffff, v9  }
0xdb: {  	[tilespmem:s15], [sflag:$0x4] =	stream.strided.gather [hbm4b:s1+s11], $0x2000, s10, s11, $0x38;
	[tilespmem:$0x14200] =	vst v63  }
0xdc: {  	_ =	swait.ge [sflag:s8], $0x2000  }
0xdd: {  	(v2sf) =	vpush v8, $0x4;
	_ =	sdelay $0xe  }
0xde: {  	s21 =	spop (v2sf)  }
0xdf: {  	s1 =	sand.u32 $0x7F, s21  }
0xe0: {  	s31 =	sor.u32 $0x4, s29;
	v56 =	vor.u32 s1, v0  }
0xe1: {  	v57 =	vmov s31  }
0xe2: {  	v58 =	vshll.u32 v57, $0x3  }
0xe3: {  	v11 =	vand.u32 $0x400, v58;
	v10 =	vand.u32 $0x74, v57;
	[sflag:s8] =	ssyncset.done $0x0  }
0xe4: {  	v10 =	vor.u32 v10, v11;
	[sflag:s8] =	ssyncadd.s32 $0xFFFFE000;
	(v2sf) =	vpush v8, $0xC  }
0xe5: {  	v11 =	vor.u32 v1, v10;
	v9 =	vld.idx.msk [tilespmem:v56+s16+$0x0], $0xffff  }
0xe6: {  	v59 =	vor.u32 s1, v2;
	_ =	sdelay $0x3  }
0xe7: {  	[tilespmem:v11+s20+$0x0] =	vst.idx.msk $0xffff, v9  }
0xe8: {  	v60 =	vor.u32 v3, v10;
	v9 =	vld.idx.msk [tilespmem:v59+s16+$0x0], $0xffff  }
0xe9: {  	v61 =	vor.u32 s1, v4;
	_ =	sdelay $0x3  }
0xea: {  	[tilespmem:v60+s20+$0x0] =	vst.idx.msk $0xffff, v9  }
0xeb: {  	v62 =	vor.u32 v5, v10;
	v9 =	vld.idx.msk [tilespmem:v61+s16+$0x0], $0xffff  }
0xec: {  	v63 =	vor.u32 s1, v6  }
0xed: {  	s21 =	spop (v2sf)  }
0xee: {  	s8 =	sand.u32 $0x7F, s21  }
0xef: {  	s31 =	sshra.s32 s21, $0x1F;
	p5 =	slt.s32 s21, $0x1;
	p6 =	sne.s32 s8, $0x0  }
0xf0: {  	s4 =	sshrl.u32 s31, $0x19;
	p0 =	por !p5, !p6;
	[tilespmem:v62+s20+$0x0] =	vst.idx.msk $0xffff, v9  }
0xf1: {  	v10 =	vor.u32 v7, v10;
	s1 =	sadd.s32 s4, s21;
	s4 =	simm.s32 $0x1;
	p0 =	por !p0, !p0;
	v9 =	vld.idx.msk [tilespmem:v63+s16+$0x0], $0xffff  }
0xf2: {  	s1 =	sshrl.u32 s1, $0x7;
	s4 =	simm.s32 @!p0 $0x0  }
0xf3: {  	s1 =	ssub.s32 s1, s4  }
0xf4: {  	s1 =	sshll.u32 s1, $0x7  }
0xf5: {  	s1 =	sand.u32 $0x1FFFFF80, s1  }
0xf6: {  	s9 =	simm.s32 $0x6;
	s1 =	sadd.s32 s0, s1;
	[tilespmem:v10+s20+$0x0] =	vst.idx.msk $0xffff, v9  }
0xf7: {  	[tilespmem:s16], [sflag:$0x5] =	stream.strided.gather [hbm4b:s1+s11], $0x2000, s10, s11, $0x38;
	[tilespmem:$0x14200] =	vst v63  }
0xf8: {  	_ =	swait.ge [sflag:s9], $0x2000  }
0xf9: {  	(v2sf) =	vpush v8, $0x5;
	_ =	sdelay $0xe  }
0xfa: {  	s21 =	spop (v2sf)  }
0xfb: {  	s1 =	sand.u32 $0x7F, s21  }
0xfc: {  	s31 =	sor.u32 $0x5, s29;
	v15 =	vor.u32 s1, v0  }
0xfd: {  	v16 =	vmov s31  }
0xfe: {  	v17 =	vshll.u32 v16, $0x3  }
0xff: {  	v11 =	vand.u32 $0x400, v17;
	v10 =	vand.u32 $0x75, v16;
	[sflag:s9] =	ssyncset.done $0x0  }
0x100: {  	v10 =	vor.u32 v10, v11;
	[sflag:s9] =	ssyncadd.s32 $0xFFFFE000;
	(v2sf) =	vpush v8, $0xD  }
0x101: {  	v11 =	vor.u32 v1, v10;
	v9 =	vld.idx.msk [tilespmem:v15+s17+$0x0], $0xffff  }
0x102: {  	v18 =	vor.u32 s1, v2;
	_ =	sdelay $0x3  }
0x103: {  	[tilespmem:v11+s20+$0x0] =	vst.idx.msk $0xffff, v9  }
0x104: {  	v19 =	vor.u32 v3, v10;
	v9 =	vld.idx.msk [tilespmem:v18+s17+$0x0], $0xffff  }
0x105: {  	v20 =	vor.u32 s1, v4;
	_ =	sdelay $0x3  }
0x106: {  	[tilespmem:v19+s20+$0x0] =	vst.idx.msk $0xffff, v9  }
0x107: {  	v21 =	vor.u32 v5, v10;
	v9 =	vld.idx.msk [tilespmem:v20+s17+$0x0], $0xffff  }
0x108: {  	v22 =	vor.u32 s1, v6  }
0x109: {  	s9 =	spop (v2sf)  }
0x10a: {  	s31 =	sand.u32 $0x7F, s9  }
0x10b: {  	s21 =	sshra.s32 s9, $0x1F;
	p1 =	slt.s32 s9, $0x1;
	p2 =	sne.s32 s31, $0x0  }
0x10c: {  	s4 =	sshrl.u32 s21, $0x19;
	p0 =	por !p1, !p2;
	[tilespmem:v21+s20+$0x0] =	vst.idx.msk $0xffff, v9  }
0x10d: {  	v10 =	vor.u32 v7, v10;
	s1 =	sadd.s32 s4, s9;
	s4 =	simm.s32 $0x1;
	p0 =	por !p0, !p0;
	v9 =	vld.idx.msk [tilespmem:v22+s17+$0x0], $0xffff  }
0x10e: {  	s1 =	sshrl.u32 s1, $0x7;
	s4 =	simm.s32 @!p0 $0x0  }
0x10f: {  	s1 =	ssub.s32 s1, s4  }
0x110: {  	s1 =	sshll.u32 s1, $0x7  }
0x111: {  	s1 =	sand.u32 $0x1FFFFF80, s1  }
0x112: {  	s1 =	sadd.s32 s0, s1;
	[tilespmem:v10+s20+$0x0] =	vst.idx.msk $0xffff, v9  }
0x113: {  	[tilespmem:s17], [sflag:$0x6] =	stream.strided.gather [hbm4b:s1+s11], $0x2000, s10, s11, $0x38;
	[tilespmem:$0x14200] =	vst v63  }
0x114: {  	_ =	swait.ge [sflag:s26], $0x2000  }
0x115: {  	(v2sf) =	vpush v8, $0x6;
	_ =	sdelay $0xe  }
0x116: {  	s4 =	spop (v2sf)  }
0x117: {  	s1 =	sand.u32 $0x7F, s4  }
0x118: {  	s9 =	sor.u32 $0x6, s29;
	v23 =	vor.u32 s1, v0  }
0x119: {  	v24 =	vmov s9  }
0x11a: {  	v25 =	vshll.u32 v24, $0x3  }
0x11b: {  	v11 =	vand.u32 $0x400, v25;
	v10 =	vand.u32 $0x76, v24;
	[sflag:s26] =	ssyncset.done $0x0  }
0x11c: {  	v10 =	vor.u32 v10, v11;
	[sflag:s26] =	ssyncadd.s32 $0xFFFFE000;
	(v2sf) =	vpush v8, $0xE  }
0x11d: {  	v11 =	vor.u32 v1, v10;
	v9 =	vld.idx.msk [tilespmem:v23+s18+$0x0], $0xffff  }
0x11e: {  	v26 =	vor.u32 s1, v2;
	_ =	sdelay $0x3  }
0x11f: {  	[tilespmem:v11+s20+$0x0] =	vst.idx.msk $0xffff, v9  }
0x120: {  	v27 =	vor.u32 v3, v10;
	v9 =	vld.idx.msk [tilespmem:v26+s18+$0x0], $0xffff  }
0x121: {  	v28 =	vor.u32 s1, v4;
	_ =	sdelay $0x3  }
0x122: {  	[tilespmem:v27+s20+$0x0] =	vst.idx.msk $0xffff, v9  }
0x123: {  	v29 =	vor.u32 v5, v10;
	v9 =	vld.idx.msk [tilespmem:v28+s18+$0x0], $0xffff  }
0x124: {  	v30 =	vor.u32 s1, v6  }
0x125: {  	s4 =	spop (v2sf)  }
0x126: {  	s1 =	sand.u32 $0x7F, s4  }
0x127: {  	s21 =	sshra.s32 s4, $0x1F;
	p3 =	slt.s32 s4, $0x1;
	p4 =	sne.s32 s1, $0x0  }
0x128: {  	s9 =	sshrl.u32 s21, $0x19;
	p0 =	por !p3, !p4;
	[tilespmem:v29+s20+$0x0] =	vst.idx.msk $0xffff, v9  }
0x129: {  	v10 =	vor.u32 v7, v10;
	s4 =	sadd.s32 s9, s4;
	s9 =	simm.s32 $0x1;
	p0 =	por !p0, !p0;
	v9 =	vld.idx.msk [tilespmem:v30+s18+$0x0], $0xffff  }
0x12a: {  	s4 =	sshrl.u32 s4, $0x7;
	s9 =	simm.s32 @!p0 $0x0  }
0x12b: {  	s4 =	ssub.s32 s4, s9  }
0x12c: {  	s4 =	sshll.u32 s4, $0x7  }
0x12d: {  	s4 =	sand.u32 $0x1FFFFF80, s4  }
0x12e: {  	s4 =	sadd.s32 s0, s4;
	[tilespmem:v10+s20+$0x0] =	vst.idx.msk $0xffff, v9  }
0x12f: {  	[tilespmem:s18], [sflag:$0x7] =	stream.strided.gather [hbm4b:s4+s11], $0x2000, s10, s11, $0x38;
	[tilespmem:$0x14200] =	vst v63  }
0x130: {  	_ =	swait.ge [sflag:s28], $0x2000  }
0x131: {  	(v2sf) =	vpush v8, $0x7;
	_ =	sdelay $0xe  }
0x132: {  	s9 =	spop (v2sf)  }
0x133: {  	s4 =	sand.u32 $0x7F, s9  }
0x134: {  	s21 =	sor.u32 $0x7, s29;
	v31 =	vor.u32 s4, v0  }
0x135: {  	v32 =	vmov s21  }
0x136: {  	v33 =	vshll.u32 v32, $0x3  }
0x137: {  	v11 =	vand.u32 $0x400, v33;
	v10 =	vand.u32 $0x77, v32;
	[sflag:s28] =	ssyncset.done $0x0  }
0x138: {  	v10 =	vor.u32 v10, v11;
	[sflag:s28] =	ssyncadd.s32 $0xFFFFE000;
	(v2sf) =	vpush v8, $0xF  }
0x139: {  	v34 =	vor.u32 v1, v10;
	v8 =	vld.idx.msk [tilespmem:v31+s19+$0x0], $0xffff  }
0x13a: {  	v35 =	vor.u32 s4, v2;
	_ =	sdelay $0x3  }
0x13b: {  	[tilespmem:v34+s20+$0x0] =	vst.idx.msk $0xffff, v8  }
0x13c: {  	v36 =	vor.u32 v3, v10;
	v8 =	vld.idx.msk [tilespmem:v35+s19+$0x0], $0xffff  }
0x13d: {  	v37 =	vor.u32 s4, v4;
	_ =	sdelay $0x3  }
0x13e: {  	[tilespmem:v36+s20+$0x0] =	vst.idx.msk $0xffff, v8  }
0x13f: {  	v38 =	vor.u32 v5, v10;
	v8 =	vld.idx.msk [tilespmem:v37+s19+$0x0], $0xffff  }
0x140: {  	v39 =	vor.u32 s4, v6  }
0x141: {  	s9 =	spop (v2sf)  }
0x142: {  	s4 =	sand.u32 $0x7F, s9  }
0x143: {  	s21 =	sshra.s32 s9, $0x1F;
	p5 =	slt.s32 s9, $0x1;
	p6 =	sne.s32 s4, $0x0  }
0x144: {  	s21 =	sshrl.u32 s21, $0x19;
	p0 =	por !p5, !p6;
	[tilespmem:v38+s20+$0x0] =	vst.idx.msk $0xffff, v8  }
0x145: {  	v40 =	vor.u32 v7, v10;
	s9 =	sadd.s32 s21, s9;
	s21 =	simm.s32 $0x1;
	p0 =	por !p0, !p0;
	v8 =	vld.idx.msk [tilespmem:v39+s19+$0x0], $0xffff  }
0x146: {  	s9 =	sshrl.u32 s9, $0x7;
	s21 =	simm.s32 @!p0 $0x0  }
0x147: {  	s9 =	ssub.s32 s9, s21  }
0x148: {  	s9 =	sshll.u32 s9, $0x7  }
0x149: {  	s21 =	sor.u32 $0x8, s29;
	s9 =	sand.u32 $0x1FFFFF80, s9  }
0x14a: {  	v41 =	vmov s21;
	s21 =	simm.s32 $0x1;
	s9 =	sadd.s32 s0, s9;
	[tilespmem:v40+s20+$0x0] =	vst.idx.msk $0xffff, v8;
	v8 =	vor.u32 s30, v0  }
0x14b: {  	[tilespmem:s19], [sflag:$0x8] =	stream.strided.gather [hbm4b:s9+s11], $0x2000, s10, s11, $0x38;
	[tilespmem:$0x14200] =	vst v63  }
0x14c: {  	v42 =	vshll.u32 v41, $0x3;
	_ =	swait.ge [sflag:s21], $0x2000  }
0x14d: {  	v9 =	vand.u32 $0x78, v41;
	v10 =	vand.u32 $0x400, v42;
	[sflag:s21] =	ssyncset.done $0x0  }
0x14e: {  	v9 =	vor.u32 v9, v10;
	[sflag:s21] =	ssyncadd.s32 $0xFFFFE000  }
0x14f: {  	v10 =	vor.u32 v1, v9;
	v8 =	vld.idx.msk [tilespmem:v8+s12+$0x0], $0xffff  }
0x150: {  	v43 =	vor.u32 s30, v2;
	_ =	sdelay $0x3  }
0x151: {  	[tilespmem:v10+s20+$0x0] =	vst.idx.msk $0xffff, v8  }
0x152: {  	v44 =	vor.u32 v3, v9;
	v8 =	vld.idx.msk [tilespmem:v43+s12+$0x0], $0xffff  }
0x153: {  	v45 =	vor.u32 s30, v4;
	_ =	sdelay $0x3  }
0x154: {  	[tilespmem:v44+s20+$0x0] =	vst.idx.msk $0xffff, v8  }
0x155: {  	v46 =	vor.u32 v5, v9;
	v8 =	vld.idx.msk [tilespmem:v45+s12+$0x0], $0xffff  }
0x156: {  	v47 =	vor.u32 s30, v6;
	_ =	sdelay $0x3  }
0x157: {  	[tilespmem:v46+s20+$0x0] =	vst.idx.msk $0xffff, v8  }
0x158: {  	v9 =	vor.u32 v7, v9;
	v8 =	vld.idx.msk [tilespmem:v47+s12+$0x0], $0xffff;
	_ =	sdelay $0x3  }
0x159: {  	v48 =	vor.u32 s5, v0;
	s30 =	sor.u32 $0x9, s29  }
0x15a: {  	v49 =	vmov s30;
	s9 =	simm.s32 $0x2;
	[tilespmem:v9+s20+$0x0] =	vst.idx.msk $0xffff, v8  }
0x15b: {  	v8 =	vshll.u32 v49, $0x3;
	_ =	swait.ge [sflag:s9], $0x2000  }
0x15c: {  	v50 =	vand.u32 $0x79, v49;
	v8 =	vand.u32 $0x400, v8;
	[sflag:s9] =	ssyncset.done $0x0  }
0x15d: {  	v8 =	vor.u32 v50, v8;
	[sflag:s9] =	ssyncadd.s32 $0xFFFFE000  }
0x15e: {  	v52 =	vor.u32 v1, v8;
	v51 =	vld.idx.msk [tilespmem:v48+s13+$0x0], $0xffff  }
0x15f: {  	v53 =	vor.u32 s5, v2;
	_ =	sdelay $0x3  }
0x160: {  	[tilespmem:v52+s20+$0x0] =	vst.idx.msk $0xffff, v51  }
0x161: {  	v54 =	vor.u32 v3, v8;
	v9 =	vld.idx.msk [tilespmem:v53+s13+$0x0], $0xffff  }
0x162: {  	v55 =	vor.u32 s5, v4;
	_ =	sdelay $0x3  }
0x163: {  	[tilespmem:v54+s20+$0x0] =	vst.idx.msk $0xffff, v9  }
0x164: {  	v56 =	vor.u32 v5, v8;
	v9 =	vld.idx.msk [tilespmem:v55+s13+$0x0], $0xffff  }
0x165: {  	v57 =	vor.u32 s5, v6;
	_ =	sdelay $0x3  }
0x166: {  	[tilespmem:v56+s20+$0x0] =	vst.idx.msk $0xffff, v9  }
0x167: {  	v8 =	vor.u32 v7, v8;
	v9 =	vld.idx.msk [tilespmem:v57+s13+$0x0], $0xffff;
	_ =	sdelay $0x3  }
0x168: {  	v58 =	vor.u32 s6, v0;
	s30 =	sor.u32 $0xA, s29  }
0x169: {  	s23 =	simm.s32 $0x3;
	v59 =	vmov s30;
	[tilespmem:v8+s20+$0x0] =	vst.idx.msk $0xffff, v9  }
0x16a: {  	v8 =	vshll.u32 v59, $0x3;
	_ =	swait.ge [sflag:s23], $0x2000  }
0x16b: {  	v60 =	vand.u32 $0x7A, v59;
	v8 =	vand.u32 $0x400, v8;
	[sflag:s23] =	ssyncset.done $0x0  }
0x16c: {  	v8 =	vor.u32 v60, v8;
	[sflag:s23] =	ssyncadd.s32 $0xFFFFE000  }
0x16d: {  	v62 =	vor.u32 v1, v8;
	v61 =	vld.idx.msk [tilespmem:v58+s14+$0x0], $0xffff  }
0x16e: {  	v63 =	vor.u32 s6, v2;
	_ =	sdelay $0x3  }
0x16f: {  	[tilespmem:v62+s20+$0x0] =	vst.idx.msk $0xffff, v61  }
0x170: {  	v12 =	vor.u32 v3, v8;
	v9 =	vld.idx.msk [tilespmem:v63+s14+$0x0], $0xffff  }
0x171: {  	v13 =	vor.u32 s6, v4;
	_ =	sdelay $0x3  }
0x172: {  	[tilespmem:v12+s20+$0x0] =	vst.idx.msk $0xffff, v9  }
0x173: {  	v14 =	vor.u32 v5, v8;
	v9 =	vld.idx.msk [tilespmem:v13+s14+$0x0], $0xffff  }
0x174: {  	v15 =	vor.u32 s6, v6;
	_ =	sdelay $0x3  }
0x175: {  	[tilespmem:v14+s20+$0x0] =	vst.idx.msk $0xffff, v9  }
0x176: {  	v8 =	vor.u32 v7, v8;
	v9 =	vld.idx.msk [tilespmem:v15+s14+$0x0], $0xffff;
	_ =	sdelay $0x3  }
0x177: {  	v16 =	vor.u32 s7, v0;
	s6 =	sor.u32 $0xB, s29  }
0x178: {  	v17 =	vmov s6;
	[tilespmem:v8+s20+$0x0] =	vst.idx.msk $0xffff, v9  }
0x179: {  	v8 =	vshll.u32 v17, $0x3;
	_ =	swait.ge [sflag:s24], $0x2000  }
0x17a: {  	v18 =	vand.u32 $0x7B, v17;
	v8 =	vand.u32 $0x400, v8;
	[sflag:s24] =	ssyncset.done $0x0  }
0x17b: {  	v8 =	vor.u32 v18, v8;
	[sflag:s24] =	ssyncadd.s32 $0xFFFFE000  }
0x17c: {  	v20 =	vor.u32 v1, v8;
	v19 =	vld.idx.msk [tilespmem:v16+s15+$0x0], $0xffff  }
0x17d: {  	v21 =	vor.u32 s7, v2;
	_ =	sdelay $0x3  }
0x17e: {  	[tilespmem:v20+s20+$0x0] =	vst.idx.msk $0xffff, v19  }
0x17f: {  	v22 =	vor.u32 v3, v8;
	v9 =	vld.idx.msk [tilespmem:v21+s15+$0x0], $0xffff  }
0x180: {  	v23 =	vor.u32 s7, v4;
	_ =	sdelay $0x3  }
0x181: {  	[tilespmem:v22+s20+$0x0] =	vst.idx.msk $0xffff, v9  }
0x182: {  	v24 =	vor.u32 v5, v8;
	v9 =	vld.idx.msk [tilespmem:v23+s15+$0x0], $0xffff  }
0x183: {  	v25 =	vor.u32 s7, v6;
	_ =	sdelay $0x3  }
0x184: {  	[tilespmem:v24+s20+$0x0] =	vst.idx.msk $0xffff, v9  }
0x185: {  	v8 =	vor.u32 v7, v8;
	v9 =	vld.idx.msk [tilespmem:v25+s15+$0x0], $0xffff;
	_ =	sdelay $0x3  }
0x186: {  	v26 =	vor.u32 s8, v0;
	s30 =	sor.u32 $0xC, s29  }
0x187: {  	v27 =	vmov s30;
	[tilespmem:v8+s20+$0x0] =	vst.idx.msk $0xffff, v9  }
0x188: {  	v8 =	vshll.u32 v27, $0x3;
	_ =	swait.ge [sflag:s25], $0x2000  }
0x189: {  	v28 =	vand.u32 $0x7C, v27;
	v8 =	vand.u32 $0x400, v8;
	[sflag:s25] =	ssyncset.done $0x0  }
0x18a: {  	v8 =	vor.u32 v28, v8;
	[sflag:s25] =	ssyncadd.s32 $0xFFFFE000  }
0x18b: {  	v30 =	vor.u32 v1, v8;
	v29 =	vld.idx.msk [tilespmem:v26+s16+$0x0], $0xffff  }
0x18c: {  	v31 =	vor.u32 s8, v2;
	_ =	sdelay $0x3  }
0x18d: {  	[tilespmem:v30+s20+$0x0] =	vst.idx.msk $0xffff, v29  }
0x18e: {  	v32 =	vor.u32 v3, v8;
	v9 =	vld.idx.msk [tilespmem:v31+s16+$0x0], $0xffff  }
0x18f: {  	v33 =	vor.u32 s8, v4;
	_ =	sdelay $0x3  }
0x190: {  	[tilespmem:v32+s20+$0x0] =	vst.idx.msk $0xffff, v9  }
0x191: {  	v34 =	vor.u32 v5, v8;
	v9 =	vld.idx.msk [tilespmem:v33+s16+$0x0], $0xffff  }
0x192: {  	v35 =	vor.u32 s8, v6;
	_ =	sdelay $0x3  }
0x193: {  	[tilespmem:v34+s20+$0x0] =	vst.idx.msk $0xffff, v9  }
0x194: {  	v8 =	vor.u32 v7, v8;
	v9 =	vld.idx.msk [tilespmem:v35+s16+$0x0], $0xffff;
	_ =	sdelay $0x3  }
0x195: {  	s6 =	sor.u32 $0xD, s29;
	v36 =	vor.u32 s31, v0  }
0x196: {  	v37 =	vmov s6;
	s23 =	simm.s32 $0x6;
	[tilespmem:v8+s20+$0x0] =	vst.idx.msk $0xffff, v9  }
0x197: {  	v8 =	vshll.u32 v37, $0x3;
	_ =	swait.ge [sflag:s23], $0x2000  }
0x198: {  	v38 =	vand.u32 $0x7D, v37;
	v8 =	vand.u32 $0x400, v8;
	[sflag:s23] =	ssyncset.done $0x0  }
0x199: {  	v8 =	vor.u32 v38, v8;
	[sflag:s23] =	ssyncadd.s32 $0xFFFFE000  }
0x19a: {  	v40 =	vor.u32 v1, v8;
	v39 =	vld.idx.msk [tilespmem:v36+s17+$0x0], $0xffff  }
0x19b: {  	v41 =	vor.u32 s31, v2;
	_ =	sdelay $0x3  }
0x19c: {  	[tilespmem:v40+s20+$0x0] =	vst.idx.msk $0xffff, v39  }
0x19d: {  	v42 =	vor.u32 v3, v8;
	v9 =	vld.idx.msk [tilespmem:v41+s17+$0x0], $0xffff  }
0x19e: {  	v43 =	vor.u32 s31, v4;
	_ =	sdelay $0x3  }
0x19f: {  	[tilespmem:v42+s20+$0x0] =	vst.idx.msk $0xffff, v9  }
0x1a0: {  	v44 =	vor.u32 v5, v8;
	v9 =	vld.idx.msk [tilespmem:v43+s17+$0x0], $0xffff  }
0x1a1: {  	v45 =	vor.u32 s31, v6;
	_ =	sdelay $0x3  }
0x1a2: {  	[tilespmem:v44+s20+$0x0] =	vst.idx.msk $0xffff, v9  }
0x1a3: {  	v8 =	vor.u32 v7, v8;
	v9 =	vld.idx.msk [tilespmem:v45+s17+$0x0], $0xffff;
	_ =	sdelay $0x3  }
0x1a4: {  	s30 =	sor.u32 $0xE, s29;
	v46 =	vor.u32 s1, v0  }
0x1a5: {  	[tilespmem:v8+s20+$0x0] =	vst.idx.msk $0xffff, v9;
	v8 =	vmov s30  }
0x1a6: {  	_ =	swait.ge [sflag:s26], $0x2000;
	v47 =	vshll.u32 v8, $0x3  }
0x1a7: {  	v8 =	vand.u32 $0x7E, v8;
	[sflag:s26] =	ssyncset.done $0x0;
	v9 =	vand.u32 $0x400, v47  }
0x1a8: {  	[sflag:s26] =	ssyncadd.s32 $0xFFFFE000;
	v8 =	vor.u32 v8, v9  }
0x1a9: {  	v48 =	vld.idx.msk [tilespmem:v46+s18+$0x0], $0xffff;
	v49 =	vor.u32 v1, v8  }
0x1aa: {  	v50 =	vor.u32 s1, v2;
	_ =	sdelay $0x3  }
0x1ab: {  	[tilespmem:v49+s20+$0x0] =	vst.idx.msk $0xffff, v48  }
0x1ac: {  	v51 =	vor.u32 v3, v8;
	v9 =	vld.idx.msk [tilespmem:v50+s18+$0x0], $0xffff  }
0x1ad: {  	v52 =	vor.u32 s1, v4;
	_ =	sdelay $0x3  }
0x1ae: {  	[tilespmem:v51+s20+$0x0] =	vst.idx.msk $0xffff, v9  }
0x1af: {  	v53 =	vor.u32 v5, v8;
	v9 =	vld.idx.msk [tilespmem:v52+s18+$0x0], $0xffff  }
0x1b0: {  	v54 =	vor.u32 s1, v6;
	_ =	sdelay $0x3  }
0x1b1: {  	[tilespmem:v53+s20+$0x0] =	vst.idx.msk $0xffff, v9  }
0x1b2: {  	v8 =	vor.u32 v7, v8;
	v9 =	vld.idx.msk [tilespmem:v54+s18+$0x0], $0xffff;
	_ =	sdelay $0x3  }
0x1b3: {  	s31 =	sor.u32 $0xF, s29;
	v55 =	vor.u32 s4, v0  }
0x1b4: {  	[tilespmem:v8+s20+$0x0] =	vst.idx.msk $0xffff, v9;
	v8 =	vmov s31  }
0x1b5: {  	_ =	swait.ge [sflag:s28], $0x2000;
	v56 =	vshll.u32 v8, $0x3  }
0x1b6: {  	v8 =	vand.u32 $0x7F, v8;
	[sflag:s28] =	ssyncset.done $0x0;
	v9 =	vand.u32 $0x400, v56  }
0x1b7: {  	[sflag:s28] =	ssyncadd.s32 $0xFFFFE000;
	v8 =	vor.u32 v8, v9  }
0x1b8: {  	v57 =	vld.idx.msk [tilespmem:v55+s19+$0x0], $0xffff;
	v58 =	vor.u32 v1, v8  }
0x1b9: {  	v59 =	vor.u32 s4, v2;
	_ =	sdelay $0x3  }
0x1ba: {  	[tilespmem:v58+s20+$0x0] =	vst.idx.msk $0xffff, v57  }
0x1bb: {  	v60 =	vor.u32 v3, v8;
	v9 =	vld.idx.msk [tilespmem:v59+s19+$0x0], $0xffff  }
0x1bc: {  	v61 =	vor.u32 s4, v4;
	_ =	sdelay $0x3  }
0x1bd: {  	[tilespmem:v60+s20+$0x0] =	vst.idx.msk $0xffff, v9  }
0x1be: {  	v62 =	vor.u32 v5, v8;
	v9 =	vld.idx.msk [tilespmem:v61+s19+$0x0], $0xffff  }
0x1bf: {  	v63 =	vor.u32 s4, v6;
	_ =	sdelay $0x3  }
0x1c0: {  	[tilespmem:v62+s20+$0x0] =	vst.idx.msk $0xffff, v9  }
0x1c1: {  	v8 =	vor.u32 v7, v8;
	v9 =	vld.idx.msk [tilespmem:v63+s19+$0x0], $0xffff;
	_ =	sdelay $0x4  }
0x1c2: {  	p0 =	sne.s32 s2, $0x1F0;
	[tilespmem:v8+s20+$0x0] =	vst.idx.msk $0xffff, v9  }
0x1c3: {  	v8 =	vld @p0 [tilespmem:s3+$0x0];
	_ =	sdelay $0x4  }
0x1c4: {  	(v2sf) =	vpush @p0 v8, $0x0;
	_ =	sdelay $0xb  }
0x1c5: {  	(v2sf) =	vpush @p0 v8, $0x1;
	_ =	sdelay $0x2  }
0x1c6: {  	s1 =	spop @p0 (v2sf)  }
0x1c7: {  	s4 =	sand.u32 @p0 $0x7F, s1  }
0x1c8: {  	p1 =	slt.s32 @p0 s1, $0x1;
	p2 =	sne.s32 @p0 s4, $0x0  }
0x1c9: {  	s4 =	sshra.s32 @p0 s1, $0x1F;
	p1 =	por @p0 !p1, !p2  }
0x1ca: {  	s4 =	sshrl.u32 @p0 s4, $0x19;
	p1 =	por @p0 !p1, !p1  }
0x1cb: {  	s1 =	sadd.s32 @p0 s4, s1;
	s4 =	simm.s32 @p0 $0x1;
	p1 =	por !p1, !p0  }
0x1cc: {  	s1 =	sshrl.u32 @p0 s1, $0x7;
	s4 =	simm.s32 @p1 $0x0  }
0x1cd: {  	s1 =	ssub.s32 @p0 s1, s4  }
0x1ce: {  	s1 =	sshll.u32 @p0 s1, $0x7  }
0x1cf: {  	s6 =	simm.s32 @p0 $0x200;
	(v2sf) =	vpush @p0 v8, $0x2;
	s1 =	sand.u32 @p0 $0x1FFFFF80, s1  }
0x1d0: {  	s4 =	simm.s32 @p0 $0x7A1400;
	s5 =	sadd.s32 @p0 s0, s1;
	s1 =	simm.s32 @p0 $0x400  }
0x1d1: {  	[tilespmem:s6], [sflag:$0x1] =	stream.strided.gather @p0 [hbm4b:s5+s1], $0x2000, s4, s1, $0x38;
	[tilespmem:$0x14200] =	vst v63  }
0x1d2: {  	s5 =	spop @p0 (v2sf)  }
0x1d3: {  	s6 =	sand.u32 @p0 $0x7F, s5  }
0x1d4: {  	p1 =	slt.s32 @p0 s5, $0x1;
	p2 =	sne.s32 @p0 s6, $0x0  }
0x1d5: {  	s6 =	sshra.s32 @p0 s5, $0x1F;
	p1 =	por @p0 !p1, !p2  }
0x1d6: {  	s6 =	sshrl.u32 @p0 s6, $0x19;
	p1 =	por @p0 !p1, !p1  }
0x1d7: {  	s5 =	sadd.s32 @p0 s6, s5;
	s6 =	simm.s32 @p0 $0x1;
	p1 =	por !p1, !p0  }
0x1d8: {  	s5 =	sshrl.u32 @p0 s5, $0x7;
	s6 =	simm.s32 @p1 $0x0  }
0x1d9: {  	s5 =	ssub.s32 @p0 s5, s6  }
0x1da: {  	s5 =	sshll.u32 @p0 s5, $0x7  }
0x1db: {  	(v2sf) =	vpush @p0 v8, $0x3;
	s5 =	sand.u32 @p0 $0x1FFFFF80, s5  }
0x1dc: {  	s6 =	simm.s32 @p0 $0x2200;
	s5 =	sadd.s32 @p0 s0, s5  }
0x1dd: {  	[tilespmem:s6], [sflag:$0x2] =	stream.strided.gather @p0 [hbm4b:s5+s1], $0x2000, s4, s1, $0x38;
	[tilespmem:$0x14200] =	vst v63  }
0x1de: {  	s5 =	spop @p0 (v2sf)  }
0x1df: {  	s6 =	sand.u32 @p0 $0x7F, s5  }
0x1e0: {  	p1 =	slt.s32 @p0 s5, $0x1;
	p2 =	sne.s32 @p0 s6, $0x0  }
0x1e1: {  	s6 =	sshra.s32 @p0 s5, $0x1F;
	p1 =	por @p0 !p1, !p2  }
0x1e2: {  	s6 =	sshrl.u32 @p0 s6, $0x19;
	p1 =	por @p0 !p1, !p1  }
0x1e3: {  	s5 =	sadd.s32 @p0 s6, s5;
	s6 =	simm.s32 @p0 $0x1;
	p1 =	por !p1, !p0  }
0x1e4: {  	s5 =	sshrl.u32 @p0 s5, $0x7;
	s6 =	simm.s32 @p1 $0x0  }
0x1e5: {  	s5 =	ssub.s32 @p0 s5, s6  }
0x1e6: {  	s5 =	sshll.u32 @p0 s5, $0x7  }
0x1e7: {  	(v2sf) =	vpush @p0 v8, $0x4;
	s5 =	sand.u32 @p0 $0x1FFFFF80, s5  }
0x1e8: {  	s6 =	simm.s32 @p0 $0x4200;
	s5 =	sadd.s32 @p0 s0, s5  }
0x1e9: {  	[tilespmem:s6], [sflag:$0x3] =	stream.strided.gather @p0 [hbm4b:s5+s1], $0x2000, s4, s1, $0x38;
	[tilespmem:$0x14200] =	vst v63  }
0x1ea: {  	s5 =	spop @p0 (v2sf)  }
0x1eb: {  	s6 =	sand.u32 @p0 $0x7F, s5  }
0x1ec: {  	p1 =	slt.s32 @p0 s5, $0x1;
	p2 =	sne.s32 @p0 s6, $0x0  }
0x1ed: {  	s6 =	sshra.s32 @p0 s5, $0x1F;
	p1 =	por @p0 !p1, !p2  }
0x1ee: {  	s6 =	sshrl.u32 @p0 s6, $0x19;
	p1 =	por @p0 !p1, !p1  }
0x1ef: {  	s5 =	sadd.s32 @p0 s6, s5;
	s6 =	simm.s32 @p0 $0x1;
	p1 =	por !p1, !p0  }
0x1f0: {  	s5 =	sshrl.u32 @p0 s5, $0x7;
	s6 =	simm.s32 @p1 $0x0  }
0x1f1: {  	s5 =	ssub.s32 @p0 s5, s6  }
0x1f2: {  	s5 =	sshll.u32 @p0 s5, $0x7  }
0x1f3: {  	(v2sf) =	vpush @p0 v8, $0x5;
	s5 =	sand.u32 @p0 $0x1FFFFF80, s5  }
0x1f4: {  	s6 =	simm.s32 @p0 $0x6200;
	s5 =	sadd.s32 @p0 s0, s5  }
0x1f5: {  	[tilespmem:s6], [sflag:$0x4] =	stream.strided.gather @p0 [hbm4b:s5+s1], $0x2000, s4, s1, $0x38;
	[tilespmem:$0x14200] =	vst v63  }
0x1f6: {  	s5 =	spop @p0 (v2sf)  }
0x1f7: {  	s6 =	sand.u32 @p0 $0x7F, s5  }
0x1f8: {  	p1 =	slt.s32 @p0 s5, $0x1;
	p2 =	sne.s32 @p0 s6, $0x0  }
0x1f9: {  	s6 =	sshra.s32 @p0 s5, $0x1F;
	p1 =	por @p0 !p1, !p2  }
0x1fa: {  	s6 =	sshrl.u32 @p0 s6, $0x19;
	p1 =	por @p0 !p1, !p1  }
0x1fb: {  	s5 =	sadd.s32 @p0 s6, s5;
	s6 =	simm.s32 @p0 $0x1;
	p1 =	por !p1, !p0  }
0x1fc: {  	s5 =	sshrl.u32 @p0 s5, $0x7;
	s6 =	simm.s32 @p1 $0x0  }
0x1fd: {  	s5 =	ssub.s32 @p0 s5, s6  }
0x1fe: {  	s5 =	sshll.u32 @p0 s5, $0x7  }
0x1ff: {  	(v2sf) =	vpush @p0 v8, $0x6;
	s5 =	sand.u32 @p0 $0x1FFFFF80, s5  }
0x200: {  	s6 =	simm.s32 @p0 $0x8200;
	s5 =	sadd.s32 @p0 s0, s5  }
0x201: {  	[tilespmem:s6], [sflag:$0x5] =	stream.strided.gather @p0 [hbm4b:s5+s1], $0x2000, s4, s1, $0x38;
	[tilespmem:$0x14200] =	vst v63  }
0x202: {  	s5 =	spop @p0 (v2sf)  }
0x203: {  	s6 =	sand.u32 @p0 $0x7F, s5  }
0x204: {  	p1 =	slt.s32 @p0 s5, $0x1;
	p2 =	sne.s32 @p0 s6, $0x0  }
0x205: {  	s6 =	sshra.s32 @p0 s5, $0x1F;
	p1 =	por @p0 !p1, !p2  }
0x206: {  	s6 =	sshrl.u32 @p0 s6, $0x19;
	p1 =	por @p0 !p1, !p1  }
0x207: {  	s5 =	sadd.s32 @p0 s6, s5;
	s6 =	simm.s32 @p0 $0x1;
	p1 =	por !p1, !p0  }
0x208: {  	s5 =	sshrl.u32 @p0 s5, $0x7;
	s6 =	simm.s32 @p1 $0x0  }
0x209: {  	s5 =	ssub.s32 @p0 s5, s6  }
0x20a: {  	s5 =	sshll.u32 @p0 s5, $0x7  }
0x20b: {  	(v2sf) =	vpush @p0 v8, $0x7;
	s5 =	sand.u32 @p0 $0x1FFFFF80, s5  }
0x20c: {  	s6 =	simm.s32 @p0 $0xA200;
	s5 =	sadd.s32 @p0 s0, s5  }
0x20d: {  	[tilespmem:s6], [sflag:$0x6] =	stream.strided.gather @p0 [hbm4b:s5+s1], $0x2000, s4, s1, $0x38;
	[tilespmem:$0x14200] =	vst v63  }
0x20e: {  	s5 =	spop @p0 (v2sf)  }
0x20f: {  	s6 =	sand.u32 @p0 $0x7F, s5  }
0x210: {  	p1 =	slt.s32 @p0 s5, $0x1;
	p2 =	sne.s32 @p0 s6, $0x0  }
0x211: {  	s6 =	sshra.s32 @p0 s5, $0x1F;
	p1 =	por @p0 !p1, !p2  }
0x212: {  	s6 =	sshrl.u32 @p0 s6, $0x19;
	p1 =	por @p0 !p1, !p1  }
0x213: {  	s5 =	sadd.s32 @p0 s6, s5;
	s6 =	simm.s32 @p0 $0x1;
	p1 =	por !p1, !p0  }
0x214: {  	s5 =	sshrl.u32 @p0 s5, $0x7;
	s6 =	simm.s32 @p1 $0x0  }
0x215: {  	s5 =	ssub.s32 @p0 s5, s6  }
0x216: {  	s5 =	sshll.u32 @p0 s5, $0x7  }
0x217: {  	s5 =	sand.u32 @p0 $0x1FFFFF80, s5  }
0x218: {  	s6 =	simm.s32 @p0 $0xC200;
	s5 =	sadd.s32 @p0 s0, s5  }
0x219: {  	[tilespmem:s6], [sflag:$0x7] =	stream.strided.gather @p0 [hbm4b:s5+s1], $0x2000, s4, s1, $0x38;
	[tilespmem:$0x14200] =	vst v63  }
0x21a: {  	s5 =	spop @p0 (v2sf)  }
0x21b: {  	s6 =	sand.u32 @p0 $0x7F, s5  }
0x21c: {  	p1 =	slt.s32 @p0 s5, $0x1;
	p2 =	sne.s32 @p0 s6, $0x0  }
0x21d: {  	s6 =	sshra.s32 @p0 s5, $0x1F;
	p1 =	por @p0 !p1, !p2  }
0x21e: {  	s6 =	sshrl.u32 @p0 s6, $0x19;
	p1 =	por @p0 !p1, !p1  }
0x21f: {  	s5 =	sadd.s32 @p0 s6, s5;
	s6 =	simm.s32 @p0 $0x1;
	p1 =	por !p1, !p0  }
0x220: {  	s5 =	sshrl.u32 @p0 s5, $0x7;
	s6 =	simm.s32 @p1 $0x0  }
0x221: {  	s5 =	ssub.s32 @p0 s5, s6  }
0x222: {  	p1 =	sne.s32 @p0 s2, $0xF0;
	s2 =	sadd.s32 @p0 $0x10, s2;
	s5 =	sshll.u32 @p0 s5, $0x7  }
0x223: {  	s6 =	simm.s32 @p0 $0xE200;
	p2 =	sne.s32 @p0 s2, $0x200;
	s5 =	sand.u32 @p0 $0x1FFFFF80, s5  }
0x224: {  	p1 =	por p1, !p0;
	p2 =	por !p0, !p2;
	s5 =	sadd.s32 @p0 s0, s5  }
0x225: {  	[tilespmem:s6], [sflag:$0x8] =	stream.strided.gather @p0 [hbm4b:s5+s1], $0x2000, s4, s1, $0x38;
	[tilespmem:$0x14200] =	vst v63  }
0x226: {  	s1 =	simm.s32 @!p1 $0x800;
	s4 =	simm.s32 @!p1 $0x20000;
	s5 =	simm.s32 @!p1 $0x10200  }
0x227: {  	[hbm4b:s22+s1] =	stream.strided.scatter @!p1 [tilespmem:s5], [sflag:$0xA], $0x4000, s4, s1, $0x38;
	[tilespmem:$0x14200] =	vst v63  }
.Ltmp0:
0x228: {  	_ = 	snop;
	(pc) =	sbr.rel @!p2 .LBB2_2-.Ltmp0, $4  }
0x229: {  	s1 =	simm.s32 @!p1 $0xA  }
0x22a: {  	_ =	swait.ge @!p1 [sflag:s1], $0x4000  }
0x22b: {  	s7 =	simm.s32 $0x4;
	s8 =	simm.s32 $0x5;
	[sflag:s1] =	ssyncset.done @!p1 $0x0  }
0x22c: {  	s3 =	sadd.s32 @p0 $0x10, s3;
	s6 =	simm.s32 $0x3;
	[sflag:s1] =	ssyncadd.s32 @!p1 $0xFFFFC000  }
0x22d: {  	s1 =	rddreg [dreg:$0x5]  }
0x22e: {  	s2 =	simm.s32 $0x800;
	s3 =	simm.s32 $0x20000;
	s29 =	simm.s32 $0xA  }
0x22f: {  	[hbm4b:s1+s2] =	stream.strided.scatter [tilespmem:s20], [sflag:$0xA], $0x4000, s3, s2, $0x38;
	[tilespmem:$0x14200] =	vst v63  }
0x230: {  	_ =	swait.ge [sflag:s29], $0x4000  }
0x231: {  	s30 =	rddreg [dreg:$0x7]  }
0x232: {  	s31 =	rddreg [dreg:$0x6];
	s3 =	sadd.s32 $0x1, s30  }
0x233: {  	p0 =	sne.s32 s3, s31  }
.Ltmp1:
0x234: {  	_ = 	snop;
	(pc) =	sbr.rel @p0 .LBB2_1-.Ltmp1, $3  }
0x235: {  	_ =	sdelay $0x1  }
0x236: {  	[sflag:s29] =	ssyncset.done $0x0  }
0x237: {  	[sflag:s29] =	ssyncadd.s32 $0xFFFFC000  }
0x238: {  	_ =	sfence.sel $0x180000  }
0x239: {  	[bflag:$0x0] =	sbarrier.arrive $0xFFFF  }
0x23a: {  	_ =	strace $0x90000047  }
0x23b: {  	s0 =	stileid.u32;
	[bflag:$0x2] =	sbarrier.arrive $0xFFFF  }
0x23c: {  	p0 =	sne.s32 s0, $0x0;
	s0 =	rddreg [dreg:$0x3]  }
0x23d: {  	s0 =	sadd.s32 @!p0 $0x100000, s0  }
0x23e: {  	[sflag:s0] =	ssyncadd.tile.s32 @!p0 $0x1;
	_ =	shalt  }
.Lfunc_end2:
_tile_overlayer_lowered:
.L_overlay_start_2:
0x23f: {  	(tag) =	ssettag $0x2  }
0x240: {  	s0 =	rddreg [dreg:$0x0];
	s2 =	stileid.u32  }
0x241: {  	s1 =	rddreg [dreg:$0x1];
	p0 =	sne.s32 s2, $0x0  }
0x242: {  	s3 =	rddreg [dreg:$0x2];
	[bflag:$0x3] =	sbarrier.arrive $0xFFFF;
	s2 =	simm.s32 @!p0 $0x1C0A  }
0x243: {  	[timem:s3], [sflag:s2] =	dma.local @!p0 [hbm:s0], s1  }
0x244: {  	s0 =	simm.s32 @!p0 $0xA  }
0x245: {  	_ =	swait.ge @!p0 [sflag:s0], s1  }
0x246: {  	s1 =	ssub.s32 @!p0 $0x0, s1;
	[sflag:s0] =	ssyncset.done @!p0 $0x0  }
0x247: {  	[sflag:s0] =	ssyncadd.s32 @!p0 s1  }
0x248: {  	[bflag:$0x3] =	sbarrier.arrive $0xFFFF  }
0x249: {  	_ =	shalt  }

</sc_bundles>
